<compile_context>
chip_gen: v7x
topology: tpu7x:2x2x1
jax: 0.10.2.dev20260603
libtpu: 0.0.44.dev20260713+nightly
codegen_flags: <defaults>
</compile_context>

<pallas_src>
import functools
import numpy as np
import jax
import jax.numpy as jnp
from jax import lax
from jax.experimental import pallas as pl
from jax.experimental.pallas import tpu as pltpu
from jax.experimental.pallas import tpu_sc as plsc

_SMOOTHING = 0.1
_CONF = 1.0 - _SMOOTHING
_VB = 4096

_NC, _NS, _L = 2, 16, 16
_NW = _NC * _NS
_NSC = 0
_UN = 10


def _chunks(V):
    step = 16 * _UN
    ch = 25600
    out = []
    off = 0
    while off < V:
        ln = min(ch, V - off)
        assert ln % step == 0, (off, ln)
        out.append((off, ln))
        off += ln
    return out


def _tc_body(x_ref, t_ref, acc_ref, *, V, Vb, fill, conf, C, nj):
    j = pl.program_id(0)
    xb = x_ref[...]
    t = t_ref[...]
    mf = (t != 0).astype(jnp.float32)
    col = j * Vb + lax.broadcasted_iota(jnp.int32, xb.shape, 1)
    xt = jnp.sum(jnp.where((col == t) & (t != 0), xb, 0.0))

    @pl.when(j == 0)
    def _init():
        corr = fill * jnp.sum(mf * xb[:, 0:1]) + C * jnp.sum(mf)
        acc_ref[...] = corr.reshape(1, 1)

    @pl.when(j < nj - 1)
    def _main():
        rs = jnp.sum(xb, axis=1, keepdims=True)
        part = -fill * jnp.sum(rs * mf) + (fill - conf) * xt
        acc_ref[...] += part.reshape(1, 1)

    @pl.when(j == nj - 1)
    def _tail():
        rs = jnp.sum(jnp.where(col < V, xb, 0.0), axis=1, keepdims=True)
        part = -fill * jnp.sum(rs * mf) + (fill - conf) * xt
        acc_ref[...] += part.reshape(1, 1)


def _tc_sum(x, t2d, ntc):
    N, V = x.shape
    fill = _SMOOTHING / (V - 2)
    C = float(fill * np.log(fill) * (V - 2) + _CONF * np.log(_CONF))
    nj = (V + _VB - 1) // _VB
    body = functools.partial(
        _tc_body, V=V, Vb=_VB, fill=fill, conf=_CONF, C=C, nj=nj)
    return pl.pallas_call(
        body,
        grid=(nj,),
        in_specs=[
            pl.BlockSpec((ntc, _VB), lambda j: (0, j)),
            pl.BlockSpec((ntc, 1), lambda j: (0, 0)),
        ],
        out_specs=pl.BlockSpec((1, 1), lambda j: (0, 0)),
        out_shape=jax.ShapeDtypeStruct((1, 1), jnp.float32),
    )(x, t2d)


def _sc_rows(x, tgt, base0, nsc):
    N, V = x.shape
    fill = _SMOOTHING / (V - 2)
    C = float(fill * np.log(fill) * (V - 2) + _CONF * np.log(_CONF))
    rpw = nsc // _NW
    chunks = _chunks(V)
    ncb = len(chunks)
    mesh = plsc.VectorSubcoreMesh(core_axis_name="c", subcore_axis_name="s")

    assert rpw % _L == 0, "whole lane-groups of rows per worker"
    ngrp = rpw // _L

    @functools.partial(
        pl.kernel,
        out_type=jax.ShapeDtypeStruct((_NW, _L), jnp.float32),
        mesh=mesh,
        scratch_types=[
            pltpu.VMEM((rpw,), jnp.int32),
            pltpu.VMEM((rpw * _L,), jnp.float32),
            pltpu.VMEM((_L,), jnp.float32),
        ]
        + [pltpu.VMEM((ln,), jnp.float32) for _, ln in chunks]
        + [pltpu.SemaphoreType.DMA] * ncb,
        compiler_params=pltpu.CompilerParams(
            needs_layout_passes=False, use_tc_tiling_on_sc=True),
    )
    def sc_kern(x_hbm, t_hbm, out_hbm, t_v, st_v, ps_v, *bufs_sems):
        bufs = bufs_sems[:ncb]
        sems = bufs_sems[ncb:ncb + ncb]
        wid = lax.axis_index("s") * _NC + lax.axis_index("c")
        base = base0 + wid * rpw
        pltpu.sync_copy(t_hbm.at[pl.ds(base, rpw)], t_v)
        lanes = lax.iota(jnp.int32, _L)
        zeros_i = jnp.zeros((_L,), jnp.int32)

        def seg_sum(buf, ln, acc):
            def body(ii, a):
                b = ii * (16 * _UN)
                for u in range(_UN):
                    a = a + buf[pl.ds(b + u * 16, 16)]
                return a
            return lax.fori_loop(0, ln // (16 * _UN), body, acc)

        cps = {}
        for c, (off, ln) in enumerate(chunks):
            cps[(0, c)] = pltpu.async_copy(
                x_hbm.at[base, pl.ds(off, ln)], bufs[c], sems[c])

        zeros_f = jnp.zeros((_L,), jnp.float32)
        out = zeros_f
        for g in range(ngrp):
            tvec = t_v[pl.ds(g * _L, _L)]

            def row_body(l, carry, _g=g, _tvec=tvec):
                x016, xt16 = carry
                r = _g * _L + l
                acc = jnp.zeros((_L,), jnp.float32)
                for c, (off, ln) in enumerate(chunks):
                    pltpu.make_async_copy(
                        x_hbm.at[base, pl.ds(off, ln)], bufs[c],
                        sems[c]).wait()
                    if c == 0:
                        cand0 = plsc.load_gather(bufs[0], [zeros_i])
                        x016 = jnp.where(lanes == l, cand0, x016)
                    d = jnp.minimum(jnp.maximum(_tvec - off, 0), ln - 1)
                    cand = plsc.load_gather(bufs[c], [d])
                    hit = (lanes == l) & (_tvec >= off) & (_tvec < off + ln)
                    xt16 = jnp.where(hit, cand, xt16)
                    acc = seg_sum(bufs[c], ln, acc)

                    @pl.when(r + 1 < rpw)
                    def _next():
                        pltpu.async_copy(
                            x_hbm.at[base + r + 1, pl.ds(off, ln)],
                            bufs[c], sems[c])

                st_v[pl.ds(r * _L, _L)] = acc
                return (x016, xt16)

            x016, xt16 = lax.fori_loop(
                0, _L, row_body, (zeros_f, zeros_f))

            rs16 = jnp.zeros((_L,), jnp.float32)
            for jcol in range(_L):
                rs16 = rs16 + plsc.load_gather(
                    st_v, [(g * _L + lanes) * _L + jcol])
            m16 = jnp.where(tvec != 0, 1.0, 0.0)
            out = out + m16 * (C - fill * (rs16 - x016 - xt16)
                               - _CONF * xt16)
        ps_v[...] = out
        pltpu.sync_copy(ps_v, out_hbm.at[wid])

    return sc_kern(x, tgt)


_NQ = 12
_MVB = 1024


def _tcm_body(x_hbm, t_ref, o_ref, *scr, V, N, fill, conf, C):
    bufs = scr[:_NQ]
    sems = scr[_NQ:2 * _NQ]
    tbuf = scr[2 * _NQ]
    tsem = scr[2 * _NQ + 1]
    njf = V // _MVB
    tail_off = njf * _MVB
    tail_w = V - tail_off

    t = t_ref[...]
    mf = (t != 0).astype(jnp.float32)

    def dma(j, q):
        return pltpu.make_async_copy(
            x_hbm.at[pl.ds(0, N), pl.ds(j * _MVB, _MVB)], bufs[q], sems[q])

    pltpu.make_async_copy(
        x_hbm.at[pl.ds(0, N), pl.ds(tail_off, tail_w)], tbuf, tsem).start()
    for q in range(_NQ):
        dma(q, q).start()

    def proc(jv, xb, tot):
        col = jv * _MVB + lax.broadcasted_iota(jnp.int32, (N, _MVB), 1)
        rs = jnp.sum(xb, axis=1, keepdims=True)
        tot = tot - fill * jnp.sum(rs * mf)
        return tot + (fill - conf) * jnp.sum(
            jnp.where((col == t) & (t != 0), xb, 0.0))

    tot = jnp.float32(0.0)
    for q in range(_NQ):
        dma(q, q).wait()
        xb = bufs[q][...]
        if q == 0:
            tot = tot + fill * jnp.sum(mf * xb[:, 0:1]) + C * jnp.sum(mf)
        tot = proc(q, xb, tot)
        dma(q + _NQ, q).start()

    nsuper = (njf - _NQ - 1) // _NQ

    def sstep(s, tot):
        for q in range(_NQ):
            jv = _NQ + s * _NQ + q
            dma(jv, q).wait()
            tot = proc(jv, bufs[q][...], tot)

            @pl.when(jv + _NQ <= njf - 1)
            def _next():
                dma(jv + _NQ, q).start()
        return tot

    tot = lax.fori_loop(0, nsuper, sstep, tot)
    qlast = (njf - 1) % _NQ
    dma(njf - 1, qlast).wait()
    tot = proc(njf - 1, bufs[qlast][...], tot)

    pltpu.make_async_copy(
        x_hbm.at[pl.ds(0, N), pl.ds(tail_off, tail_w)], tbuf, tsem).wait()
    xbt = tbuf[...]
    colt = tail_off + lax.broadcasted_iota(jnp.int32, (N, tail_w), 1)
    rs = jnp.sum(xbt, axis=1, keepdims=True)
    tot = tot - fill * jnp.sum(rs * mf)
    tot = tot + (fill - conf) * jnp.sum(
        jnp.where((colt == t) & (t != 0), xbt, 0.0))
    o_ref[...] = tot.reshape(1, 1)


def _tc_manual(x, t2d, ntc):
    _, V = x.shape
    N = ntc
    fill = _SMOOTHING / (V - 2)
    C = float(fill * np.log(fill) * (V - 2) + _CONF * np.log(_CONF))
    tail_w = V - (V // _MVB) * _MVB
    body = functools.partial(_tcm_body, V=V, N=N, fill=fill, conf=_CONF, C=C)
    return pl.pallas_call(
        body,
        in_specs=[
            pl.BlockSpec(memory_space=pl.ANY),
            pl.BlockSpec(memory_space=pltpu.VMEM),
        ],
        out_specs=pl.BlockSpec(memory_space=pltpu.VMEM),
        out_shape=jax.ShapeDtypeStruct((1, 1), jnp.float32),
        scratch_shapes=(
            [pltpu.VMEM((N, _MVB), jnp.float32) for _ in range(_NQ)]
            + [pltpu.SemaphoreType.DMA for _ in range(_NQ)]
            + [pltpu.VMEM((N, tail_w), jnp.float32),
               pltpu.SemaphoreType.DMA]
        ),
    )(x, t2d)


def _combine_body(p_ref, o_ref):
    o_ref[...] = jnp.sum(p_ref[...]).reshape(1, 1)


def _tc_combine(parts):
    out = pl.pallas_call(
        _combine_body,
        out_shape=jax.ShapeDtypeStruct((1, 1), jnp.float32),
    )(parts)
    return out[0, 0]


def kernel(x, target):
    N, V = x.shape
    ntc = N - 512
    tgt = target.astype(jnp.int32)
    sc_parts = _sc_rows(x, tgt, ntc, 512)
    acc = _tc_manual(x, tgt[:ntc].reshape(ntc, 1), ntc)
    return acc[0, 0] + jnp.sum(sc_parts)

# --- scband reference (transcript-rebuilt; emitter-appended) ---
"""Pipeline reference for scband-label-smoothing-73718818668619 (READ-ONLY COPY).

The authoritative reference and input builder live on the scoring server;
editing this copy changes nothing except your own understanding.
"""

import jax, jax.numpy as jnp
import numpy as np

SMOOTHING = 0.1
CONFIDENCE = 1.0 - SMOOTHING
PADDING_IDX = 0

def setup_inputs(seed: int = 0) -> dict:
    key = jax.random.key(seed)
    k1, k2 = jax.random.split(key)
    N, V = 1024, 100000
    # x plays the role of log-probabilities fed to KLDivLoss
    x = jax.random.normal(k1, (N, V), dtype=jnp.float32)
    target = jax.random.randint(k2, (N,), 0, V, dtype=jnp.int64)
    return {"x": x, "target": target}

def reference(x, target):
    N, V = x.shape
    fill_val = SMOOTHING / (V - 2)
    # true_dist = x.clone().fill_(smoothing/(V-2))
    true_dist = jnp.full((N, V), fill_val, dtype=x.dtype)
    # scatter_(1, target.unsqueeze(1), confidence)
    true_dist = true_dist.at[jnp.arange(N), target].set(CONFIDENCE)
    # true_dist[:, padding_idx] = 0
    true_dist = true_dist.at[:, PADDING_IDX].set(0.0)
    # index_fill_ rows where target == padding_idx with 0
    pad_mask = (target == PADDING_IDX)
    true_dist = jnp.where(pad_mask[:, None], 0.0, true_dist)
    # KLDivLoss(reduction='sum'): sum over t * (log t - x), with 0*log(0) = 0
    kl = jnp.where(true_dist > 0, true_dist * (jnp.log(jnp.where(true_dist > 0, true_dist, 1.0)) - x), 0.0)
    return jnp.sum(kl)

if __name__ == "__main__":
    import jax
    _d = setup_inputs()
    print(jax.jit(kernel)(*tuple(_d.values())))

</pallas_src>

<mosaic_0001>
#map = affine_map<(d0, d1) -> (0, 0)>
#map1 = affine_map<(d0, d1) -> (0)>
module attributes {stable_mosaic.version = 14 : i64} {
  func.func @sc_kern(%arg0: i32, %arg1: i32, %arg2: memref<1024x100000xf32, #tpu.memory_space<hbm>>, %arg3: memref<1024xi32, #tpu.memory_space<hbm>>, %arg4: memref<32x16xf32, #tpu.memory_space<hbm>>, %arg5: memref<16xi32, #tpu.memory_space<vmem>>, %arg6: memref<256xf32, #tpu.memory_space<vmem>>, %arg7: memref<16xf32, #tpu.memory_space<vmem>>, %arg8: memref<25600xf32, #tpu.memory_space<vmem>>, %arg9: memref<25600xf32, #tpu.memory_space<vmem>>, %arg10: memref<25600xf32, #tpu.memory_space<vmem>>, %arg11: memref<23200xf32, #tpu.memory_space<vmem>>, %arg12: memref<!tpu.dma_semaphore, #tpu.memory_space<semaphore_mem>>, %arg13: memref<!tpu.dma_semaphore, #tpu.memory_space<semaphore_mem>>, %arg14: memref<!tpu.dma_semaphore, #tpu.memory_space<semaphore_mem>>, %arg15: memref<!tpu.dma_semaphore, #tpu.memory_space<semaphore_mem>>) attributes {dimension_semantics = [#tpu.dimension_semantics<core_parallel>, #tpu.dimension_semantics<subcore_parallel>], iteration_bounds = array<i64: 2, 16>, scalar_prefetch = 0 : i64, scratch_operands = 11 : i64, tpu.core_type = #tpu.core_type<sc_vector_subcore>, window_params = [{transform_indices = #map}, {transform_indices = #map1}, {transform_indices = #map}]} {
    %mul3A = arith.constant 2 : i32
    %mul3A_0 = arith.muli %arg1, %mul3A : i32
    %add3A = arith.addi %mul3A_0, %arg0 : i32
    %mul3A_1 = arith.constant 16 : i32
    %mul3A_2 = arith.muli %add3A, %mul3A_1 : i32
    %add3A_3 = arith.constant 512 : i32
    %add3A_4 = arith.addi %add3A_3, %mul3A_2 : i32
    "tpu.region"() ({
      %run_scoped3A = tpu.sem_alloc : memref<!tpu.dma_semaphore, #tpu.memory_space<semaphore_mem>>
      %dma_start3A_233 = tpu.memref_slice %arg3[%add3A_4] : memref<1024xi32, #tpu.memory_space<hbm>> -> memref<16xi32, #tpu.memory_space<hbm>>
      %dma_start3A_234 = tpu.memref_slice %arg3[%add3A_4] : memref<1024xi32, #tpu.memory_space<hbm>> -> memref<16xi32, #tpu.memory_space<hbm>>
      tpu.enqueue_dma source(%dma_start3A_234 : memref<16xi32, #tpu.memory_space<hbm>>) target(%arg5 : memref<16xi32, #tpu.memory_space<vmem>>) target_semaphore(%run_scoped3A : memref<!tpu.dma_semaphore, #tpu.memory_space<semaphore_mem>>)
      %dma_wait3A = tpu.memref_slice %arg3[%add3A_4] : memref<1024xi32, #tpu.memory_space<hbm>> -> memref<16xi32, #tpu.memory_space<hbm>>
      %dma_wait3A_235 = tpu.memref_slice %arg3[%add3A_4] : memref<1024xi32, #tpu.memory_space<hbm>> -> memref<16xi32, #tpu.memory_space<hbm>>
      tpu.wait_dma2 semaphore(%run_scoped3A : memref<!tpu.dma_semaphore, #tpu.memory_space<semaphore_mem>>) src(%dma_wait3A_235 : memref<16xi32, #tpu.memory_space<hbm>>) dst(%arg5 : memref<16xi32, #tpu.memory_space<vmem>>)
      tpu.yield
    }) : () -> ()
    %iota3A = tpu.iota {dimensions = array<i32: 0>} : vector<16xi32>
    %broadcast_in_dim3A = arith.constant 0 : i32
    %broadcast_in_dim3A_5 = vector.broadcast %broadcast_in_dim3A : i32 to vector<16xi32>
    %dma_start3A = arith.constant 0 : i32
    %dma_start3A_6 = tpu.memref_slice %arg2[%add3A_4, %dma_start3A] : memref<1024x100000xf32, #tpu.memory_space<hbm>> -> memref<1x25600xf32, #tpu.memory_space<hbm>>
    %dma_start3A_7 = tpu.memref_squeeze %dma_start3A_6 : memref<1x25600xf32, #tpu.memory_space<hbm>> -> memref<25600xf32, #tpu.memory_space<hbm>>
    %dma_start3A_8 = arith.constant 0 : i32
    %dma_start3A_9 = tpu.memref_slice %arg2[%add3A_4, %dma_start3A_8] : memref<1024x100000xf32, #tpu.memory_space<hbm>> -> memref<1x25600xf32, #tpu.memory_space<hbm>>
    %dma_start3A_10 = tpu.memref_squeeze %dma_start3A_9 : memref<1x25600xf32, #tpu.memory_space<hbm>> -> memref<25600xf32, #tpu.memory_space<hbm>>
    tpu.enqueue_dma source(%dma_start3A_10 : memref<25600xf32, #tpu.memory_space<hbm>>) target(%arg8 : memref<25600xf32, #tpu.memory_space<vmem>>) target_semaphore(%arg12 : memref<!tpu.dma_semaphore, #tpu.memory_space<semaphore_mem>>)
    %dma_start3A_11 = arith.constant 25600 : i32
    %dma_start3A_12 = tpu.memref_slice %arg2[%add3A_4, %dma_start3A_11] : memref<1024x100000xf32, #tpu.memory_space<hbm>> -> memref<1x25600xf32, #tpu.memory_space<hbm>>
    %dma_start3A_13 = tpu.memref_squeeze %dma_start3A_12 : memref<1x25600xf32, #tpu.memory_space<hbm>> -> memref<25600xf32, #tpu.memory_space<hbm>>
    %dma_start3A_14 = arith.constant 25600 : i32
    %dma_start3A_15 = tpu.memref_slice %arg2[%add3A_4, %dma_start3A_14] : memref<1024x100000xf32, #tpu.memory_space<hbm>> -> memref<1x25600xf32, #tpu.memory_space<hbm>>
    %dma_start3A_16 = tpu.memref_squeeze %dma_start3A_15 : memref<1x25600xf32, #tpu.memory_space<hbm>> -> memref<25600xf32, #tpu.memory_space<hbm>>
    tpu.enqueue_dma source(%dma_start3A_16 : memref<25600xf32, #tpu.memory_space<hbm>>) target(%arg9 : memref<25600xf32, #tpu.memory_space<vmem>>) target_semaphore(%arg13 : memref<!tpu.dma_semaphore, #tpu.memory_space<semaphore_mem>>)
    %dma_start3A_17 = arith.constant 51200 : i32
    %dma_start3A_18 = tpu.memref_slice %arg2[%add3A_4, %dma_start3A_17] : memref<1024x100000xf32, #tpu.memory_space<hbm>> -> memref<1x25600xf32, #tpu.memory_space<hbm>>
    %dma_start3A_19 = tpu.memref_squeeze %dma_start3A_18 : memref<1x25600xf32, #tpu.memory_space<hbm>> -> memref<25600xf32, #tpu.memory_space<hbm>>
    %dma_start3A_20 = arith.constant 51200 : i32
    %dma_start3A_21 = tpu.memref_slice %arg2[%add3A_4, %dma_start3A_20] : memref<1024x100000xf32, #tpu.memory_space<hbm>> -> memref<1x25600xf32, #tpu.memory_space<hbm>>
    %dma_start3A_22 = tpu.memref_squeeze %dma_start3A_21 : memref<1x25600xf32, #tpu.memory_space<hbm>> -> memref<25600xf32, #tpu.memory_space<hbm>>
    tpu.enqueue_dma source(%dma_start3A_22 : memref<25600xf32, #tpu.memory_space<hbm>>) target(%arg10 : memref<25600xf32, #tpu.memory_space<vmem>>) target_semaphore(%arg14 : memref<!tpu.dma_semaphore, #tpu.memory_space<semaphore_mem>>)
    %dma_start3A_23 = arith.constant 76800 : i32
    %dma_start3A_24 = tpu.memref_slice %arg2[%add3A_4, %dma_start3A_23] : memref<1024x100000xf32, #tpu.memory_space<hbm>> -> memref<1x23200xf32, #tpu.memory_space<hbm>>
    %dma_start3A_25 = tpu.memref_squeeze %dma_start3A_24 : memref<1x23200xf32, #tpu.memory_space<hbm>> -> memref<23200xf32, #tpu.memory_space<hbm>>
    %dma_start3A_26 = arith.constant 76800 : i32
    %dma_start3A_27 = tpu.memref_slice %arg2[%add3A_4, %dma_start3A_26] : memref<1024x100000xf32, #tpu.memory_space<hbm>> -> memref<1x23200xf32, #tpu.memory_space<hbm>>
    %dma_start3A_28 = tpu.memref_squeeze %dma_start3A_27 : memref<1x23200xf32, #tpu.memory_space<hbm>> -> memref<23200xf32, #tpu.memory_space<hbm>>
    tpu.enqueue_dma source(%dma_start3A_28 : memref<23200xf32, #tpu.memory_space<hbm>>) target(%arg11 : memref<23200xf32, #tpu.memory_space<vmem>>) target_semaphore(%arg15 : memref<!tpu.dma_semaphore, #tpu.memory_space<semaphore_mem>>)
    %broadcast_in_dim3A_29 = arith.constant 0.000000e+00 : f32
    %broadcast_in_dim3A_30 = vector.broadcast %broadcast_in_dim3A_29 : f32 to vector<16xf32>
    %get3A = arith.constant 0 : index
    %get3A_31 = tpu.vector_load %arg5[%get3A] {strides = array<i32>} : memref<16xi32, #tpu.memory_space<vmem>>, vector<16xi32>,
    %scan3A = arith.constant 0 : i32
    %scan3A_32 = arith.constant 16 : i32
    %scan3A_33 = arith.addi %scan3A, %scan3A_32 : i32
    %scan3A_34 = arith.constant 1 : i32
    %scan3A_35:2 = scf.for %scan3A_233 = %scan3A to %scan3A_33 step %scan3A_34 iter_args(%scan3A_234 = %broadcast_in_dim3A_30, %scan3A_235 = %broadcast_in_dim3A_30) -> (vector<16xf32>, vector<16xf32>)  : i32 {
      %add3A_236 = arith.constant 0 : i32
      %add3A_237 = arith.addi %add3A_236, %scan3A_233 : i32
      %broadcast_in_dim3A_238 = arith.constant 0.000000e+00 : f32
      %broadcast_in_dim3A_239 = vector.broadcast %broadcast_in_dim3A_238 : f32 to vector<16xf32>
      %dma_wait3A = arith.constant 0 : i32
      %dma_wait3A_240 = tpu.memref_slice %arg2[%add3A_4, %dma_wait3A] : memref<1024x100000xf32, #tpu.memory_space<hbm>> -> memref<1x25600xf32, #tpu.memory_space<hbm>>
      %dma_wait3A_241 = tpu.memref_squeeze %dma_wait3A_240 : memref<1x25600xf32, #tpu.memory_space<hbm>> -> memref<25600xf32, #tpu.memory_space<hbm>>
      %dma_wait3A_242 = arith.constant 0 : i32
      %dma_wait3A_243 = tpu.memref_slice %arg2[%add3A_4, %dma_wait3A_242] : memref<1024x100000xf32, #tpu.memory_space<hbm>> -> memref<1x25600xf32, #tpu.memory_space<hbm>>
      %dma_wait3A_244 = tpu.memref_squeeze %dma_wait3A_243 : memref<1x25600xf32, #tpu.memory_space<hbm>> -> memref<25600xf32, #tpu.memory_space<hbm>>
      tpu.wait_dma2 semaphore(%arg12 : memref<!tpu.dma_semaphore, #tpu.memory_space<semaphore_mem>>) src(%dma_wait3A_244 : memref<25600xf32, #tpu.memory_space<hbm>>) dst(%arg8 : memref<25600xf32, #tpu.memory_space<vmem>>)
      %gather3A_245 = tpu.vector_load_idx %arg8[%broadcast_in_dim3A_5] : memref<25600xf32, #tpu.memory_space<vmem>>[vector<16xi32>], vector<16xf32>,
      %eq3A = vector.broadcast %scan3A_233 : i32 to vector<16xi32>
      %eq3A_246 = arith.cmpi eq, %iota3A, %eq3A : vector<16xi32>
      %select_n3A_247 = arith.select %eq3A_246, %gather3A_245, %scan3A_234 : vector<16xi1>, vector<16xf32>
      %sub3A_248 = arith.constant 0 : i32
      %sub3A_249 = vector.broadcast %sub3A_248 : i32 to vector<16xi32>
      %sub3A_250 = arith.subi %get3A_31, %sub3A_249 : vector<16xi32>
      %max3A = arith.constant 0 : i32
      %max3A_251 = vector.broadcast %max3A : i32 to vector<16xi32>
      %max3A_252 = arith.maxsi %sub3A_250, %max3A_251 : vector<16xi32>
      %min3A = arith.constant 25599 : i32
      %min3A_253 = vector.broadcast %min3A : i32 to vector<16xi32>
      %min3A_254 = arith.minsi %max3A_252, %min3A_253 : vector<16xi32>
      %gather3A_255 = tpu.vector_load_idx %arg8[%min3A_254] : memref<25600xf32, #tpu.memory_space<vmem>>[vector<16xi32>], vector<16xf32>,
      %eq3A_256 = vector.broadcast %scan3A_233 : i32 to vector<16xi32>
      %eq3A_257 = arith.cmpi eq, %iota3A, %eq3A_256 : vector<16xi32>
      %ge3A = arith.constant 0 : i32
      %ge3A_258 = vector.broadcast %ge3A : i32 to vector<16xi32>
      %ge3A_259 = arith.cmpi sge, %get3A_31, %ge3A_258 : vector<16xi32>
      %and3A = arith.andi %eq3A_257, %ge3A_259 : vector<16xi1>
      %lt3A = arith.constant 25600 : i32
      %lt3A_260 = vector.broadcast %lt3A : i32 to vector<16xi32>
      %lt3A_261 = arith.cmpi slt, %get3A_31, %lt3A_260 : vector<16xi32>
      %and3A_262 = arith.andi %and3A, %lt3A_261 : vector<16xi1>
      %select_n3A_263 = arith.select %and3A_262, %gather3A_255, %scan3A_235 : vector<16xi1>, vector<16xf32>
      %scan3A_264 = arith.constant 0 : i32
      %scan3A_265 = arith.constant 160 : i32
      %scan3A_266 = arith.addi %scan3A_264, %scan3A_265 : i32
      %scan3A_267 = arith.constant 1 : i32
      %scan3A_268 = scf.for %scan3A_399 = %scan3A_264 to %scan3A_266 step %scan3A_267 iter_args(%scan3A_400 = %broadcast_in_dim3A_239) -> (vector<16xf32>)  : i32 {
        %mul3A_401 = arith.constant 160 : i32
        %mul3A_402 = arith.muli %scan3A_399, %mul3A_401 : i32
        %add3A_403 = arith.constant 0 : i32
        %add3A_404 = arith.addi %mul3A_402, %add3A_403 : i32
        %get3A_405 = arith.index_cast %add3A_404 : i32 to index
        %get3A_406 = tpu.vector_load %arg8[%get3A_405] {strides = array<i32>} : memref<25600xf32, #tpu.memory_space<vmem>>, vector<16xf32>,
        %add3A_407 = arith.addf %scan3A_400, %get3A_406 : vector<16xf32>
        %add3A_408 = arith.constant 16 : i32
        %add3A_409 = arith.addi %mul3A_402, %add3A_408 : i32
        %get3A_410 = arith.index_cast %add3A_409 : i32 to index
        %get3A_411 = tpu.vector_load %arg8[%get3A_410] {strides = array<i32>} : memref<25600xf32, #tpu.memory_space<vmem>>, vector<16xf32>,
        %add3A_412 = arith.addf %add3A_407, %get3A_411 : vector<16xf32>
        %add3A_413 = arith.constant 32 : i32
        %add3A_414 = arith.addi %mul3A_402, %add3A_413 : i32
        %get3A_415 = arith.index_cast %add3A_414 : i32 to index
        %get3A_416 = tpu.vector_load %arg8[%get3A_415] {strides = array<i32>} : memref<25600xf32, #tpu.memory_space<vmem>>, vector<16xf32>,
        %add3A_417 = arith.addf %add3A_412, %get3A_416 : vector<16xf32>
        %add3A_418 = arith.constant 48 : i32
        %add3A_419 = arith.addi %mul3A_402, %add3A_418 : i32
        %get3A_420 = arith.index_cast %add3A_419 : i32 to index
        %get3A_421 = tpu.vector_load %arg8[%get3A_420] {strides = array<i32>} : memref<25600xf32, #tpu.memory_space<vmem>>, vector<16xf32>,
        %add3A_422 = arith.addf %add3A_417, %get3A_421 : vector<16xf32>
        %add3A_423 = arith.constant 64 : i32
        %add3A_424 = arith.addi %mul3A_402, %add3A_423 : i32
        %get3A_425 = arith.index_cast %add3A_424 : i32 to index
        %get3A_426 = tpu.vector_load %arg8[%get3A_425] {strides = array<i32>} : memref<25600xf32, #tpu.memory_space<vmem>>, vector<16xf32>,
        %add3A_427 = arith.addf %add3A_422, %get3A_426 : vector<16xf32>
        %add3A_428 = arith.constant 80 : i32
        %add3A_429 = arith.addi %mul3A_402, %add3A_428 : i32
        %get3A_430 = arith.index_cast %add3A_429 : i32 to index
        %get3A_431 = tpu.vector_load %arg8[%get3A_430] {strides = array<i32>} : memref<25600xf32, #tpu.memory_space<vmem>>, vector<16xf32>,
        %add3A_432 = arith.addf %add3A_427, %get3A_431 : vector<16xf32>
        %add3A_433 = arith.constant 96 : i32
        %add3A_434 = arith.addi %mul3A_402, %add3A_433 : i32
        %get3A_435 = arith.index_cast %add3A_434 : i32 to index
        %get3A_436 = tpu.vector_load %arg8[%get3A_435] {strides = array<i32>} : memref<25600xf32, #tpu.memory_space<vmem>>, vector<16xf32>,
        %add3A_437 = arith.addf %add3A_432, %get3A_436 : vector<16xf32>
        %add3A_438 = arith.constant 112 : i32
        %add3A_439 = arith.addi %mul3A_402, %add3A_438 : i32
        %get3A_440 = arith.index_cast %add3A_439 : i32 to index
        %get3A_441 = tpu.vector_load %arg8[%get3A_440] {strides = array<i32>} : memref<25600xf32, #tpu.memory_space<vmem>>, vector<16xf32>,
        %add3A_442 = arith.addf %add3A_437, %get3A_441 : vector<16xf32>
        %add3A_443 = arith.constant 128 : i32
        %add3A_444 = arith.addi %mul3A_402, %add3A_443 : i32
        %get3A_445 = arith.index_cast %add3A_444 : i32 to index
        %get3A_446 = tpu.vector_load %arg8[%get3A_445] {strides = array<i32>} : memref<25600xf32, #tpu.memory_space<vmem>>, vector<16xf32>,
        %add3A_447 = arith.addf %add3A_442, %get3A_446 : vector<16xf32>
        %add3A_448 = arith.constant 144 : i32
        %add3A_449 = arith.addi %mul3A_402, %add3A_448 : i32
        %get3A_450 = arith.index_cast %add3A_449 : i32 to index
        %get3A_451 = tpu.vector_load %arg8[%get3A_450] {strides = array<i32>} : memref<25600xf32, #tpu.memory_space<vmem>>, vector<16xf32>,
        %add3A_452 = arith.addf %add3A_447, %get3A_451 : vector<16xf32>
        scf.yield %add3A_452 : vector<16xf32>
      }
      %scan3A_269 = arith.constant 160 : i32
      %add3A_270 = arith.constant 1 : i32
      %add3A_271 = arith.addi %add3A_237, %add3A_270 : i32
      %lt3A_272 = arith.constant 16 : i32
      %lt3A_273 = arith.cmpi slt, %add3A_271, %lt3A_272 : i32
      %convert_element_type3A = arith.extui %lt3A_273 : i1 to i32
      %cond3A = arith.constant 0 : i32
      %cond3A_274 = arith.cmpi ne, %convert_element_type3A, %cond3A : i32
      scf.if %cond3A_274 {
        %add3A_399 = arith.addi %add3A_4, %add3A_237 : i32
        %add3A_400 = arith.constant 1 : i32
        %add3A_401 = arith.addi %add3A_399, %add3A_400 : i32
        %dma_start3A_402 = arith.constant 0 : i32
        %dma_start3A_403 = tpu.memref_slice %arg2[%add3A_401, %dma_start3A_402] : memref<1024x100000xf32, #tpu.memory_space<hbm>> -> memref<1x25600xf32, #tpu.memory_space<hbm>>
        %dma_start3A_404 = tpu.memref_squeeze %dma_start3A_403 : memref<1x25600xf32, #tpu.memory_space<hbm>> -> memref<25600xf32, #tpu.memory_space<hbm>>
        %dma_start3A_405 = arith.constant 0 : i32
        %dma_start3A_406 = tpu.memref_slice %arg2[%add3A_401, %dma_start3A_405] : memref<1024x100000xf32, #tpu.memory_space<hbm>> -> memref<1x25600xf32, #tpu.memory_space<hbm>>
        %dma_start3A_407 = tpu.memref_squeeze %dma_start3A_406 : memref<1x25600xf32, #tpu.memory_space<hbm>> -> memref<25600xf32, #tpu.memory_space<hbm>>
        tpu.enqueue_dma source(%dma_start3A_407 : memref<25600xf32, #tpu.memory_space<hbm>>) target(%arg8 : memref<25600xf32, #tpu.memory_space<vmem>>) target_semaphore(%arg12 : memref<!tpu.dma_semaphore, #tpu.memory_space<semaphore_mem>>)
      } else {
      }
      %dma_wait3A_275 = arith.constant 25600 : i32
      %dma_wait3A_276 = tpu.memref_slice %arg2[%add3A_4, %dma_wait3A_275] : memref<1024x100000xf32, #tpu.memory_space<hbm>> -> memref<1x25600xf32, #tpu.memory_space<hbm>>
      %dma_wait3A_277 = tpu.memref_squeeze %dma_wait3A_276 : memref<1x25600xf32, #tpu.memory_space<hbm>> -> memref<25600xf32, #tpu.memory_space<hbm>>
      %dma_wait3A_278 = arith.constant 25600 : i32
      %dma_wait3A_279 = tpu.memref_slice %arg2[%add3A_4, %dma_wait3A_278] : memref<1024x100000xf32, #tpu.memory_space<hbm>> -> memref<1x25600xf32, #tpu.memory_space<hbm>>
      %dma_wait3A_280 = tpu.memref_squeeze %dma_wait3A_279 : memref<1x25600xf32, #tpu.memory_space<hbm>> -> memref<25600xf32, #tpu.memory_space<hbm>>
      tpu.wait_dma2 semaphore(%arg13 : memref<!tpu.dma_semaphore, #tpu.memory_space<semaphore_mem>>) src(%dma_wait3A_280 : memref<25600xf32, #tpu.memory_space<hbm>>) dst(%arg9 : memref<25600xf32, #tpu.memory_space<vmem>>)
      %sub3A_281 = arith.constant 25600 : i32
      %sub3A_282 = vector.broadcast %sub3A_281 : i32 to vector<16xi32>
      %sub3A_283 = arith.subi %get3A_31, %sub3A_282 : vector<16xi32>
      %max3A_284 = arith.constant 0 : i32
      %max3A_285 = vector.broadcast %max3A_284 : i32 to vector<16xi32>
      %max3A_286 = arith.maxsi %sub3A_283, %max3A_285 : vector<16xi32>
      %min3A_287 = arith.constant 25599 : i32
      %min3A_288 = vector.broadcast %min3A_287 : i32 to vector<16xi32>
      %min3A_289 = arith.minsi %max3A_286, %min3A_288 : vector<16xi32>
      %gather3A_290 = tpu.vector_load_idx %arg9[%min3A_289] : memref<25600xf32, #tpu.memory_space<vmem>>[vector<16xi32>], vector<16xf32>,
      %eq3A_291 = vector.broadcast %scan3A_233 : i32 to vector<16xi32>
      %eq3A_292 = arith.cmpi eq, %iota3A, %eq3A_291 : vector<16xi32>
      %ge3A_293 = arith.constant 25600 : i32
      %ge3A_294 = vector.broadcast %ge3A_293 : i32 to vector<16xi32>
      %ge3A_295 = arith.cmpi sge, %get3A_31, %ge3A_294 : vector<16xi32>
      %and3A_296 = arith.andi %eq3A_292, %ge3A_295 : vector<16xi1>
      %lt3A_297 = arith.constant 51200 : i32
      %lt3A_298 = vector.broadcast %lt3A_297 : i32 to vector<16xi32>
      %lt3A_299 = arith.cmpi slt, %get3A_31, %lt3A_298 : vector<16xi32>
      %and3A_300 = arith.andi %and3A_296, %lt3A_299 : vector<16xi1>
      %select_n3A_301 = arith.select %and3A_300, %gather3A_290, %select_n3A_263 : vector<16xi1>, vector<16xf32>
      %scan3A_302 = arith.constant 0 : i32
      %scan3A_303 = arith.constant 160 : i32
      %scan3A_304 = arith.addi %scan3A_302, %scan3A_303 : i32
      %scan3A_305 = arith.constant 1 : i32
      %scan3A_306 = scf.for %scan3A_399 = %scan3A_302 to %scan3A_304 step %scan3A_305 iter_args(%scan3A_400 = %scan3A_268) -> (vector<16xf32>)  : i32 {
        %mul3A_401 = arith.constant 160 : i32
        %mul3A_402 = arith.muli %scan3A_399, %mul3A_401 : i32
        %add3A_403 = arith.constant 0 : i32
        %add3A_404 = arith.addi %mul3A_402, %add3A_403 : i32
        %get3A_405 = arith.index_cast %add3A_404 : i32 to index
        %get3A_406 = tpu.vector_load %arg9[%get3A_405] {strides = array<i32>} : memref<25600xf32, #tpu.memory_space<vmem>>, vector<16xf32>,
        %add3A_407 = arith.addf %scan3A_400, %get3A_406 : vector<16xf32>
        %add3A_408 = arith.constant 16 : i32
        %add3A_409 = arith.addi %mul3A_402, %add3A_408 : i32
        %get3A_410 = arith.index_cast %add3A_409 : i32 to index
        %get3A_411 = tpu.vector_load %arg9[%get3A_410] {strides = array<i32>} : memref<25600xf32, #tpu.memory_space<vmem>>, vector<16xf32>,
        %add3A_412 = arith.addf %add3A_407, %get3A_411 : vector<16xf32>
        %add3A_413 = arith.constant 32 : i32
        %add3A_414 = arith.addi %mul3A_402, %add3A_413 : i32
        %get3A_415 = arith.index_cast %add3A_414 : i32 to index
        %get3A_416 = tpu.vector_load %arg9[%get3A_415] {strides = array<i32>} : memref<25600xf32, #tpu.memory_space<vmem>>, vector<16xf32>,
        %add3A_417 = arith.addf %add3A_412, %get3A_416 : vector<16xf32>
        %add3A_418 = arith.constant 48 : i32
        %add3A_419 = arith.addi %mul3A_402, %add3A_418 : i32
        %get3A_420 = arith.index_cast %add3A_419 : i32 to index
        %get3A_421 = tpu.vector_load %arg9[%get3A_420] {strides = array<i32>} : memref<25600xf32, #tpu.memory_space<vmem>>, vector<16xf32>,
        %add3A_422 = arith.addf %add3A_417, %get3A_421 : vector<16xf32>
        %add3A_423 = arith.constant 64 : i32
        %add3A_424 = arith.addi %mul3A_402, %add3A_423 : i32
        %get3A_425 = arith.index_cast %add3A_424 : i32 to index
        %get3A_426 = tpu.vector_load %arg9[%get3A_425] {strides = array<i32>} : memref<25600xf32, #tpu.memory_space<vmem>>, vector<16xf32>,
        %add3A_427 = arith.addf %add3A_422, %get3A_426 : vector<16xf32>
        %add3A_428 = arith.constant 80 : i32
        %add3A_429 = arith.addi %mul3A_402, %add3A_428 : i32
        %get3A_430 = arith.index_cast %add3A_429 : i32 to index
        %get3A_431 = tpu.vector_load %arg9[%get3A_430] {strides = array<i32>} : memref<25600xf32, #tpu.memory_space<vmem>>, vector<16xf32>,
        %add3A_432 = arith.addf %add3A_427, %get3A_431 : vector<16xf32>
        %add3A_433 = arith.constant 96 : i32
        %add3A_434 = arith.addi %mul3A_402, %add3A_433 : i32
        %get3A_435 = arith.index_cast %add3A_434 : i32 to index
        %get3A_436 = tpu.vector_load %arg9[%get3A_435] {strides = array<i32>} : memref<25600xf32, #tpu.memory_space<vmem>>, vector<16xf32>,
        %add3A_437 = arith.addf %add3A_432, %get3A_436 : vector<16xf32>
        %add3A_438 = arith.constant 112 : i32
        %add3A_439 = arith.addi %mul3A_402, %add3A_438 : i32
        %get3A_440 = arith.index_cast %add3A_439 : i32 to index
        %get3A_441 = tpu.vector_load %arg9[%get3A_440] {strides = array<i32>} : memref<25600xf32, #tpu.memory_space<vmem>>, vector<16xf32>,
        %add3A_442 = arith.addf %add3A_437, %get3A_441 : vector<16xf32>
        %add3A_443 = arith.constant 128 : i32
        %add3A_444 = arith.addi %mul3A_402, %add3A_443 : i32
        %get3A_445 = arith.index_cast %add3A_444 : i32 to index
        %get3A_446 = tpu.vector_load %arg9[%get3A_445] {strides = array<i32>} : memref<25600xf32, #tpu.memory_space<vmem>>, vector<16xf32>,
        %add3A_447 = arith.addf %add3A_442, %get3A_446 : vector<16xf32>
        %add3A_448 = arith.constant 144 : i32
        %add3A_449 = arith.addi %mul3A_402, %add3A_448 : i32
        %get3A_450 = arith.index_cast %add3A_449 : i32 to index
        %get3A_451 = tpu.vector_load %arg9[%get3A_450] {strides = array<i32>} : memref<25600xf32, #tpu.memory_space<vmem>>, vector<16xf32>,
        %add3A_452 = arith.addf %add3A_447, %get3A_451 : vector<16xf32>
        scf.yield %add3A_452 : vector<16xf32>
      }
      %scan3A_307 = arith.constant 160 : i32
      %add3A_308 = arith.constant 1 : i32
      %add3A_309 = arith.addi %add3A_237, %add3A_308 : i32
      %lt3A_310 = arith.constant 16 : i32
      %lt3A_311 = arith.cmpi slt, %add3A_309, %lt3A_310 : i32
      %convert_element_type3A_312 = arith.extui %lt3A_311 : i1 to i32
      %cond3A_313 = arith.constant 0 : i32
      %cond3A_314 = arith.cmpi ne, %convert_element_type3A_312, %cond3A_313 : i32
      scf.if %cond3A_314 {
        %add3A_399 = arith.addi %add3A_4, %add3A_237 : i32
        %add3A_400 = arith.constant 1 : i32
        %add3A_401 = arith.addi %add3A_399, %add3A_400 : i32
        %dma_start3A_402 = arith.constant 25600 : i32
        %dma_start3A_403 = tpu.memref_slice %arg2[%add3A_401, %dma_start3A_402] : memref<1024x100000xf32, #tpu.memory_space<hbm>> -> memref<1x25600xf32, #tpu.memory_space<hbm>>
        %dma_start3A_404 = tpu.memref_squeeze %dma_start3A_403 : memref<1x25600xf32, #tpu.memory_space<hbm>> -> memref<25600xf32, #tpu.memory_space<hbm>>
        %dma_start3A_405 = arith.constant 25600 : i32
        %dma_start3A_406 = tpu.memref_slice %arg2[%add3A_401, %dma_start3A_405] : memref<1024x100000xf32, #tpu.memory_space<hbm>> -> memref<1x25600xf32, #tpu.memory_space<hbm>>
        %dma_start3A_407 = tpu.memref_squeeze %dma_start3A_406 : memref<1x25600xf32, #tpu.memory_space<hbm>> -> memref<25600xf32, #tpu.memory_space<hbm>>
        tpu.enqueue_dma source(%dma_start3A_407 : memref<25600xf32, #tpu.memory_space<hbm>>) target(%arg9 : memref<25600xf32, #tpu.memory_space<vmem>>) target_semaphore(%arg13 : memref<!tpu.dma_semaphore, #tpu.memory_space<semaphore_mem>>)
      } else {
      }
      %dma_wait3A_315 = arith.constant 51200 : i32
      %dma_wait3A_316 = tpu.memref_slice %arg2[%add3A_4, %dma_wait3A_315] : memref<1024x100000xf32, #tpu.memory_space<hbm>> -> memref<1x25600xf32, #tpu.memory_space<hbm>>
      %dma_wait3A_317 = tpu.memref_squeeze %dma_wait3A_316 : memref<1x25600xf32, #tpu.memory_space<hbm>> -> memref<25600xf32, #tpu.memory_space<hbm>>
      %dma_wait3A_318 = arith.constant 51200 : i32
      %dma_wait3A_319 = tpu.memref_slice %arg2[%add3A_4, %dma_wait3A_318] : memref<1024x100000xf32, #tpu.memory_space<hbm>> -> memref<1x25600xf32, #tpu.memory_space<hbm>>
      %dma_wait3A_320 = tpu.memref_squeeze %dma_wait3A_319 : memref<1x25600xf32, #tpu.memory_space<hbm>> -> memref<25600xf32, #tpu.memory_space<hbm>>
      tpu.wait_dma2 semaphore(%arg14 : memref<!tpu.dma_semaphore, #tpu.memory_space<semaphore_mem>>) src(%dma_wait3A_320 : memref<25600xf32, #tpu.memory_space<hbm>>) dst(%arg10 : memref<25600xf32, #tpu.memory_space<vmem>>)
      %sub3A_321 = arith.constant 51200 : i32
      %sub3A_322 = vector.broadcast %sub3A_321 : i32 to vector<16xi32>
      %sub3A_323 = arith.subi %get3A_31, %sub3A_322 : vector<16xi32>
      %max3A_324 = arith.constant 0 : i32
      %max3A_325 = vector.broadcast %max3A_324 : i32 to vector<16xi32>
      %max3A_326 = arith.maxsi %sub3A_323, %max3A_325 : vector<16xi32>
      %min3A_327 = arith.constant 25599 : i32
      %min3A_328 = vector.broadcast %min3A_327 : i32 to vector<16xi32>
      %min3A_329 = arith.minsi %max3A_326, %min3A_328 : vector<16xi32>
      %gather3A_330 = tpu.vector_load_idx %arg10[%min3A_329] : memref<25600xf32, #tpu.memory_space<vmem>>[vector<16xi32>], vector<16xf32>,
      %eq3A_331 = vector.broadcast %scan3A_233 : i32 to vector<16xi32>
      %eq3A_332 = arith.cmpi eq, %iota3A, %eq3A_331 : vector<16xi32>
      %ge3A_333 = arith.constant 51200 : i32
      %ge3A_334 = vector.broadcast %ge3A_333 : i32 to vector<16xi32>
      %ge3A_335 = arith.cmpi sge, %get3A_31, %ge3A_334 : vector<16xi32>
      %and3A_336 = arith.andi %eq3A_332, %ge3A_335 : vector<16xi1>
      %lt3A_337 = arith.constant 76800 : i32
      %lt3A_338 = vector.broadcast %lt3A_337 : i32 to vector<16xi32>
      %lt3A_339 = arith.cmpi slt, %get3A_31, %lt3A_338 : vector<16xi32>
      %and3A_340 = arith.andi %and3A_336, %lt3A_339 : vector<16xi1>
      %select_n3A_341 = arith.select %and3A_340, %gather3A_330, %select_n3A_301 : vector<16xi1>, vector<16xf32>
      %scan3A_342 = arith.constant 0 : i32
      %scan3A_343 = arith.constant 160 : i32
      %scan3A_344 = arith.addi %scan3A_342, %scan3A_343 : i32
      %scan3A_345 = arith.constant 1 : i32
      %scan3A_346 = scf.for %scan3A_399 = %scan3A_342 to %scan3A_344 step %scan3A_345 iter_args(%scan3A_400 = %scan3A_306) -> (vector<16xf32>)  : i32 {
        %mul3A_401 = arith.constant 160 : i32
        %mul3A_402 = arith.muli %scan3A_399, %mul3A_401 : i32
        %add3A_403 = arith.constant 0 : i32
        %add3A_404 = arith.addi %mul3A_402, %add3A_403 : i32
        %get3A_405 = arith.index_cast %add3A_404 : i32 to index
        %get3A_406 = tpu.vector_load %arg10[%get3A_405] {strides = array<i32>} : memref<25600xf32, #tpu.memory_space<vmem>>, vector<16xf32>,
        %add3A_407 = arith.addf %scan3A_400, %get3A_406 : vector<16xf32>
        %add3A_408 = arith.constant 16 : i32
        %add3A_409 = arith.addi %mul3A_402, %add3A_408 : i32
        %get3A_410 = arith.index_cast %add3A_409 : i32 to index
        %get3A_411 = tpu.vector_load %arg10[%get3A_410] {strides = array<i32>} : memref<25600xf32, #tpu.memory_space<vmem>>, vector<16xf32>,
        %add3A_412 = arith.addf %add3A_407, %get3A_411 : vector<16xf32>
        %add3A_413 = arith.constant 32 : i32
        %add3A_414 = arith.addi %mul3A_402, %add3A_413 : i32
        %get3A_415 = arith.index_cast %add3A_414 : i32 to index
        %get3A_416 = tpu.vector_load %arg10[%get3A_415] {strides = array<i32>} : memref<25600xf32, #tpu.memory_space<vmem>>, vector<16xf32>,
        %add3A_417 = arith.addf %add3A_412, %get3A_416 : vector<16xf32>
        %add3A_418 = arith.constant 48 : i32
        %add3A_419 = arith.addi %mul3A_402, %add3A_418 : i32
        %get3A_420 = arith.index_cast %add3A_419 : i32 to index
        %get3A_421 = tpu.vector_load %arg10[%get3A_420] {strides = array<i32>} : memref<25600xf32, #tpu.memory_space<vmem>>, vector<16xf32>,
        %add3A_422 = arith.addf %add3A_417, %get3A_421 : vector<16xf32>
        %add3A_423 = arith.constant 64 : i32
        %add3A_424 = arith.addi %mul3A_402, %add3A_423 : i32
        %get3A_425 = arith.index_cast %add3A_424 : i32 to index
        %get3A_426 = tpu.vector_load %arg10[%get3A_425] {strides = array<i32>} : memref<25600xf32, #tpu.memory_space<vmem>>, vector<16xf32>,
        %add3A_427 = arith.addf %add3A_422, %get3A_426 : vector<16xf32>
        %add3A_428 = arith.constant 80 : i32
        %add3A_429 = arith.addi %mul3A_402, %add3A_428 : i32
        %get3A_430 = arith.index_cast %add3A_429 : i32 to index
        %get3A_431 = tpu.vector_load %arg10[%get3A_430] {strides = array<i32>} : memref<25600xf32, #tpu.memory_space<vmem>>, vector<16xf32>,
        %add3A_432 = arith.addf %add3A_427, %get3A_431 : vector<16xf32>
        %add3A_433 = arith.constant 96 : i32
        %add3A_434 = arith.addi %mul3A_402, %add3A_433 : i32
        %get3A_435 = arith.index_cast %add3A_434 : i32 to index
        %get3A_436 = tpu.vector_load %arg10[%get3A_435] {strides = array<i32>} : memref<25600xf32, #tpu.memory_space<vmem>>, vector<16xf32>,
        %add3A_437 = arith.addf %add3A_432, %get3A_436 : vector<16xf32>
        %add3A_438 = arith.constant 112 : i32
        %add3A_439 = arith.addi %mul3A_402, %add3A_438 : i32
        %get3A_440 = arith.index_cast %add3A_439 : i32 to index
        %get3A_441 = tpu.vector_load %arg10[%get3A_440] {strides = array<i32>} : memref<25600xf32, #tpu.memory_space<vmem>>, vector<16xf32>,
        %add3A_442 = arith.addf %add3A_437, %get3A_441 : vector<16xf32>
        %add3A_443 = arith.constant 128 : i32
        %add3A_444 = arith.addi %mul3A_402, %add3A_443 : i32
        %get3A_445 = arith.index_cast %add3A_444 : i32 to index
        %get3A_446 = tpu.vector_load %arg10[%get3A_445] {strides = array<i32>} : memref<25600xf32, #tpu.memory_space<vmem>>, vector<16xf32>,
        %add3A_447 = arith.addf %add3A_442, %get3A_446 : vector<16xf32>
        %add3A_448 = arith.constant 144 : i32
        %add3A_449 = arith.addi %mul3A_402, %add3A_448 : i32
        %get3A_450 = arith.index_cast %add3A_449 : i32 to index
        %get3A_451 = tpu.vector_load %arg10[%get3A_450] {strides = array<i32>} : memref<25600xf32, #tpu.memory_space<vmem>>, vector<16xf32>,
        %add3A_452 = arith.addf %add3A_447, %get3A_451 : vector<16xf32>
        scf.yield %add3A_452 : vector<16xf32>
      }
      %scan3A_347 = arith.constant 160 : i32
      %add3A_348 = arith.constant 1 : i32
      %add3A_349 = arith.addi %add3A_237, %add3A_348 : i32
      %lt3A_350 = arith.constant 16 : i32
      %lt3A_351 = arith.cmpi slt, %add3A_349, %lt3A_350 : i32
      %convert_element_type3A_352 = arith.extui %lt3A_351 : i1 to i32
      %cond3A_353 = arith.constant 0 : i32
      %cond3A_354 = arith.cmpi ne, %convert_element_type3A_352, %cond3A_353 : i32
      scf.if %cond3A_354 {
        %add3A_399 = arith.addi %add3A_4, %add3A_237 : i32
        %add3A_400 = arith.constant 1 : i32
        %add3A_401 = arith.addi %add3A_399, %add3A_400 : i32
        %dma_start3A_402 = arith.constant 51200 : i32
        %dma_start3A_403 = tpu.memref_slice %arg2[%add3A_401, %dma_start3A_402] : memref<1024x100000xf32, #tpu.memory_space<hbm>> -> memref<1x25600xf32, #tpu.memory_space<hbm>>
        %dma_start3A_404 = tpu.memref_squeeze %dma_start3A_403 : memref<1x25600xf32, #tpu.memory_space<hbm>> -> memref<25600xf32, #tpu.memory_space<hbm>>
        %dma_start3A_405 = arith.constant 51200 : i32
        %dma_start3A_406 = tpu.memref_slice %arg2[%add3A_401, %dma_start3A_405] : memref<1024x100000xf32, #tpu.memory_space<hbm>> -> memref<1x25600xf32, #tpu.memory_space<hbm>>
        %dma_start3A_407 = tpu.memref_squeeze %dma_start3A_406 : memref<1x25600xf32, #tpu.memory_space<hbm>> -> memref<25600xf32, #tpu.memory_space<hbm>>
        tpu.enqueue_dma source(%dma_start3A_407 : memref<25600xf32, #tpu.memory_space<hbm>>) target(%arg10 : memref<25600xf32, #tpu.memory_space<vmem>>) target_semaphore(%arg14 : memref<!tpu.dma_semaphore, #tpu.memory_space<semaphore_mem>>)
      } else {
      }
      %dma_wait3A_355 = arith.constant 76800 : i32
      %dma_wait3A_356 = tpu.memref_slice %arg2[%add3A_4, %dma_wait3A_355] : memref<1024x100000xf32, #tpu.memory_space<hbm>> -> memref<1x23200xf32, #tpu.memory_space<hbm>>
      %dma_wait3A_357 = tpu.memref_squeeze %dma_wait3A_356 : memref<1x23200xf32, #tpu.memory_space<hbm>> -> memref<23200xf32, #tpu.memory_space<hbm>>
      %dma_wait3A_358 = arith.constant 76800 : i32
      %dma_wait3A_359 = tpu.memref_slice %arg2[%add3A_4, %dma_wait3A_358] : memref<1024x100000xf32, #tpu.memory_space<hbm>> -> memref<1x23200xf32, #tpu.memory_space<hbm>>
      %dma_wait3A_360 = tpu.memref_squeeze %dma_wait3A_359 : memref<1x23200xf32, #tpu.memory_space<hbm>> -> memref<23200xf32, #tpu.memory_space<hbm>>
      tpu.wait_dma2 semaphore(%arg15 : memref<!tpu.dma_semaphore, #tpu.memory_space<semaphore_mem>>) src(%dma_wait3A_360 : memref<23200xf32, #tpu.memory_space<hbm>>) dst(%arg11 : memref<23200xf32, #tpu.memory_space<vmem>>)
      %sub3A_361 = arith.constant 76800 : i32
      %sub3A_362 = vector.broadcast %sub3A_361 : i32 to vector<16xi32>
      %sub3A_363 = arith.subi %get3A_31, %sub3A_362 : vector<16xi32>
      %max3A_364 = arith.constant 0 : i32
      %max3A_365 = vector.broadcast %max3A_364 : i32 to vector<16xi32>
      %max3A_366 = arith.maxsi %sub3A_363, %max3A_365 : vector<16xi32>
      %min3A_367 = arith.constant 23199 : i32
      %min3A_368 = vector.broadcast %min3A_367 : i32 to vector<16xi32>
      %min3A_369 = arith.minsi %max3A_366, %min3A_368 : vector<16xi32>
      %gather3A_370 = tpu.vector_load_idx %arg11[%min3A_369] : memref<23200xf32, #tpu.memory_space<vmem>>[vector<16xi32>], vector<16xf32>,
      %eq3A_371 = vector.broadcast %scan3A_233 : i32 to vector<16xi32>
      %eq3A_372 = arith.cmpi eq, %iota3A, %eq3A_371 : vector<16xi32>
      %ge3A_373 = arith.constant 76800 : i32
      %ge3A_374 = vector.broadcast %ge3A_373 : i32 to vector<16xi32>
      %ge3A_375 = arith.cmpi sge, %get3A_31, %ge3A_374 : vector<16xi32>
      %and3A_376 = arith.andi %eq3A_372, %ge3A_375 : vector<16xi1>
      %lt3A_377 = arith.constant 100000 : i32
      %lt3A_378 = vector.broadcast %lt3A_377 : i32 to vector<16xi32>
      %lt3A_379 = arith.cmpi slt, %get3A_31, %lt3A_378 : vector<16xi32>
      %and3A_380 = arith.andi %and3A_376, %lt3A_379 : vector<16xi1>
      %select_n3A_381 = arith.select %and3A_380, %gather3A_370, %select_n3A_341 : vector<16xi1>, vector<16xf32>
      %scan3A_382 = arith.constant 0 : i32
      %scan3A_383 = arith.constant 145 : i32
      %scan3A_384 = arith.addi %scan3A_382, %scan3A_383 : i32
      %scan3A_385 = arith.constant 1 : i32
      %scan3A_386 = scf.for %scan3A_399 = %scan3A_382 to %scan3A_384 step %scan3A_385 iter_args(%scan3A_400 = %scan3A_346) -> (vector<16xf32>)  : i32 {
        %mul3A_401 = arith.constant 160 : i32
        %mul3A_402 = arith.muli %scan3A_399, %mul3A_401 : i32
        %add3A_403 = arith.constant 0 : i32
        %add3A_404 = arith.addi %mul3A_402, %add3A_403 : i32
        %get3A_405 = arith.index_cast %add3A_404 : i32 to index
        %get3A_406 = tpu.vector_load %arg11[%get3A_405] {strides = array<i32>} : memref<23200xf32, #tpu.memory_space<vmem>>, vector<16xf32>,
        %add3A_407 = arith.addf %scan3A_400, %get3A_406 : vector<16xf32>
        %add3A_408 = arith.constant 16 : i32
        %add3A_409 = arith.addi %mul3A_402, %add3A_408 : i32
        %get3A_410 = arith.index_cast %add3A_409 : i32 to index
        %get3A_411 = tpu.vector_load %arg11[%get3A_410] {strides = array<i32>} : memref<23200xf32, #tpu.memory_space<vmem>>, vector<16xf32>,
        %add3A_412 = arith.addf %add3A_407, %get3A_411 : vector<16xf32>
        %add3A_413 = arith.constant 32 : i32
        %add3A_414 = arith.addi %mul3A_402, %add3A_413 : i32
        %get3A_415 = arith.index_cast %add3A_414 : i32 to index
        %get3A_416 = tpu.vector_load %arg11[%get3A_415] {strides = array<i32>} : memref<23200xf32, #tpu.memory_space<vmem>>, vector<16xf32>,
        %add3A_417 = arith.addf %add3A_412, %get3A_416 : vector<16xf32>
        %add3A_418 = arith.constant 48 : i32
        %add3A_419 = arith.addi %mul3A_402, %add3A_418 : i32
        %get3A_420 = arith.index_cast %add3A_419 : i32 to index
        %get3A_421 = tpu.vector_load %arg11[%get3A_420] {strides = array<i32>} : memref<23200xf32, #tpu.memory_space<vmem>>, vector<16xf32>,
        %add3A_422 = arith.addf %add3A_417, %get3A_421 : vector<16xf32>
        %add3A_423 = arith.constant 64 : i32
        %add3A_424 = arith.addi %mul3A_402, %add3A_423 : i32
        %get3A_425 = arith.index_cast %add3A_424 : i32 to index
        %get3A_426 = tpu.vector_load %arg11[%get3A_425] {strides = array<i32>} : memref<23200xf32, #tpu.memory_space<vmem>>, vector<16xf32>,
        %add3A_427 = arith.addf %add3A_422, %get3A_426 : vector<16xf32>
        %add3A_428 = arith.constant 80 : i32
        %add3A_429 = arith.addi %mul3A_402, %add3A_428 : i32
        %get3A_430 = arith.index_cast %add3A_429 : i32 to index
        %get3A_431 = tpu.vector_load %arg11[%get3A_430] {strides = array<i32>} : memref<23200xf32, #tpu.memory_space<vmem>>, vector<16xf32>,
        %add3A_432 = arith.addf %add3A_427, %get3A_431 : vector<16xf32>
        %add3A_433 = arith.constant 96 : i32
        %add3A_434 = arith.addi %mul3A_402, %add3A_433 : i32
        %get3A_435 = arith.index_cast %add3A_434 : i32 to index
        %get3A_436 = tpu.vector_load %arg11[%get3A_435] {strides = array<i32>} : memref<23200xf32, #tpu.memory_space<vmem>>, vector<16xf32>,
        %add3A_437 = arith.addf %add3A_432, %get3A_436 : vector<16xf32>
        %add3A_438 = arith.constant 112 : i32
        %add3A_439 = arith.addi %mul3A_402, %add3A_438 : i32
        %get3A_440 = arith.index_cast %add3A_439 : i32 to index
        %get3A_441 = tpu.vector_load %arg11[%get3A_440] {strides = array<i32>} : memref<23200xf32, #tpu.memory_space<vmem>>, vector<16xf32>,
        %add3A_442 = arith.addf %add3A_437, %get3A_441 : vector<16xf32>
        %add3A_443 = arith.constant 128 : i32
        %add3A_444 = arith.addi %mul3A_402, %add3A_443 : i32
        %get3A_445 = arith.index_cast %add3A_444 : i32 to index
        %get3A_446 = tpu.vector_load %arg11[%get3A_445] {strides = array<i32>} : memref<23200xf32, #tpu.memory_space<vmem>>, vector<16xf32>,
        %add3A_447 = arith.addf %add3A_442, %get3A_446 : vector<16xf32>
        %add3A_448 = arith.constant 144 : i32
        %add3A_449 = arith.addi %mul3A_402, %add3A_448 : i32
        %get3A_450 = arith.index_cast %add3A_449 : i32 to index
        %get3A_451 = tpu.vector_load %arg11[%get3A_450] {strides = array<i32>} : memref<23200xf32, #tpu.memory_space<vmem>>, vector<16xf32>,
        %add3A_452 = arith.addf %add3A_447, %get3A_451 : vector<16xf32>
        scf.yield %add3A_452 : vector<16xf32>
      }
      %scan3A_387 = arith.constant 145 : i32
      %add3A_388 = arith.constant 1 : i32
      %add3A_389 = arith.addi %add3A_237, %add3A_388 : i32
      %lt3A_390 = arith.constant 16 : i32
      %lt3A_391 = arith.cmpi slt, %add3A_389, %lt3A_390 : i32
      %convert_element_type3A_392 = arith.extui %lt3A_391 : i1 to i32
      %cond3A_393 = arith.constant 0 : i32
      %cond3A_394 = arith.cmpi ne, %convert_element_type3A_392, %cond3A_393 : i32
      scf.if %cond3A_394 {
        %add3A_399 = arith.addi %add3A_4, %add3A_237 : i32
        %add3A_400 = arith.constant 1 : i32
        %add3A_401 = arith.addi %add3A_399, %add3A_400 : i32
        %dma_start3A_402 = arith.constant 76800 : i32
        %dma_start3A_403 = tpu.memref_slice %arg2[%add3A_401, %dma_start3A_402] : memref<1024x100000xf32, #tpu.memory_space<hbm>> -> memref<1x23200xf32, #tpu.memory_space<hbm>>
        %dma_start3A_404 = tpu.memref_squeeze %dma_start3A_403 : memref<1x23200xf32, #tpu.memory_space<hbm>> -> memref<23200xf32, #tpu.memory_space<hbm>>
        %dma_start3A_405 = arith.constant 76800 : i32
        %dma_start3A_406 = tpu.memref_slice %arg2[%add3A_401, %dma_start3A_405] : memref<1024x100000xf32, #tpu.memory_space<hbm>> -> memref<1x23200xf32, #tpu.memory_space<hbm>>
        %dma_start3A_407 = tpu.memref_squeeze %dma_start3A_406 : memref<1x23200xf32, #tpu.memory_space<hbm>> -> memref<23200xf32, #tpu.memory_space<hbm>>
        tpu.enqueue_dma source(%dma_start3A_407 : memref<23200xf32, #tpu.memory_space<hbm>>) target(%arg11 : memref<23200xf32, #tpu.memory_space<vmem>>) target_semaphore(%arg15 : memref<!tpu.dma_semaphore, #tpu.memory_space<semaphore_mem>>)
      } else {
      }
      %mul3A_395 = arith.constant 16 : i32
      %mul3A_396 = arith.muli %add3A_237, %mul3A_395 : i32
      %swap3A_397 = arith.index_cast %mul3A_396 : i32 to index
      %swap3A_398 = tpu.vector_load %arg6[%swap3A_397] {strides = array<i32>} : memref<256xf32, #tpu.memory_space<vmem>>, vector<16xf32>,
      tpu.vector_store %arg6[%swap3A_397], %scan3A_386 {strides = array<i32>} : memref<256xf32, #tpu.memory_space<vmem>>, vector<16xf32>,
      scf.yield %select_n3A_247, %select_n3A_381 : vector<16xf32>, vector<16xf32>
    }
    %scan3A_36 = arith.constant 16 : i32
    %broadcast_in_dim3A_37 = arith.constant 0.000000e+00 : f32
    %broadcast_in_dim3A_38 = vector.broadcast %broadcast_in_dim3A_37 : f32 to vector<16xf32>
    %add3A_39 = arith.constant 0 : i32
    %add3A_40 = vector.broadcast %add3A_39 : i32 to vector<16xi32>
    %add3A_41 = arith.addi %add3A_40, %iota3A : vector<16xi32>
    %mul3A_42 = arith.constant 16 : i32
    %mul3A_43 = vector.broadcast %mul3A_42 : i32 to vector<16xi32>
    %mul3A_44 = arith.muli %add3A_41, %mul3A_43 : vector<16xi32>
    %add3A_45 = arith.constant 0 : i32
    %add3A_46 = vector.broadcast %add3A_45 : i32 to vector<16xi32>
    %add3A_47 = arith.addi %mul3A_44, %add3A_46 : vector<16xi32>
    %gather3A = tpu.vector_load_idx %arg6[%add3A_47] : memref<256xf32, #tpu.memory_space<vmem>>[vector<16xi32>], vector<16xf32>,
    %add3A_48 = arith.addf %broadcast_in_dim3A_38, %gather3A : vector<16xf32>
    %add3A_49 = arith.constant 0 : i32
    %add3A_50 = vector.broadcast %add3A_49 : i32 to vector<16xi32>
    %add3A_51 = arith.addi %add3A_50, %iota3A : vector<16xi32>
    %mul3A_52 = arith.constant 16 : i32
    %mul3A_53 = vector.broadcast %mul3A_52 : i32 to vector<16xi32>
    %mul3A_54 = arith.muli %add3A_51, %mul3A_53 : vector<16xi32>
    %add3A_55 = arith.constant 1 : i32
    %add3A_56 = vector.broadcast %add3A_55 : i32 to vector<16xi32>
    %add3A_57 = arith.addi %mul3A_54, %add3A_56 : vector<16xi32>
    %gather3A_58 = tpu.vector_load_idx %arg6[%add3A_57] : memref<256xf32, #tpu.memory_space<vmem>>[vector<16xi32>], vector<16xf32>,
    %add3A_59 = arith.addf %add3A_48, %gather3A_58 : vector<16xf32>
    %add3A_60 = arith.constant 0 : i32
    %add3A_61 = vector.broadcast %add3A_60 : i32 to vector<16xi32>
    %add3A_62 = arith.addi %add3A_61, %iota3A : vector<16xi32>
    %mul3A_63 = arith.constant 16 : i32
    %mul3A_64 = vector.broadcast %mul3A_63 : i32 to vector<16xi32>
    %mul3A_65 = arith.muli %add3A_62, %mul3A_64 : vector<16xi32>
    %add3A_66 = arith.constant 2 : i32
    %add3A_67 = vector.broadcast %add3A_66 : i32 to vector<16xi32>
    %add3A_68 = arith.addi %mul3A_65, %add3A_67 : vector<16xi32>
    %gather3A_69 = tpu.vector_load_idx %arg6[%add3A_68] : memref<256xf32, #tpu.memory_space<vmem>>[vector<16xi32>], vector<16xf32>,
    %add3A_70 = arith.addf %add3A_59, %gather3A_69 : vector<16xf32>
    %add3A_71 = arith.constant 0 : i32
    %add3A_72 = vector.broadcast %add3A_71 : i32 to vector<16xi32>
    %add3A_73 = arith.addi %add3A_72, %iota3A : vector<16xi32>
    %mul3A_74 = arith.constant 16 : i32
    %mul3A_75 = vector.broadcast %mul3A_74 : i32 to vector<16xi32>
    %mul3A_76 = arith.muli %add3A_73, %mul3A_75 : vector<16xi32>
    %add3A_77 = arith.constant 3 : i32
    %add3A_78 = vector.broadcast %add3A_77 : i32 to vector<16xi32>
    %add3A_79 = arith.addi %mul3A_76, %add3A_78 : vector<16xi32>
    %gather3A_80 = tpu.vector_load_idx %arg6[%add3A_79] : memref<256xf32, #tpu.memory_space<vmem>>[vector<16xi32>], vector<16xf32>,
    %add3A_81 = arith.addf %add3A_70, %gather3A_80 : vector<16xf32>
    %add3A_82 = arith.constant 0 : i32
    %add3A_83 = vector.broadcast %add3A_82 : i32 to vector<16xi32>
    %add3A_84 = arith.addi %add3A_83, %iota3A : vector<16xi32>
    %mul3A_85 = arith.constant 16 : i32
    %mul3A_86 = vector.broadcast %mul3A_85 : i32 to vector<16xi32>
    %mul3A_87 = arith.muli %add3A_84, %mul3A_86 : vector<16xi32>
    %add3A_88 = arith.constant 4 : i32
    %add3A_89 = vector.broadcast %add3A_88 : i32 to vector<16xi32>
    %add3A_90 = arith.addi %mul3A_87, %add3A_89 : vector<16xi32>
    %gather3A_91 = tpu.vector_load_idx %arg6[%add3A_90] : memref<256xf32, #tpu.memory_space<vmem>>[vector<16xi32>], vector<16xf32>,
    %add3A_92 = arith.addf %add3A_81, %gather3A_91 : vector<16xf32>
    %add3A_93 = arith.constant 0 : i32
    %add3A_94 = vector.broadcast %add3A_93 : i32 to vector<16xi32>
    %add3A_95 = arith.addi %add3A_94, %iota3A : vector<16xi32>
    %mul3A_96 = arith.constant 16 : i32
    %mul3A_97 = vector.broadcast %mul3A_96 : i32 to vector<16xi32>
    %mul3A_98 = arith.muli %add3A_95, %mul3A_97 : vector<16xi32>
    %add3A_99 = arith.constant 5 : i32
    %add3A_100 = vector.broadcast %add3A_99 : i32 to vector<16xi32>
    %add3A_101 = arith.addi %mul3A_98, %add3A_100 : vector<16xi32>
    %gather3A_102 = tpu.vector_load_idx %arg6[%add3A_101] : memref<256xf32, #tpu.memory_space<vmem>>[vector<16xi32>], vector<16xf32>,
    %add3A_103 = arith.addf %add3A_92, %gather3A_102 : vector<16xf32>
    %add3A_104 = arith.constant 0 : i32
    %add3A_105 = vector.broadcast %add3A_104 : i32 to vector<16xi32>
    %add3A_106 = arith.addi %add3A_105, %iota3A : vector<16xi32>
    %mul3A_107 = arith.constant 16 : i32
    %mul3A_108 = vector.broadcast %mul3A_107 : i32 to vector<16xi32>
    %mul3A_109 = arith.muli %add3A_106, %mul3A_108 : vector<16xi32>
    %add3A_110 = arith.constant 6 : i32
    %add3A_111 = vector.broadcast %add3A_110 : i32 to vector<16xi32>
    %add3A_112 = arith.addi %mul3A_109, %add3A_111 : vector<16xi32>
    %gather3A_113 = tpu.vector_load_idx %arg6[%add3A_112] : memref<256xf32, #tpu.memory_space<vmem>>[vector<16xi32>], vector<16xf32>,
    %add3A_114 = arith.addf %add3A_103, %gather3A_113 : vector<16xf32>
    %add3A_115 = arith.constant 0 : i32
    %add3A_116 = vector.broadcast %add3A_115 : i32 to vector<16xi32>
    %add3A_117 = arith.addi %add3A_116, %iota3A : vector<16xi32>
    %mul3A_118 = arith.constant 16 : i32
    %mul3A_119 = vector.broadcast %mul3A_118 : i32 to vector<16xi32>
    %mul3A_120 = arith.muli %add3A_117, %mul3A_119 : vector<16xi32>
    %add3A_121 = arith.constant 7 : i32
    %add3A_122 = vector.broadcast %add3A_121 : i32 to vector<16xi32>
    %add3A_123 = arith.addi %mul3A_120, %add3A_122 : vector<16xi32>
    %gather3A_124 = tpu.vector_load_idx %arg6[%add3A_123] : memref<256xf32, #tpu.memory_space<vmem>>[vector<16xi32>], vector<16xf32>,
    %add3A_125 = arith.addf %add3A_114, %gather3A_124 : vector<16xf32>
    %add3A_126 = arith.constant 0 : i32
    %add3A_127 = vector.broadcast %add3A_126 : i32 to vector<16xi32>
    %add3A_128 = arith.addi %add3A_127, %iota3A : vector<16xi32>
    %mul3A_129 = arith.constant 16 : i32
    %mul3A_130 = vector.broadcast %mul3A_129 : i32 to vector<16xi32>
    %mul3A_131 = arith.muli %add3A_128, %mul3A_130 : vector<16xi32>
    %add3A_132 = arith.constant 8 : i32
    %add3A_133 = vector.broadcast %add3A_132 : i32 to vector<16xi32>
    %add3A_134 = arith.addi %mul3A_131, %add3A_133 : vector<16xi32>
    %gather3A_135 = tpu.vector_load_idx %arg6[%add3A_134] : memref<256xf32, #tpu.memory_space<vmem>>[vector<16xi32>], vector<16xf32>,
    %add3A_136 = arith.addf %add3A_125, %gather3A_135 : vector<16xf32>
    %add3A_137 = arith.constant 0 : i32
    %add3A_138 = vector.broadcast %add3A_137 : i32 to vector<16xi32>
    %add3A_139 = arith.addi %add3A_138, %iota3A : vector<16xi32>
    %mul3A_140 = arith.constant 16 : i32
    %mul3A_141 = vector.broadcast %mul3A_140 : i32 to vector<16xi32>
    %mul3A_142 = arith.muli %add3A_139, %mul3A_141 : vector<16xi32>
    %add3A_143 = arith.constant 9 : i32
    %add3A_144 = vector.broadcast %add3A_143 : i32 to vector<16xi32>
    %add3A_145 = arith.addi %mul3A_142, %add3A_144 : vector<16xi32>
    %gather3A_146 = tpu.vector_load_idx %arg6[%add3A_145] : memref<256xf32, #tpu.memory_space<vmem>>[vector<16xi32>], vector<16xf32>,
    %add3A_147 = arith.addf %add3A_136, %gather3A_146 : vector<16xf32>
    %add3A_148 = arith.constant 0 : i32
    %add3A_149 = vector.broadcast %add3A_148 : i32 to vector<16xi32>
    %add3A_150 = arith.addi %add3A_149, %iota3A : vector<16xi32>
    %mul3A_151 = arith.constant 16 : i32
    %mul3A_152 = vector.broadcast %mul3A_151 : i32 to vector<16xi32>
    %mul3A_153 = arith.muli %add3A_150, %mul3A_152 : vector<16xi32>
    %add3A_154 = arith.constant 10 : i32
    %add3A_155 = vector.broadcast %add3A_154 : i32 to vector<16xi32>
    %add3A_156 = arith.addi %mul3A_153, %add3A_155 : vector<16xi32>
    %gather3A_157 = tpu.vector_load_idx %arg6[%add3A_156] : memref<256xf32, #tpu.memory_space<vmem>>[vector<16xi32>], vector<16xf32>,
    %add3A_158 = arith.addf %add3A_147, %gather3A_157 : vector<16xf32>
    %add3A_159 = arith.constant 0 : i32
    %add3A_160 = vector.broadcast %add3A_159 : i32 to vector<16xi32>
    %add3A_161 = arith.addi %add3A_160, %iota3A : vector<16xi32>
    %mul3A_162 = arith.constant 16 : i32
    %mul3A_163 = vector.broadcast %mul3A_162 : i32 to vector<16xi32>
    %mul3A_164 = arith.muli %add3A_161, %mul3A_163 : vector<16xi32>
    %add3A_165 = arith.constant 11 : i32
    %add3A_166 = vector.broadcast %add3A_165 : i32 to vector<16xi32>
    %add3A_167 = arith.addi %mul3A_164, %add3A_166 : vector<16xi32>
    %gather3A_168 = tpu.vector_load_idx %arg6[%add3A_167] : memref<256xf32, #tpu.memory_space<vmem>>[vector<16xi32>], vector<16xf32>,
    %add3A_169 = arith.addf %add3A_158, %gather3A_168 : vector<16xf32>
    %add3A_170 = arith.constant 0 : i32
    %add3A_171 = vector.broadcast %add3A_170 : i32 to vector<16xi32>
    %add3A_172 = arith.addi %add3A_171, %iota3A : vector<16xi32>
    %mul3A_173 = arith.constant 16 : i32
    %mul3A_174 = vector.broadcast %mul3A_173 : i32 to vector<16xi32>
    %mul3A_175 = arith.muli %add3A_172, %mul3A_174 : vector<16xi32>
    %add3A_176 = arith.constant 12 : i32
    %add3A_177 = vector.broadcast %add3A_176 : i32 to vector<16xi32>
    %add3A_178 = arith.addi %mul3A_175, %add3A_177 : vector<16xi32>
    %gather3A_179 = tpu.vector_load_idx %arg6[%add3A_178] : memref<256xf32, #tpu.memory_space<vmem>>[vector<16xi32>], vector<16xf32>,
    %add3A_180 = arith.addf %add3A_169, %gather3A_179 : vector<16xf32>
    %add3A_181 = arith.constant 0 : i32
    %add3A_182 = vector.broadcast %add3A_181 : i32 to vector<16xi32>
    %add3A_183 = arith.addi %add3A_182, %iota3A : vector<16xi32>
    %mul3A_184 = arith.constant 16 : i32
    %mul3A_185 = vector.broadcast %mul3A_184 : i32 to vector<16xi32>
    %mul3A_186 = arith.muli %add3A_183, %mul3A_185 : vector<16xi32>
    %add3A_187 = arith.constant 13 : i32
    %add3A_188 = vector.broadcast %add3A_187 : i32 to vector<16xi32>
    %add3A_189 = arith.addi %mul3A_186, %add3A_188 : vector<16xi32>
    %gather3A_190 = tpu.vector_load_idx %arg6[%add3A_189] : memref<256xf32, #tpu.memory_space<vmem>>[vector<16xi32>], vector<16xf32>,
    %add3A_191 = arith.addf %add3A_180, %gather3A_190 : vector<16xf32>
    %add3A_192 = arith.constant 0 : i32
    %add3A_193 = vector.broadcast %add3A_192 : i32 to vector<16xi32>
    %add3A_194 = arith.addi %add3A_193, %iota3A : vector<16xi32>
    %mul3A_195 = arith.constant 16 : i32
    %mul3A_196 = vector.broadcast %mul3A_195 : i32 to vector<16xi32>
    %mul3A_197 = arith.muli %add3A_194, %mul3A_196 : vector<16xi32>
    %add3A_198 = arith.constant 14 : i32
    %add3A_199 = vector.broadcast %add3A_198 : i32 to vector<16xi32>
    %add3A_200 = arith.addi %mul3A_197, %add3A_199 : vector<16xi32>
    %gather3A_201 = tpu.vector_load_idx %arg6[%add3A_200] : memref<256xf32, #tpu.memory_space<vmem>>[vector<16xi32>], vector<16xf32>,
    %add3A_202 = arith.addf %add3A_191, %gather3A_201 : vector<16xf32>
    %add3A_203 = arith.constant 0 : i32
    %add3A_204 = vector.broadcast %add3A_203 : i32 to vector<16xi32>
    %add3A_205 = arith.addi %add3A_204, %iota3A : vector<16xi32>
    %mul3A_206 = arith.constant 16 : i32
    %mul3A_207 = vector.broadcast %mul3A_206 : i32 to vector<16xi32>
    %mul3A_208 = arith.muli %add3A_205, %mul3A_207 : vector<16xi32>
    %add3A_209 = arith.constant 15 : i32
    %add3A_210 = vector.broadcast %add3A_209 : i32 to vector<16xi32>
    %add3A_211 = arith.addi %mul3A_208, %add3A_210 : vector<16xi32>
    %gather3A_212 = tpu.vector_load_idx %arg6[%add3A_211] : memref<256xf32, #tpu.memory_space<vmem>>[vector<16xi32>], vector<16xf32>,
    %add3A_213 = arith.addf %add3A_202, %gather3A_212 : vector<16xf32>
    %ne3A = arith.constant 0 : i32
    %ne3A_214 = vector.broadcast %ne3A : i32 to vector<16xi32>
    %ne3A_215 = arith.cmpi ne, %get3A_31, %ne3A_214 : vector<16xi32>
    %jit3A = arith.constant 1.000000e+00 : f32
    %jit3A_216 = arith.constant 0.000000e+00 : f32
    %broadcast_in_dim3A_217 = vector.broadcast %jit3A : f32 to vector<16xf32>
    %broadcast_in_dim3A_218 = vector.broadcast %jit3A_216 : f32 to vector<16xf32>
    %select_n3A = arith.select %ne3A_215, %broadcast_in_dim3A_217, %broadcast_in_dim3A_218 : vector<16xi1>, vector<16xf32>
    %sub3A = arith.subf %add3A_213, %scan3A_35#0 : vector<16xf32>
    %sub3A_219 = arith.subf %sub3A, %scan3A_35#1 : vector<16xf32>
    %mul3A_220 = arith.constant 1.000020e-06 : f32
    %mul3A_221 = vector.broadcast %mul3A_220 : f32 to vector<16xf32>
    %mul3A_222 = arith.mulf %mul3A_221, %sub3A_219 : vector<16xf32>
    %sub3A_223 = arith.constant -1.47637355 : f32
    %sub3A_224 = vector.broadcast %sub3A_223 : f32 to vector<16xf32>
    %sub3A_225 = arith.subf %sub3A_224, %mul3A_222 : vector<16xf32>
    %mul3A_226 = arith.constant 0.899999976 : f32
    %mul3A_227 = vector.broadcast %mul3A_226 : f32 to vector<16xf32>
    %mul3A_228 = arith.mulf %mul3A_227, %scan3A_35#1 : vector<16xf32>
    %sub3A_229 = arith.subf %sub3A_225, %mul3A_228 : vector<16xf32>
    %mul3A_230 = arith.mulf %select_n3A, %sub3A_229 : vector<16xf32>
    %add3A_231 = arith.addf %broadcast_in_dim3A_30, %mul3A_230 : vector<16xf32>
    %swap3A = arith.constant 0 : index
    %swap3A_232 = tpu.vector_load %arg7[%swap3A] {strides = array<i32>} : memref<16xf32, #tpu.memory_space<vmem>>, vector<16xf32>,
    tpu.vector_store %arg7[%swap3A], %add3A_231 {strides = array<i32>} : memref<16xf32, #tpu.memory_space<vmem>>, vector<16xf32>,
    "tpu.region"() ({
      %run_scoped3A = tpu.sem_alloc : memref<!tpu.dma_semaphore, #tpu.memory_space<semaphore_mem>>
      %dma_start3A_233 = arith.constant 0 : i32
      %dma_start3A_234 = tpu.memref_slice %arg4[%add3A, %dma_start3A_233] : memref<32x16xf32, #tpu.memory_space<hbm>> -> memref<1x16xf32, #tpu.memory_space<hbm>>
      %dma_start3A_235 = tpu.memref_squeeze %dma_start3A_234 : memref<1x16xf32, #tpu.memory_space<hbm>> -> memref<16xf32, #tpu.memory_space<hbm>>
      %dma_start3A_236 = arith.constant 0 : i32
      %dma_start3A_237 = tpu.memref_slice %arg4[%add3A, %dma_start3A_236] : memref<32x16xf32, #tpu.memory_space<hbm>> -> memref<1x16xf32, #tpu.memory_space<hbm>>
      %dma_start3A_238 = tpu.memref_squeeze %dma_start3A_237 : memref<1x16xf32, #tpu.memory_space<hbm>> -> memref<16xf32, #tpu.memory_space<hbm>>
      tpu.enqueue_dma source(%arg7 : memref<16xf32, #tpu.memory_space<vmem>>) target(%dma_start3A_238 : memref<16xf32, #tpu.memory_space<hbm>>) target_semaphore(%run_scoped3A : memref<!tpu.dma_semaphore, #tpu.memory_space<semaphore_mem>>)
      %dma_wait3A = arith.constant 0 : i32
      %dma_wait3A_239 = tpu.memref_slice %arg4[%add3A, %dma_wait3A] : memref<32x16xf32, #tpu.memory_space<hbm>> -> memref<1x16xf32, #tpu.memory_space<hbm>>
      %dma_wait3A_240 = tpu.memref_squeeze %dma_wait3A_239 : memref<1x16xf32, #tpu.memory_space<hbm>> -> memref<16xf32, #tpu.memory_space<hbm>>
      %dma_wait3A_241 = arith.constant 0 : i32
      %dma_wait3A_242 = tpu.memref_slice %arg4[%add3A, %dma_wait3A_241] : memref<32x16xf32, #tpu.memory_space<hbm>> -> memref<1x16xf32, #tpu.memory_space<hbm>>
      %dma_wait3A_243 = tpu.memref_squeeze %dma_wait3A_242 : memref<1x16xf32, #tpu.memory_space<hbm>> -> memref<16xf32, #tpu.memory_space<hbm>>
      tpu.wait_dma2 semaphore(%run_scoped3A : memref<!tpu.dma_semaphore, #tpu.memory_space<semaphore_mem>>) src(%arg7 : memref<16xf32, #tpu.memory_space<vmem>>) dst(%dma_wait3A_243 : memref<16xf32, #tpu.memory_space<hbm>>)
      tpu.yield
    }) : () -> ()
    return
  }
}

module attributes {stable_mosaic.version = 14 : i64} {
  func.func @_tcm_body(%arg0: memref<1024x100000xf32, #tpu.memory_space<any>>, %arg1: memref<512x1xi32, #tpu.memory_space<vmem>>, %arg2: memref<1x1xf32, #tpu.memory_space<vmem>>, %arg3: memref<512x1024xf32, #tpu.memory_space<vmem>>, %arg4: memref<512x1024xf32, #tpu.memory_space<vmem>>, %arg5: memref<512x1024xf32, #tpu.memory_space<vmem>>, %arg6: memref<512x1024xf32, #tpu.memory_space<vmem>>, %arg7: memref<512x1024xf32, #tpu.memory_space<vmem>>, %arg8: memref<512x1024xf32, #tpu.memory_space<vmem>>, %arg9: memref<512x1024xf32, #tpu.memory_space<vmem>>, %arg10: memref<512x1024xf32, #tpu.memory_space<vmem>>, %arg11: memref<512x1024xf32, #tpu.memory_space<vmem>>, %arg12: memref<512x1024xf32, #tpu.memory_space<vmem>>, %arg13: memref<512x1024xf32, #tpu.memory_space<vmem>>, %arg14: memref<512x1024xf32, #tpu.memory_space<vmem>>, %arg15: memref<!tpu.dma_semaphore, #tpu.memory_space<semaphore_mem>>, %arg16: memref<!tpu.dma_semaphore, #tpu.memory_space<semaphore_mem>>, %arg17: memref<!tpu.dma_semaphore, #tpu.memory_space<semaphore_mem>>, %arg18: memref<!tpu.dma_semaphore, #tpu.memory_space<semaphore_mem>>, %arg19: memref<!tpu.dma_semaphore, #tpu.memory_space<semaphore_mem>>, %arg20: memref<!tpu.dma_semaphore, #tpu.memory_space<semaphore_mem>>, %arg21: memref<!tpu.dma_semaphore, #tpu.memory_space<semaphore_mem>>, %arg22: memref<!tpu.dma_semaphore, #tpu.memory_space<semaphore_mem>>, %arg23: memref<!tpu.dma_semaphore, #tpu.memory_space<semaphore_mem>>, %arg24: memref<!tpu.dma_semaphore, #tpu.memory_space<semaphore_mem>>, %arg25: memref<!tpu.dma_semaphore, #tpu.memory_space<semaphore_mem>>, %arg26: memref<!tpu.dma_semaphore, #tpu.memory_space<semaphore_mem>>, %arg27: memref<512x672xf32, #tpu.memory_space<vmem>>, %arg28: memref<!tpu.dma_semaphore, #tpu.memory_space<semaphore_mem>>) attributes {dimension_semantics = [], scalar_prefetch = 0 : i64, scratch_operands = 26 : i64, tpu.core_type = #tpu.core_type<tc>} {
    %get3A = arith.constant 0 : index
    %get3A_0 = arith.constant 0 : index
    %get3A_1 = vector.load %arg1[%get3A, %get3A_0] : memref<512x1xi32, #tpu.memory_space<vmem>>, vector<512x1xi32>
    %ne3A = arith.constant 0 : i32
    %ne3A_2 = vector.broadcast %ne3A : i32 to vector<512x1xi32>
    %ne3A_3 = arith.cmpi ne, %get3A_1, %ne3A_2 : vector<512x1xi32>
    %convert_element_type3A = arith.extui %ne3A_3 : vector<512x1xi1> to vector<512x1xi32>
    %convert_element_type3A_4 = arith.sitofp %convert_element_type3A : vector<512x1xi32> to vector<512x1xf32>
    %dma_start3A = arith.constant 0 : i32
    %dma_start3A_5 = arith.constant 99328 : i32
    %dma_start3A_6 = tpu.memref_slice %arg0[%dma_start3A, %dma_start3A_5] : memref<1024x100000xf32, #tpu.memory_space<any>> -> memref<512x672xf32, #tpu.memory_space<any>>
    tpu.enqueue_dma source(%dma_start3A_6 : memref<512x672xf32, #tpu.memory_space<any>>) target(%arg27 : memref<512x672xf32, #tpu.memory_space<vmem>>) target_semaphore(%arg28 : memref<!tpu.dma_semaphore, #tpu.memory_space<semaphore_mem>>)
    %dma_start3A_7 = arith.constant 0 : i32
    %dma_start3A_8 = arith.constant 0 : i32
    %dma_start3A_9 = tpu.memref_slice %arg0[%dma_start3A_7, %dma_start3A_8] : memref<1024x100000xf32, #tpu.memory_space<any>> -> memref<512x1024xf32, #tpu.memory_space<any>>
    tpu.enqueue_dma source(%dma_start3A_9 : memref<512x1024xf32, #tpu.memory_space<any>>) target(%arg3 : memref<512x1024xf32, #tpu.memory_space<vmem>>) target_semaphore(%arg15 : memref<!tpu.dma_semaphore, #tpu.memory_space<semaphore_mem>>)
    %dma_start3A_10 = arith.constant 0 : i32
    %dma_start3A_11 = arith.constant 1024 : i32
    %dma_start3A_12 = tpu.memref_slice %arg0[%dma_start3A_10, %dma_start3A_11] : memref<1024x100000xf32, #tpu.memory_space<any>> -> memref<512x1024xf32, #tpu.memory_space<any>>
    tpu.enqueue_dma source(%dma_start3A_12 : memref<512x1024xf32, #tpu.memory_space<any>>) target(%arg4 : memref<512x1024xf32, #tpu.memory_space<vmem>>) target_semaphore(%arg16 : memref<!tpu.dma_semaphore, #tpu.memory_space<semaphore_mem>>)
    %dma_start3A_13 = arith.constant 0 : i32
    %dma_start3A_14 = arith.constant 2048 : i32
    %dma_start3A_15 = tpu.memref_slice %arg0[%dma_start3A_13, %dma_start3A_14] : memref<1024x100000xf32, #tpu.memory_space<any>> -> memref<512x1024xf32, #tpu.memory_space<any>>
    tpu.enqueue_dma source(%dma_start3A_15 : memref<512x1024xf32, #tpu.memory_space<any>>) target(%arg5 : memref<512x1024xf32, #tpu.memory_space<vmem>>) target_semaphore(%arg17 : memref<!tpu.dma_semaphore, #tpu.memory_space<semaphore_mem>>)
    %dma_start3A_16 = arith.constant 0 : i32
    %dma_start3A_17 = arith.constant 3072 : i32
    %dma_start3A_18 = tpu.memref_slice %arg0[%dma_start3A_16, %dma_start3A_17] : memref<1024x100000xf32, #tpu.memory_space<any>> -> memref<512x1024xf32, #tpu.memory_space<any>>
    tpu.enqueue_dma source(%dma_start3A_18 : memref<512x1024xf32, #tpu.memory_space<any>>) target(%arg6 : memref<512x1024xf32, #tpu.memory_space<vmem>>) target_semaphore(%arg18 : memref<!tpu.dma_semaphore, #tpu.memory_space<semaphore_mem>>)
    %dma_start3A_19 = arith.constant 0 : i32
    %dma_start3A_20 = arith.constant 4096 : i32
    %dma_start3A_21 = tpu.memref_slice %arg0[%dma_start3A_19, %dma_start3A_20] : memref<1024x100000xf32, #tpu.memory_space<any>> -> memref<512x1024xf32, #tpu.memory_space<any>>
    tpu.enqueue_dma source(%dma_start3A_21 : memref<512x1024xf32, #tpu.memory_space<any>>) target(%arg7 : memref<512x1024xf32, #tpu.memory_space<vmem>>) target_semaphore(%arg19 : memref<!tpu.dma_semaphore, #tpu.memory_space<semaphore_mem>>)
    %dma_start3A_22 = arith.constant 0 : i32
    %dma_start3A_23 = arith.constant 5120 : i32
    %dma_start3A_24 = tpu.memref_slice %arg0[%dma_start3A_22, %dma_start3A_23] : memref<1024x100000xf32, #tpu.memory_space<any>> -> memref<512x1024xf32, #tpu.memory_space<any>>
    tpu.enqueue_dma source(%dma_start3A_24 : memref<512x1024xf32, #tpu.memory_space<any>>) target(%arg8 : memref<512x1024xf32, #tpu.memory_space<vmem>>) target_semaphore(%arg20 : memref<!tpu.dma_semaphore, #tpu.memory_space<semaphore_mem>>)
    %dma_start3A_25 = arith.constant 0 : i32
    %dma_start3A_26 = arith.constant 6144 : i32
    %dma_start3A_27 = tpu.memref_slice %arg0[%dma_start3A_25, %dma_start3A_26] : memref<1024x100000xf32, #tpu.memory_space<any>> -> memref<512x1024xf32, #tpu.memory_space<any>>
    tpu.enqueue_dma source(%dma_start3A_27 : memref<512x1024xf32, #tpu.memory_space<any>>) target(%arg9 : memref<512x1024xf32, #tpu.memory_space<vmem>>) target_semaphore(%arg21 : memref<!tpu.dma_semaphore, #tpu.memory_space<semaphore_mem>>)
    %dma_start3A_28 = arith.constant 0 : i32
    %dma_start3A_29 = arith.constant 7168 : i32
    %dma_start3A_30 = tpu.memref_slice %arg0[%dma_start3A_28, %dma_start3A_29] : memref<1024x100000xf32, #tpu.memory_space<any>> -> memref<512x1024xf32, #tpu.memory_space<any>>
    tpu.enqueue_dma source(%dma_start3A_30 : memref<512x1024xf32, #tpu.memory_space<any>>) target(%arg10 : memref<512x1024xf32, #tpu.memory_space<vmem>>) target_semaphore(%arg22 : memref<!tpu.dma_semaphore, #tpu.memory_space<semaphore_mem>>)
    %dma_start3A_31 = arith.constant 0 : i32
    %dma_start3A_32 = arith.constant 8192 : i32
    %dma_start3A_33 = tpu.memref_slice %arg0[%dma_start3A_31, %dma_start3A_32] : memref<1024x100000xf32, #tpu.memory_space<any>> -> memref<512x1024xf32, #tpu.memory_space<any>>
    tpu.enqueue_dma source(%dma_start3A_33 : memref<512x1024xf32, #tpu.memory_space<any>>) target(%arg11 : memref<512x1024xf32, #tpu.memory_space<vmem>>) target_semaphore(%arg23 : memref<!tpu.dma_semaphore, #tpu.memory_space<semaphore_mem>>)
    %dma_start3A_34 = arith.constant 0 : i32
    %dma_start3A_35 = arith.constant 9216 : i32
    %dma_start3A_36 = tpu.memref_slice %arg0[%dma_start3A_34, %dma_start3A_35] : memref<1024x100000xf32, #tpu.memory_space<any>> -> memref<512x1024xf32, #tpu.memory_space<any>>
    tpu.enqueue_dma source(%dma_start3A_36 : memref<512x1024xf32, #tpu.memory_space<any>>) target(%arg12 : memref<512x1024xf32, #tpu.memory_space<vmem>>) target_semaphore(%arg24 : memref<!tpu.dma_semaphore, #tpu.memory_space<semaphore_mem>>)
    %dma_start3A_37 = arith.constant 0 : i32
    %dma_start3A_38 = arith.constant 10240 : i32
    %dma_start3A_39 = tpu.memref_slice %arg0[%dma_start3A_37, %dma_start3A_38] : memref<1024x100000xf32, #tpu.memory_space<any>> -> memref<512x1024xf32, #tpu.memory_space<any>>
    tpu.enqueue_dma source(%dma_start3A_39 : memref<512x1024xf32, #tpu.memory_space<any>>) target(%arg13 : memref<512x1024xf32, #tpu.memory_space<vmem>>) target_semaphore(%arg25 : memref<!tpu.dma_semaphore, #tpu.memory_space<semaphore_mem>>)
    %dma_start3A_40 = arith.constant 0 : i32
    %dma_start3A_41 = arith.constant 11264 : i32
    %dma_start3A_42 = tpu.memref_slice %arg0[%dma_start3A_40, %dma_start3A_41] : memref<1024x100000xf32, #tpu.memory_space<any>> -> memref<512x1024xf32, #tpu.memory_space<any>>
    tpu.enqueue_dma source(%dma_start3A_42 : memref<512x1024xf32, #tpu.memory_space<any>>) target(%arg14 : memref<512x1024xf32, #tpu.memory_space<vmem>>) target_semaphore(%arg26 : memref<!tpu.dma_semaphore, #tpu.memory_space<semaphore_mem>>)
    %dma_wait3A = arith.constant 0 : i32
    %dma_wait3A_43 = arith.constant 0 : i32
    %dma_wait3A_44 = tpu.memref_slice %arg0[%dma_wait3A, %dma_wait3A_43] : memref<1024x100000xf32, #tpu.memory_space<any>> -> memref<512x1024xf32, #tpu.memory_space<any>>
    tpu.wait_dma2 semaphore(%arg15 : memref<!tpu.dma_semaphore, #tpu.memory_space<semaphore_mem>>) src(%dma_wait3A_44 : memref<512x1024xf32, #tpu.memory_space<any>>) dst(%arg3 : memref<512x1024xf32, #tpu.memory_space<vmem>>)
    %get3A_45 = arith.constant 0 : index
    %get3A_46 = arith.constant 0 : index
    %get3A_47 = vector.load %arg3[%get3A_45, %get3A_46] : memref<512x1024xf32, #tpu.memory_space<vmem>>, vector<512x1024xf32>
    %slice3A = vector.extract_strided_slice %get3A_47 {offsets = [0, 0], sizes = [512, 1], strides = [1, 1]} : vector<512x1024xf32> to vector<512x1xf32>
    %mul3A = arith.mulf %convert_element_type3A_4, %slice3A : vector<512x1xf32>
    %reduce_sum3A = vector.shape_cast %mul3A : vector<512x1xf32> to vector<1x512x1xf32>
    %reduce_sum3A_48 = arith.constant dense<0.000000e+00> : vector<1xf32>
    %reduce_sum3A_49 = vector.multi_reduction <add>, %reduce_sum3A, %reduce_sum3A_48 [1, 2] : vector<1x512x1xf32> to vector<1xf32>
    %reduce_sum3A_50 = vector.shape_cast %reduce_sum3A_49 : vector<1xf32> to vector<1x1x1xf32>
    %reduce_sum3A_51 = vector.extract %reduce_sum3A_50[0, 0, 0] : f32 from vector<1x1x1xf32>
    %mul3A_52 = arith.constant 1.000020e-06 : f32
    %mul3A_53 = arith.mulf %mul3A_52, %reduce_sum3A_51 : f32
    %add3A = arith.constant 0.000000e+00 : f32
    %add3A_54 = arith.addf %add3A, %mul3A_53 : f32
    %reduce_sum3A_55 = vector.shape_cast %convert_element_type3A_4 : vector<512x1xf32> to vector<1x512x1xf32>
    %reduce_sum3A_56 = arith.constant dense<0.000000e+00> : vector<1xf32>
    %reduce_sum3A_57 = vector.multi_reduction <add>, %reduce_sum3A_55, %reduce_sum3A_56 [1, 2] : vector<1x512x1xf32> to vector<1xf32>
    %reduce_sum3A_58 = vector.shape_cast %reduce_sum3A_57 : vector<1xf32> to vector<1x1x1xf32>
    %reduce_sum3A_59 = vector.extract %reduce_sum3A_58[0, 0, 0] : f32 from vector<1x1x1xf32>
    %mul3A_60 = arith.constant -1.47637355 : f32
    %mul3A_61 = arith.mulf %mul3A_60, %reduce_sum3A_59 : f32
    %add3A_62 = arith.addf %add3A_54, %mul3A_61 : f32
    %iota3A = tpu.iota {dimensions = array<i32: 1>} : vector<512x1024xi32>
    %add3A_63 = arith.constant 0 : i32
    %add3A_64 = vector.broadcast %add3A_63 : i32 to vector<512x1024xi32>
    %add3A_65 = arith.addi %add3A_64, %iota3A : vector<512x1024xi32>
    %reduce_sum3A_66 = arith.constant dense<0.000000e+00> : vector<512xf32>
    %reduce_sum3A_67 = vector.multi_reduction <add>, %get3A_47, %reduce_sum3A_66 [1] : vector<512x1024xf32> to vector<512xf32>
    %broadcast_in_dim3A = vector.shape_cast %reduce_sum3A_67 : vector<512xf32> to vector<512x1xf32>
    %mul3A_68 = arith.mulf %broadcast_in_dim3A, %convert_element_type3A_4 : vector<512x1xf32>
    %reduce_sum3A_69 = vector.shape_cast %mul3A_68 : vector<512x1xf32> to vector<1x512x1xf32>
    %reduce_sum3A_70 = arith.constant dense<0.000000e+00> : vector<1xf32>
    %reduce_sum3A_71 = vector.multi_reduction <add>, %reduce_sum3A_69, %reduce_sum3A_70 [1, 2] : vector<1x512x1xf32> to vector<1xf32>
    %reduce_sum3A_72 = vector.shape_cast %reduce_sum3A_71 : vector<1xf32> to vector<1x1x1xf32>
    %reduce_sum3A_73 = vector.extract %reduce_sum3A_72[0, 0, 0] : f32 from vector<1x1x1xf32>
    %mul3A_74 = arith.constant 1.000020e-06 : f32
    %mul3A_75 = arith.mulf %mul3A_74, %reduce_sum3A_73 : f32
    %sub3A = arith.subf %add3A_62, %mul3A_75 : f32
    %eq3A = vector.broadcast %get3A_1 : vector<512x1xi32> to vector<512x1024xi32>
    %eq3A_76 = arith.cmpi eq, %add3A_65, %eq3A : vector<512x1024xi32>
    %ne3A_77 = arith.constant 0 : i32
    %ne3A_78 = vector.broadcast %ne3A_77 : i32 to vector<512x1xi32>
    %ne3A_79 = arith.cmpi ne, %get3A_1, %ne3A_78 : vector<512x1xi32>
    %and3A = vector.broadcast %ne3A_79 : vector<512x1xi1> to vector<512x1024xi1>
    %and3A_80 = arith.andi %eq3A_76, %and3A : vector<512x1024xi1>
    %jit3A = arith.constant 0.000000e+00 : f32
    %broadcast_in_dim3A_81 = vector.broadcast %jit3A : f32 to vector<512x1024xf32>
    %select_n3A = arith.select %and3A_80, %get3A_47, %broadcast_in_dim3A_81 : vector<512x1024xi1>, vector<512x1024xf32>
    %reduce_sum3A_82 = vector.shape_cast %select_n3A : vector<512x1024xf32> to vector<1x512x1024xf32>
    %reduce_sum3A_83 = arith.constant dense<0.000000e+00> : vector<1xf32>
    %reduce_sum3A_84 = vector.multi_reduction <add>, %reduce_sum3A_82, %reduce_sum3A_83 [1, 2] : vector<1x512x1024xf32> to vector<1xf32>
    %reduce_sum3A_85 = vector.shape_cast %reduce_sum3A_84 : vector<1xf32> to vector<1x1x1xf32>
    %reduce_sum3A_86 = vector.extract %reduce_sum3A_85[0, 0, 0] : f32 from vector<1x1x1xf32>
    %mul3A_87 = arith.constant -8.999990e-01 : f32
    %mul3A_88 = arith.mulf %mul3A_87, %reduce_sum3A_86 : f32
    %add3A_89 = arith.addf %sub3A, %mul3A_88 : f32
    %dma_start3A_90 = arith.constant 0 : i32
    %dma_start3A_91 = arith.constant 12288 : i32
    %dma_start3A_92 = tpu.memref_slice %arg0[%dma_start3A_90, %dma_start3A_91] : memref<1024x100000xf32, #tpu.memory_space<any>> -> memref<512x1024xf32, #tpu.memory_space<any>>
    tpu.enqueue_dma source(%dma_start3A_92 : memref<512x1024xf32, #tpu.memory_space<any>>) target(%arg3 : memref<512x1024xf32, #tpu.memory_space<vmem>>) target_semaphore(%arg15 : memref<!tpu.dma_semaphore, #tpu.memory_space<semaphore_mem>>)
    %dma_wait3A_93 = arith.constant 0 : i32
    %dma_wait3A_94 = arith.constant 1024 : i32
    %dma_wait3A_95 = tpu.memref_slice %arg0[%dma_wait3A_93, %dma_wait3A_94] : memref<1024x100000xf32, #tpu.memory_space<any>> -> memref<512x1024xf32, #tpu.memory_space<any>>
    tpu.wait_dma2 semaphore(%arg16 : memref<!tpu.dma_semaphore, #tpu.memory_space<semaphore_mem>>) src(%dma_wait3A_95 : memref<512x1024xf32, #tpu.memory_space<any>>) dst(%arg4 : memref<512x1024xf32, #tpu.memory_space<vmem>>)
    %get3A_96 = arith.constant 0 : index
    %get3A_97 = arith.constant 0 : index
    %get3A_98 = vector.load %arg4[%get3A_96, %get3A_97] : memref<512x1024xf32, #tpu.memory_space<vmem>>, vector<512x1024xf32>
    %iota3A_99 = tpu.iota {dimensions = array<i32: 1>} : vector<512x1024xi32>
    %add3A_100 = arith.constant 1024 : i32
    %add3A_101 = vector.broadcast %add3A_100 : i32 to vector<512x1024xi32>
    %add3A_102 = arith.addi %add3A_101, %iota3A_99 : vector<512x1024xi32>
    %reduce_sum3A_103 = arith.constant dense<0.000000e+00> : vector<512xf32>
    %reduce_sum3A_104 = vector.multi_reduction <add>, %get3A_98, %reduce_sum3A_103 [1] : vector<512x1024xf32> to vector<512xf32>
    %broadcast_in_dim3A_105 = vector.shape_cast %reduce_sum3A_104 : vector<512xf32> to vector<512x1xf32>
    %mul3A_106 = arith.mulf %broadcast_in_dim3A_105, %convert_element_type3A_4 : vector<512x1xf32>
    %reduce_sum3A_107 = vector.shape_cast %mul3A_106 : vector<512x1xf32> to vector<1x512x1xf32>
    %reduce_sum3A_108 = arith.constant dense<0.000000e+00> : vector<1xf32>
    %reduce_sum3A_109 = vector.multi_reduction <add>, %reduce_sum3A_107, %reduce_sum3A_108 [1, 2] : vector<1x512x1xf32> to vector<1xf32>
    %reduce_sum3A_110 = vector.shape_cast %reduce_sum3A_109 : vector<1xf32> to vector<1x1x1xf32>
    %reduce_sum3A_111 = vector.extract %reduce_sum3A_110[0, 0, 0] : f32 from vector<1x1x1xf32>
    %mul3A_112 = arith.constant 1.000020e-06 : f32
    %mul3A_113 = arith.mulf %mul3A_112, %reduce_sum3A_111 : f32
    %sub3A_114 = arith.subf %add3A_89, %mul3A_113 : f32
    %eq3A_115 = vector.broadcast %get3A_1 : vector<512x1xi32> to vector<512x1024xi32>
    %eq3A_116 = arith.cmpi eq, %add3A_102, %eq3A_115 : vector<512x1024xi32>
    %ne3A_117 = arith.constant 0 : i32
    %ne3A_118 = vector.broadcast %ne3A_117 : i32 to vector<512x1xi32>
    %ne3A_119 = arith.cmpi ne, %get3A_1, %ne3A_118 : vector<512x1xi32>
    %and3A_120 = vector.broadcast %ne3A_119 : vector<512x1xi1> to vector<512x1024xi1>
    %and3A_121 = arith.andi %eq3A_116, %and3A_120 : vector<512x1024xi1>
    %jit3A_122 = arith.constant 0.000000e+00 : f32
    %broadcast_in_dim3A_123 = vector.broadcast %jit3A_122 : f32 to vector<512x1024xf32>
    %select_n3A_124 = arith.select %and3A_121, %get3A_98, %broadcast_in_dim3A_123 : vector<512x1024xi1>, vector<512x1024xf32>
    %reduce_sum3A_125 = vector.shape_cast %select_n3A_124 : vector<512x1024xf32> to vector<1x512x1024xf32>
    %reduce_sum3A_126 = arith.constant dense<0.000000e+00> : vector<1xf32>
    %reduce_sum3A_127 = vector.multi_reduction <add>, %reduce_sum3A_125, %reduce_sum3A_126 [1, 2] : vector<1x512x1024xf32> to vector<1xf32>
    %reduce_sum3A_128 = vector.shape_cast %reduce_sum3A_127 : vector<1xf32> to vector<1x1x1xf32>
    %reduce_sum3A_129 = vector.extract %reduce_sum3A_128[0, 0, 0] : f32 from vector<1x1x1xf32>
    %mul3A_130 = arith.constant -8.999990e-01 : f32
    %mul3A_131 = arith.mulf %mul3A_130, %reduce_sum3A_129 : f32
    %add3A_132 = arith.addf %sub3A_114, %mul3A_131 : f32
    %dma_start3A_133 = arith.constant 0 : i32
    %dma_start3A_134 = arith.constant 13312 : i32
    %dma_start3A_135 = tpu.memref_slice %arg0[%dma_start3A_133, %dma_start3A_134] : memref<1024x100000xf32, #tpu.memory_space<any>> -> memref<512x1024xf32, #tpu.memory_space<any>>
    tpu.enqueue_dma source(%dma_start3A_135 : memref<512x1024xf32, #tpu.memory_space<any>>) target(%arg4 : memref<512x1024xf32, #tpu.memory_space<vmem>>) target_semaphore(%arg16 : memref<!tpu.dma_semaphore, #tpu.memory_space<semaphore_mem>>)
    %dma_wait3A_136 = arith.constant 0 : i32
    %dma_wait3A_137 = arith.constant 2048 : i32
    %dma_wait3A_138 = tpu.memref_slice %arg0[%dma_wait3A_136, %dma_wait3A_137] : memref<1024x100000xf32, #tpu.memory_space<any>> -> memref<512x1024xf32, #tpu.memory_space<any>>
    tpu.wait_dma2 semaphore(%arg17 : memref<!tpu.dma_semaphore, #tpu.memory_space<semaphore_mem>>) src(%dma_wait3A_138 : memref<512x1024xf32, #tpu.memory_space<any>>) dst(%arg5 : memref<512x1024xf32, #tpu.memory_space<vmem>>)
    %get3A_139 = arith.constant 0 : index
    %get3A_140 = arith.constant 0 : index
    %get3A_141 = vector.load %arg5[%get3A_139, %get3A_140] : memref<512x1024xf32, #tpu.memory_space<vmem>>, vector<512x1024xf32>
    %iota3A_142 = tpu.iota {dimensions = array<i32: 1>} : vector<512x1024xi32>
    %add3A_143 = arith.constant 2048 : i32
    %add3A_144 = vector.broadcast %add3A_143 : i32 to vector<512x1024xi32>
    %add3A_145 = arith.addi %add3A_144, %iota3A_142 : vector<512x1024xi32>
    %reduce_sum3A_146 = arith.constant dense<0.000000e+00> : vector<512xf32>
    %reduce_sum3A_147 = vector.multi_reduction <add>, %get3A_141, %reduce_sum3A_146 [1] : vector<512x1024xf32> to vector<512xf32>
    %broadcast_in_dim3A_148 = vector.shape_cast %reduce_sum3A_147 : vector<512xf32> to vector<512x1xf32>
    %mul3A_149 = arith.mulf %broadcast_in_dim3A_148, %convert_element_type3A_4 : vector<512x1xf32>
    %reduce_sum3A_150 = vector.shape_cast %mul3A_149 : vector<512x1xf32> to vector<1x512x1xf32>
    %reduce_sum3A_151 = arith.constant dense<0.000000e+00> : vector<1xf32>
    %reduce_sum3A_152 = vector.multi_reduction <add>, %reduce_sum3A_150, %reduce_sum3A_151 [1, 2] : vector<1x512x1xf32> to vector<1xf32>
    %reduce_sum3A_153 = vector.shape_cast %reduce_sum3A_152 : vector<1xf32> to vector<1x1x1xf32>
    %reduce_sum3A_154 = vector.extract %reduce_sum3A_153[0, 0, 0] : f32 from vector<1x1x1xf32>
    %mul3A_155 = arith.constant 1.000020e-06 : f32
    %mul3A_156 = arith.mulf %mul3A_155, %reduce_sum3A_154 : f32
    %sub3A_157 = arith.subf %add3A_132, %mul3A_156 : f32
    %eq3A_158 = vector.broadcast %get3A_1 : vector<512x1xi32> to vector<512x1024xi32>
    %eq3A_159 = arith.cmpi eq, %add3A_145, %eq3A_158 : vector<512x1024xi32>
    %ne3A_160 = arith.constant 0 : i32
    %ne3A_161 = vector.broadcast %ne3A_160 : i32 to vector<512x1xi32>
    %ne3A_162 = arith.cmpi ne, %get3A_1, %ne3A_161 : vector<512x1xi32>
    %and3A_163 = vector.broadcast %ne3A_162 : vector<512x1xi1> to vector<512x1024xi1>
    %and3A_164 = arith.andi %eq3A_159, %and3A_163 : vector<512x1024xi1>
    %jit3A_165 = arith.constant 0.000000e+00 : f32
    %broadcast_in_dim3A_166 = vector.broadcast %jit3A_165 : f32 to vector<512x1024xf32>
    %select_n3A_167 = arith.select %and3A_164, %get3A_141, %broadcast_in_dim3A_166 : vector<512x1024xi1>, vector<512x1024xf32>
    %reduce_sum3A_168 = vector.shape_cast %select_n3A_167 : vector<512x1024xf32> to vector<1x512x1024xf32>
    %reduce_sum3A_169 = arith.constant dense<0.000000e+00> : vector<1xf32>
    %reduce_sum3A_170 = vector.multi_reduction <add>, %reduce_sum3A_168, %reduce_sum3A_169 [1, 2] : vector<1x512x1024xf32> to vector<1xf32>
    %reduce_sum3A_171 = vector.shape_cast %reduce_sum3A_170 : vector<1xf32> to vector<1x1x1xf32>
    %reduce_sum3A_172 = vector.extract %reduce_sum3A_171[0, 0, 0] : f32 from vector<1x1x1xf32>
    %mul3A_173 = arith.constant -8.999990e-01 : f32
    %mul3A_174 = arith.mulf %mul3A_173, %reduce_sum3A_172 : f32
    %add3A_175 = arith.addf %sub3A_157, %mul3A_174 : f32
    %dma_start3A_176 = arith.constant 0 : i32
    %dma_start3A_177 = arith.constant 14336 : i32
    %dma_start3A_178 = tpu.memref_slice %arg0[%dma_start3A_176, %dma_start3A_177] : memref<1024x100000xf32, #tpu.memory_space<any>> -> memref<512x1024xf32, #tpu.memory_space<any>>
    tpu.enqueue_dma source(%dma_start3A_178 : memref<512x1024xf32, #tpu.memory_space<any>>) target(%arg5 : memref<512x1024xf32, #tpu.memory_space<vmem>>) target_semaphore(%arg17 : memref<!tpu.dma_semaphore, #tpu.memory_space<semaphore_mem>>)
    %dma_wait3A_179 = arith.constant 0 : i32
    %dma_wait3A_180 = arith.constant 3072 : i32
    %dma_wait3A_181 = tpu.memref_slice %arg0[%dma_wait3A_179, %dma_wait3A_180] : memref<1024x100000xf32, #tpu.memory_space<any>> -> memref<512x1024xf32, #tpu.memory_space<any>>
    tpu.wait_dma2 semaphore(%arg18 : memref<!tpu.dma_semaphore, #tpu.memory_space<semaphore_mem>>) src(%dma_wait3A_181 : memref<512x1024xf32, #tpu.memory_space<any>>) dst(%arg6 : memref<512x1024xf32, #tpu.memory_space<vmem>>)
    %get3A_182 = arith.constant 0 : index
    %get3A_183 = arith.constant 0 : index
    %get3A_184 = vector.load %arg6[%get3A_182, %get3A_183] : memref<512x1024xf32, #tpu.memory_space<vmem>>, vector<512x1024xf32>
    %iota3A_185 = tpu.iota {dimensions = array<i32: 1>} : vector<512x1024xi32>
    %add3A_186 = arith.constant 3072 : i32
    %add3A_187 = vector.broadcast %add3A_186 : i32 to vector<512x1024xi32>
    %add3A_188 = arith.addi %add3A_187, %iota3A_185 : vector<512x1024xi32>
    %reduce_sum3A_189 = arith.constant dense<0.000000e+00> : vector<512xf32>
    %reduce_sum3A_190 = vector.multi_reduction <add>, %get3A_184, %reduce_sum3A_189 [1] : vector<512x1024xf32> to vector<512xf32>
    %broadcast_in_dim3A_191 = vector.shape_cast %reduce_sum3A_190 : vector<512xf32> to vector<512x1xf32>
    %mul3A_192 = arith.mulf %broadcast_in_dim3A_191, %convert_element_type3A_4 : vector<512x1xf32>
    %reduce_sum3A_193 = vector.shape_cast %mul3A_192 : vector<512x1xf32> to vector<1x512x1xf32>
    %reduce_sum3A_194 = arith.constant dense<0.000000e+00> : vector<1xf32>
    %reduce_sum3A_195 = vector.multi_reduction <add>, %reduce_sum3A_193, %reduce_sum3A_194 [1, 2] : vector<1x512x1xf32> to vector<1xf32>
    %reduce_sum3A_196 = vector.shape_cast %reduce_sum3A_195 : vector<1xf32> to vector<1x1x1xf32>
    %reduce_sum3A_197 = vector.extract %reduce_sum3A_196[0, 0, 0] : f32 from vector<1x1x1xf32>
    %mul3A_198 = arith.constant 1.000020e-06 : f32
    %mul3A_199 = arith.mulf %mul3A_198, %reduce_sum3A_197 : f32
    %sub3A_200 = arith.subf %add3A_175, %mul3A_199 : f32
    %eq3A_201 = vector.broadcast %get3A_1 : vector<512x1xi32> to vector<512x1024xi32>
    %eq3A_202 = arith.cmpi eq, %add3A_188, %eq3A_201 : vector<512x1024xi32>
    %ne3A_203 = arith.constant 0 : i32
    %ne3A_204 = vector.broadcast %ne3A_203 : i32 to vector<512x1xi32>
    %ne3A_205 = arith.cmpi ne, %get3A_1, %ne3A_204 : vector<512x1xi32>
    %and3A_206 = vector.broadcast %ne3A_205 : vector<512x1xi1> to vector<512x1024xi1>
    %and3A_207 = arith.andi %eq3A_202, %and3A_206 : vector<512x1024xi1>
    %jit3A_208 = arith.constant 0.000000e+00 : f32
    %broadcast_in_dim3A_209 = vector.broadcast %jit3A_208 : f32 to vector<512x1024xf32>
    %select_n3A_210 = arith.select %and3A_207, %get3A_184, %broadcast_in_dim3A_209 : vector<512x1024xi1>, vector<512x1024xf32>
    %reduce_sum3A_211 = vector.shape_cast %select_n3A_210 : vector<512x1024xf32> to vector<1x512x1024xf32>
    %reduce_sum3A_212 = arith.constant dense<0.000000e+00> : vector<1xf32>
    %reduce_sum3A_213 = vector.multi_reduction <add>, %reduce_sum3A_211, %reduce_sum3A_212 [1, 2] : vector<1x512x1024xf32> to vector<1xf32>
    %reduce_sum3A_214 = vector.shape_cast %reduce_sum3A_213 : vector<1xf32> to vector<1x1x1xf32>
    %reduce_sum3A_215 = vector.extract %reduce_sum3A_214[0, 0, 0] : f32 from vector<1x1x1xf32>
    %mul3A_216 = arith.constant -8.999990e-01 : f32
    %mul3A_217 = arith.mulf %mul3A_216, %reduce_sum3A_215 : f32
    %add3A_218 = arith.addf %sub3A_200, %mul3A_217 : f32
    %dma_start3A_219 = arith.constant 0 : i32
    %dma_start3A_220 = arith.constant 15360 : i32
    %dma_start3A_221 = tpu.memref_slice %arg0[%dma_start3A_219, %dma_start3A_220] : memref<1024x100000xf32, #tpu.memory_space<any>> -> memref<512x1024xf32, #tpu.memory_space<any>>
    tpu.enqueue_dma source(%dma_start3A_221 : memref<512x1024xf32, #tpu.memory_space<any>>) target(%arg6 : memref<512x1024xf32, #tpu.memory_space<vmem>>) target_semaphore(%arg18 : memref<!tpu.dma_semaphore, #tpu.memory_space<semaphore_mem>>)
    %dma_wait3A_222 = arith.constant 0 : i32
    %dma_wait3A_223 = arith.constant 4096 : i32
    %dma_wait3A_224 = tpu.memref_slice %arg0[%dma_wait3A_222, %dma_wait3A_223] : memref<1024x100000xf32, #tpu.memory_space<any>> -> memref<512x1024xf32, #tpu.memory_space<any>>
    tpu.wait_dma2 semaphore(%arg19 : memref<!tpu.dma_semaphore, #tpu.memory_space<semaphore_mem>>) src(%dma_wait3A_224 : memref<512x1024xf32, #tpu.memory_space<any>>) dst(%arg7 : memref<512x1024xf32, #tpu.memory_space<vmem>>)
    %get3A_225 = arith.constant 0 : index
    %get3A_226 = arith.constant 0 : index
    %get3A_227 = vector.load %arg7[%get3A_225, %get3A_226] : memref<512x1024xf32, #tpu.memory_space<vmem>>, vector<512x1024xf32>
    %iota3A_228 = tpu.iota {dimensions = array<i32: 1>} : vector<512x1024xi32>
    %add3A_229 = arith.constant 4096 : i32
    %add3A_230 = vector.broadcast %add3A_229 : i32 to vector<512x1024xi32>
    %add3A_231 = arith.addi %add3A_230, %iota3A_228 : vector<512x1024xi32>
    %reduce_sum3A_232 = arith.constant dense<0.000000e+00> : vector<512xf32>
    %reduce_sum3A_233 = vector.multi_reduction <add>, %get3A_227, %reduce_sum3A_232 [1] : vector<512x1024xf32> to vector<512xf32>
    %broadcast_in_dim3A_234 = vector.shape_cast %reduce_sum3A_233 : vector<512xf32> to vector<512x1xf32>
    %mul3A_235 = arith.mulf %broadcast_in_dim3A_234, %convert_element_type3A_4 : vector<512x1xf32>
    %reduce_sum3A_236 = vector.shape_cast %mul3A_235 : vector<512x1xf32> to vector<1x512x1xf32>
    %reduce_sum3A_237 = arith.constant dense<0.000000e+00> : vector<1xf32>
    %reduce_sum3A_238 = vector.multi_reduction <add>, %reduce_sum3A_236, %reduce_sum3A_237 [1, 2] : vector<1x512x1xf32> to vector<1xf32>
    %reduce_sum3A_239 = vector.shape_cast %reduce_sum3A_238 : vector<1xf32> to vector<1x1x1xf32>
    %reduce_sum3A_240 = vector.extract %reduce_sum3A_239[0, 0, 0] : f32 from vector<1x1x1xf32>
    %mul3A_241 = arith.constant 1.000020e-06 : f32
    %mul3A_242 = arith.mulf %mul3A_241, %reduce_sum3A_240 : f32
    %sub3A_243 = arith.subf %add3A_218, %mul3A_242 : f32
    %eq3A_244 = vector.broadcast %get3A_1 : vector<512x1xi32> to vector<512x1024xi32>
    %eq3A_245 = arith.cmpi eq, %add3A_231, %eq3A_244 : vector<512x1024xi32>
    %ne3A_246 = arith.constant 0 : i32
    %ne3A_247 = vector.broadcast %ne3A_246 : i32 to vector<512x1xi32>
    %ne3A_248 = arith.cmpi ne, %get3A_1, %ne3A_247 : vector<512x1xi32>
    %and3A_249 = vector.broadcast %ne3A_248 : vector<512x1xi1> to vector<512x1024xi1>
    %and3A_250 = arith.andi %eq3A_245, %and3A_249 : vector<512x1024xi1>
    %jit3A_251 = arith.constant 0.000000e+00 : f32
    %broadcast_in_dim3A_252 = vector.broadcast %jit3A_251 : f32 to vector<512x1024xf32>
    %select_n3A_253 = arith.select %and3A_250, %get3A_227, %broadcast_in_dim3A_252 : vector<512x1024xi1>, vector<512x1024xf32>
    %reduce_sum3A_254 = vector.shape_cast %select_n3A_253 : vector<512x1024xf32> to vector<1x512x1024xf32>
    %reduce_sum3A_255 = arith.constant dense<0.000000e+00> : vector<1xf32>
    %reduce_sum3A_256 = vector.multi_reduction <add>, %reduce_sum3A_254, %reduce_sum3A_255 [1, 2] : vector<1x512x1024xf32> to vector<1xf32>
    %reduce_sum3A_257 = vector.shape_cast %reduce_sum3A_256 : vector<1xf32> to vector<1x1x1xf32>
    %reduce_sum3A_258 = vector.extract %reduce_sum3A_257[0, 0, 0] : f32 from vector<1x1x1xf32>
    %mul3A_259 = arith.constant -8.999990e-01 : f32
    %mul3A_260 = arith.mulf %mul3A_259, %reduce_sum3A_258 : f32
    %add3A_261 = arith.addf %sub3A_243, %mul3A_260 : f32
    %dma_start3A_262 = arith.constant 0 : i32
    %dma_start3A_263 = arith.constant 16384 : i32
    %dma_start3A_264 = tpu.memref_slice %arg0[%dma_start3A_262, %dma_start3A_263] : memref<1024x100000xf32, #tpu.memory_space<any>> -> memref<512x1024xf32, #tpu.memory_space<any>>
    tpu.enqueue_dma source(%dma_start3A_264 : memref<512x1024xf32, #tpu.memory_space<any>>) target(%arg7 : memref<512x1024xf32, #tpu.memory_space<vmem>>) target_semaphore(%arg19 : memref<!tpu.dma_semaphore, #tpu.memory_space<semaphore_mem>>)
    %dma_wait3A_265 = arith.constant 0 : i32
    %dma_wait3A_266 = arith.constant 5120 : i32
    %dma_wait3A_267 = tpu.memref_slice %arg0[%dma_wait3A_265, %dma_wait3A_266] : memref<1024x100000xf32, #tpu.memory_space<any>> -> memref<512x1024xf32, #tpu.memory_space<any>>
    tpu.wait_dma2 semaphore(%arg20 : memref<!tpu.dma_semaphore, #tpu.memory_space<semaphore_mem>>) src(%dma_wait3A_267 : memref<512x1024xf32, #tpu.memory_space<any>>) dst(%arg8 : memref<512x1024xf32, #tpu.memory_space<vmem>>)
    %get3A_268 = arith.constant 0 : index
    %get3A_269 = arith.constant 0 : index
    %get3A_270 = vector.load %arg8[%get3A_268, %get3A_269] : memref<512x1024xf32, #tpu.memory_space<vmem>>, vector<512x1024xf32>
    %iota3A_271 = tpu.iota {dimensions = array<i32: 1>} : vector<512x1024xi32>
    %add3A_272 = arith.constant 5120 : i32
    %add3A_273 = vector.broadcast %add3A_272 : i32 to vector<512x1024xi32>
    %add3A_274 = arith.addi %add3A_273, %iota3A_271 : vector<512x1024xi32>
    %reduce_sum3A_275 = arith.constant dense<0.000000e+00> : vector<512xf32>
    %reduce_sum3A_276 = vector.multi_reduction <add>, %get3A_270, %reduce_sum3A_275 [1] : vector<512x1024xf32> to vector<512xf32>
    %broadcast_in_dim3A_277 = vector.shape_cast %reduce_sum3A_276 : vector<512xf32> to vector<512x1xf32>
    %mul3A_278 = arith.mulf %broadcast_in_dim3A_277, %convert_element_type3A_4 : vector<512x1xf32>
    %reduce_sum3A_279 = vector.shape_cast %mul3A_278 : vector<512x1xf32> to vector<1x512x1xf32>
    %reduce_sum3A_280 = arith.constant dense<0.000000e+00> : vector<1xf32>
    %reduce_sum3A_281 = vector.multi_reduction <add>, %reduce_sum3A_279, %reduce_sum3A_280 [1, 2] : vector<1x512x1xf32> to vector<1xf32>
    %reduce_sum3A_282 = vector.shape_cast %reduce_sum3A_281 : vector<1xf32> to vector<1x1x1xf32>
    %reduce_sum3A_283 = vector.extract %reduce_sum3A_282[0, 0, 0] : f32 from vector<1x1x1xf32>
    %mul3A_284 = arith.constant 1.000020e-06 : f32
    %mul3A_285 = arith.mulf %mul3A_284, %reduce_sum3A_283 : f32
    %sub3A_286 = arith.subf %add3A_261, %mul3A_285 : f32
    %eq3A_287 = vector.broadcast %get3A_1 : vector<512x1xi32> to vector<512x1024xi32>
    %eq3A_288 = arith.cmpi eq, %add3A_274, %eq3A_287 : vector<512x1024xi32>
    %ne3A_289 = arith.constant 0 : i32
    %ne3A_290 = vector.broadcast %ne3A_289 : i32 to vector<512x1xi32>
    %ne3A_291 = arith.cmpi ne, %get3A_1, %ne3A_290 : vector<512x1xi32>
    %and3A_292 = vector.broadcast %ne3A_291 : vector<512x1xi1> to vector<512x1024xi1>
    %and3A_293 = arith.andi %eq3A_288, %and3A_292 : vector<512x1024xi1>
    %jit3A_294 = arith.constant 0.000000e+00 : f32
    %broadcast_in_dim3A_295 = vector.broadcast %jit3A_294 : f32 to vector<512x1024xf32>
    %select_n3A_296 = arith.select %and3A_293, %get3A_270, %broadcast_in_dim3A_295 : vector<512x1024xi1>, vector<512x1024xf32>
    %reduce_sum3A_297 = vector.shape_cast %select_n3A_296 : vector<512x1024xf32> to vector<1x512x1024xf32>
    %reduce_sum3A_298 = arith.constant dense<0.000000e+00> : vector<1xf32>
    %reduce_sum3A_299 = vector.multi_reduction <add>, %reduce_sum3A_297, %reduce_sum3A_298 [1, 2] : vector<1x512x1024xf32> to vector<1xf32>
    %reduce_sum3A_300 = vector.shape_cast %reduce_sum3A_299 : vector<1xf32> to vector<1x1x1xf32>
    %reduce_sum3A_301 = vector.extract %reduce_sum3A_300[0, 0, 0] : f32 from vector<1x1x1xf32>
    %mul3A_302 = arith.constant -8.999990e-01 : f32
    %mul3A_303 = arith.mulf %mul3A_302, %reduce_sum3A_301 : f32
    %add3A_304 = arith.addf %sub3A_286, %mul3A_303 : f32
    %dma_start3A_305 = arith.constant 0 : i32
    %dma_start3A_306 = arith.constant 17408 : i32
    %dma_start3A_307 = tpu.memref_slice %arg0[%dma_start3A_305, %dma_start3A_306] : memref<1024x100000xf32, #tpu.memory_space<any>> -> memref<512x1024xf32, #tpu.memory_space<any>>
    tpu.enqueue_dma source(%dma_start3A_307 : memref<512x1024xf32, #tpu.memory_space<any>>) target(%arg8 : memref<512x1024xf32, #tpu.memory_space<vmem>>) target_semaphore(%arg20 : memref<!tpu.dma_semaphore, #tpu.memory_space<semaphore_mem>>)
    %dma_wait3A_308 = arith.constant 0 : i32
    %dma_wait3A_309 = arith.constant 6144 : i32
    %dma_wait3A_310 = tpu.memref_slice %arg0[%dma_wait3A_308, %dma_wait3A_309] : memref<1024x100000xf32, #tpu.memory_space<any>> -> memref<512x1024xf32, #tpu.memory_space<any>>
    tpu.wait_dma2 semaphore(%arg21 : memref<!tpu.dma_semaphore, #tpu.memory_space<semaphore_mem>>) src(%dma_wait3A_310 : memref<512x1024xf32, #tpu.memory_space<any>>) dst(%arg9 : memref<512x1024xf32, #tpu.memory_space<vmem>>)
    %get3A_311 = arith.constant 0 : index
    %get3A_312 = arith.constant 0 : index
    %get3A_313 = vector.load %arg9[%get3A_311, %get3A_312] : memref<512x1024xf32, #tpu.memory_space<vmem>>, vector<512x1024xf32>
    %iota3A_314 = tpu.iota {dimensions = array<i32: 1>} : vector<512x1024xi32>
    %add3A_315 = arith.constant 6144 : i32
    %add3A_316 = vector.broadcast %add3A_315 : i32 to vector<512x1024xi32>
    %add3A_317 = arith.addi %add3A_316, %iota3A_314 : vector<512x1024xi32>
    %reduce_sum3A_318 = arith.constant dense<0.000000e+00> : vector<512xf32>
    %reduce_sum3A_319 = vector.multi_reduction <add>, %get3A_313, %reduce_sum3A_318 [1] : vector<512x1024xf32> to vector<512xf32>
    %broadcast_in_dim3A_320 = vector.shape_cast %reduce_sum3A_319 : vector<512xf32> to vector<512x1xf32>
    %mul3A_321 = arith.mulf %broadcast_in_dim3A_320, %convert_element_type3A_4 : vector<512x1xf32>
    %reduce_sum3A_322 = vector.shape_cast %mul3A_321 : vector<512x1xf32> to vector<1x512x1xf32>
    %reduce_sum3A_323 = arith.constant dense<0.000000e+00> : vector<1xf32>
    %reduce_sum3A_324 = vector.multi_reduction <add>, %reduce_sum3A_322, %reduce_sum3A_323 [1, 2] : vector<1x512x1xf32> to vector<1xf32>
    %reduce_sum3A_325 = vector.shape_cast %reduce_sum3A_324 : vector<1xf32> to vector<1x1x1xf32>
    %reduce_sum3A_326 = vector.extract %reduce_sum3A_325[0, 0, 0] : f32 from vector<1x1x1xf32>
    %mul3A_327 = arith.constant 1.000020e-06 : f32
    %mul3A_328 = arith.mulf %mul3A_327, %reduce_sum3A_326 : f32
    %sub3A_329 = arith.subf %add3A_304, %mul3A_328 : f32
    %eq3A_330 = vector.broadcast %get3A_1 : vector<512x1xi32> to vector<512x1024xi32>
    %eq3A_331 = arith.cmpi eq, %add3A_317, %eq3A_330 : vector<512x1024xi32>
    %ne3A_332 = arith.constant 0 : i32
    %ne3A_333 = vector.broadcast %ne3A_332 : i32 to vector<512x1xi32>
    %ne3A_334 = arith.cmpi ne, %get3A_1, %ne3A_333 : vector<512x1xi32>
    %and3A_335 = vector.broadcast %ne3A_334 : vector<512x1xi1> to vector<512x1024xi1>
    %and3A_336 = arith.andi %eq3A_331, %and3A_335 : vector<512x1024xi1>
    %jit3A_337 = arith.constant 0.000000e+00 : f32
    %broadcast_in_dim3A_338 = vector.broadcast %jit3A_337 : f32 to vector<512x1024xf32>
    %select_n3A_339 = arith.select %and3A_336, %get3A_313, %broadcast_in_dim3A_338 : vector<512x1024xi1>, vector<512x1024xf32>
    %reduce_sum3A_340 = vector.shape_cast %select_n3A_339 : vector<512x1024xf32> to vector<1x512x1024xf32>
    %reduce_sum3A_341 = arith.constant dense<0.000000e+00> : vector<1xf32>
    %reduce_sum3A_342 = vector.multi_reduction <add>, %reduce_sum3A_340, %reduce_sum3A_341 [1, 2] : vector<1x512x1024xf32> to vector<1xf32>
    %reduce_sum3A_343 = vector.shape_cast %reduce_sum3A_342 : vector<1xf32> to vector<1x1x1xf32>
    %reduce_sum3A_344 = vector.extract %reduce_sum3A_343[0, 0, 0] : f32 from vector<1x1x1xf32>
    %mul3A_345 = arith.constant -8.999990e-01 : f32
    %mul3A_346 = arith.mulf %mul3A_345, %reduce_sum3A_344 : f32
    %add3A_347 = arith.addf %sub3A_329, %mul3A_346 : f32
    %dma_start3A_348 = arith.constant 0 : i32
    %dma_start3A_349 = arith.constant 18432 : i32
    %dma_start3A_350 = tpu.memref_slice %arg0[%dma_start3A_348, %dma_start3A_349] : memref<1024x100000xf32, #tpu.memory_space<any>> -> memref<512x1024xf32, #tpu.memory_space<any>>
    tpu.enqueue_dma source(%dma_start3A_350 : memref<512x1024xf32, #tpu.memory_space<any>>) target(%arg9 : memref<512x1024xf32, #tpu.memory_space<vmem>>) target_semaphore(%arg21 : memref<!tpu.dma_semaphore, #tpu.memory_space<semaphore_mem>>)
    %dma_wait3A_351 = arith.constant 0 : i32
    %dma_wait3A_352 = arith.constant 7168 : i32
    %dma_wait3A_353 = tpu.memref_slice %arg0[%dma_wait3A_351, %dma_wait3A_352] : memref<1024x100000xf32, #tpu.memory_space<any>> -> memref<512x1024xf32, #tpu.memory_space<any>>
    tpu.wait_dma2 semaphore(%arg22 : memref<!tpu.dma_semaphore, #tpu.memory_space<semaphore_mem>>) src(%dma_wait3A_353 : memref<512x1024xf32, #tpu.memory_space<any>>) dst(%arg10 : memref<512x1024xf32, #tpu.memory_space<vmem>>)
    %get3A_354 = arith.constant 0 : index
    %get3A_355 = arith.constant 0 : index
    %get3A_356 = vector.load %arg10[%get3A_354, %get3A_355] : memref<512x1024xf32, #tpu.memory_space<vmem>>, vector<512x1024xf32>
    %iota3A_357 = tpu.iota {dimensions = array<i32: 1>} : vector<512x1024xi32>
    %add3A_358 = arith.constant 7168 : i32
    %add3A_359 = vector.broadcast %add3A_358 : i32 to vector<512x1024xi32>
    %add3A_360 = arith.addi %add3A_359, %iota3A_357 : vector<512x1024xi32>
    %reduce_sum3A_361 = arith.constant dense<0.000000e+00> : vector<512xf32>
    %reduce_sum3A_362 = vector.multi_reduction <add>, %get3A_356, %reduce_sum3A_361 [1] : vector<512x1024xf32> to vector<512xf32>
    %broadcast_in_dim3A_363 = vector.shape_cast %reduce_sum3A_362 : vector<512xf32> to vector<512x1xf32>
    %mul3A_364 = arith.mulf %broadcast_in_dim3A_363, %convert_element_type3A_4 : vector<512x1xf32>
    %reduce_sum3A_365 = vector.shape_cast %mul3A_364 : vector<512x1xf32> to vector<1x512x1xf32>
    %reduce_sum3A_366 = arith.constant dense<0.000000e+00> : vector<1xf32>
    %reduce_sum3A_367 = vector.multi_reduction <add>, %reduce_sum3A_365, %reduce_sum3A_366 [1, 2] : vector<1x512x1xf32> to vector<1xf32>
    %reduce_sum3A_368 = vector.shape_cast %reduce_sum3A_367 : vector<1xf32> to vector<1x1x1xf32>
    %reduce_sum3A_369 = vector.extract %reduce_sum3A_368[0, 0, 0] : f32 from vector<1x1x1xf32>
    %mul3A_370 = arith.constant 1.000020e-06 : f32
    %mul3A_371 = arith.mulf %mul3A_370, %reduce_sum3A_369 : f32
    %sub3A_372 = arith.subf %add3A_347, %mul3A_371 : f32
    %eq3A_373 = vector.broadcast %get3A_1 : vector<512x1xi32> to vector<512x1024xi32>
    %eq3A_374 = arith.cmpi eq, %add3A_360, %eq3A_373 : vector<512x1024xi32>
    %ne3A_375 = arith.constant 0 : i32
    %ne3A_376 = vector.broadcast %ne3A_375 : i32 to vector<512x1xi32>
    %ne3A_377 = arith.cmpi ne, %get3A_1, %ne3A_376 : vector<512x1xi32>
    %and3A_378 = vector.broadcast %ne3A_377 : vector<512x1xi1> to vector<512x1024xi1>
    %and3A_379 = arith.andi %eq3A_374, %and3A_378 : vector<512x1024xi1>
    %jit3A_380 = arith.constant 0.000000e+00 : f32
    %broadcast_in_dim3A_381 = vector.broadcast %jit3A_380 : f32 to vector<512x1024xf32>
    %select_n3A_382 = arith.select %and3A_379, %get3A_356, %broadcast_in_dim3A_381 : vector<512x1024xi1>, vector<512x1024xf32>
    %reduce_sum3A_383 = vector.shape_cast %select_n3A_382 : vector<512x1024xf32> to vector<1x512x1024xf32>
    %reduce_sum3A_384 = arith.constant dense<0.000000e+00> : vector<1xf32>
    %reduce_sum3A_385 = vector.multi_reduction <add>, %reduce_sum3A_383, %reduce_sum3A_384 [1, 2] : vector<1x512x1024xf32> to vector<1xf32>
    %reduce_sum3A_386 = vector.shape_cast %reduce_sum3A_385 : vector<1xf32> to vector<1x1x1xf32>
    %reduce_sum3A_387 = vector.extract %reduce_sum3A_386[0, 0, 0] : f32 from vector<1x1x1xf32>
    %mul3A_388 = arith.constant -8.999990e-01 : f32
    %mul3A_389 = arith.mulf %mul3A_388, %reduce_sum3A_387 : f32
    %add3A_390 = arith.addf %sub3A_372, %mul3A_389 : f32
    %dma_start3A_391 = arith.constant 0 : i32
    %dma_start3A_392 = arith.constant 19456 : i32
    %dma_start3A_393 = tpu.memref_slice %arg0[%dma_start3A_391, %dma_start3A_392] : memref<1024x100000xf32, #tpu.memory_space<any>> -> memref<512x1024xf32, #tpu.memory_space<any>>
    tpu.enqueue_dma source(%dma_start3A_393 : memref<512x1024xf32, #tpu.memory_space<any>>) target(%arg10 : memref<512x1024xf32, #tpu.memory_space<vmem>>) target_semaphore(%arg22 : memref<!tpu.dma_semaphore, #tpu.memory_space<semaphore_mem>>)
    %dma_wait3A_394 = arith.constant 0 : i32
    %dma_wait3A_395 = arith.constant 8192 : i32
    %dma_wait3A_396 = tpu.memref_slice %arg0[%dma_wait3A_394, %dma_wait3A_395] : memref<1024x100000xf32, #tpu.memory_space<any>> -> memref<512x1024xf32, #tpu.memory_space<any>>
    tpu.wait_dma2 semaphore(%arg23 : memref<!tpu.dma_semaphore, #tpu.memory_space<semaphore_mem>>) src(%dma_wait3A_396 : memref<512x1024xf32, #tpu.memory_space<any>>) dst(%arg11 : memref<512x1024xf32, #tpu.memory_space<vmem>>)
    %get3A_397 = arith.constant 0 : index
    %get3A_398 = arith.constant 0 : index
    %get3A_399 = vector.load %arg11[%get3A_397, %get3A_398] : memref<512x1024xf32, #tpu.memory_space<vmem>>, vector<512x1024xf32>
    %iota3A_400 = tpu.iota {dimensions = array<i32: 1>} : vector<512x1024xi32>
    %add3A_401 = arith.constant 8192 : i32
    %add3A_402 = vector.broadcast %add3A_401 : i32 to vector<512x1024xi32>
    %add3A_403 = arith.addi %add3A_402, %iota3A_400 : vector<512x1024xi32>
    %reduce_sum3A_404 = arith.constant dense<0.000000e+00> : vector<512xf32>
    %reduce_sum3A_405 = vector.multi_reduction <add>, %get3A_399, %reduce_sum3A_404 [1] : vector<512x1024xf32> to vector<512xf32>
    %broadcast_in_dim3A_406 = vector.shape_cast %reduce_sum3A_405 : vector<512xf32> to vector<512x1xf32>
    %mul3A_407 = arith.mulf %broadcast_in_dim3A_406, %convert_element_type3A_4 : vector<512x1xf32>
    %reduce_sum3A_408 = vector.shape_cast %mul3A_407 : vector<512x1xf32> to vector<1x512x1xf32>
    %reduce_sum3A_409 = arith.constant dense<0.000000e+00> : vector<1xf32>
    %reduce_sum3A_410 = vector.multi_reduction <add>, %reduce_sum3A_408, %reduce_sum3A_409 [1, 2] : vector<1x512x1xf32> to vector<1xf32>
    %reduce_sum3A_411 = vector.shape_cast %reduce_sum3A_410 : vector<1xf32> to vector<1x1x1xf32>
    %reduce_sum3A_412 = vector.extract %reduce_sum3A_411[0, 0, 0] : f32 from vector<1x1x1xf32>
    %mul3A_413 = arith.constant 1.000020e-06 : f32
    %mul3A_414 = arith.mulf %mul3A_413, %reduce_sum3A_412 : f32
    %sub3A_415 = arith.subf %add3A_390, %mul3A_414 : f32
    %eq3A_416 = vector.broadcast %get3A_1 : vector<512x1xi32> to vector<512x1024xi32>
    %eq3A_417 = arith.cmpi eq, %add3A_403, %eq3A_416 : vector<512x1024xi32>
    %ne3A_418 = arith.constant 0 : i32
    %ne3A_419 = vector.broadcast %ne3A_418 : i32 to vector<512x1xi32>
    %ne3A_420 = arith.cmpi ne, %get3A_1, %ne3A_419 : vector<512x1xi32>
    %and3A_421 = vector.broadcast %ne3A_420 : vector<512x1xi1> to vector<512x1024xi1>
    %and3A_422 = arith.andi %eq3A_417, %and3A_421 : vector<512x1024xi1>
    %jit3A_423 = arith.constant 0.000000e+00 : f32
    %broadcast_in_dim3A_424 = vector.broadcast %jit3A_423 : f32 to vector<512x1024xf32>
    %select_n3A_425 = arith.select %and3A_422, %get3A_399, %broadcast_in_dim3A_424 : vector<512x1024xi1>, vector<512x1024xf32>
    %reduce_sum3A_426 = vector.shape_cast %select_n3A_425 : vector<512x1024xf32> to vector<1x512x1024xf32>
    %reduce_sum3A_427 = arith.constant dense<0.000000e+00> : vector<1xf32>
    %reduce_sum3A_428 = vector.multi_reduction <add>, %reduce_sum3A_426, %reduce_sum3A_427 [1, 2] : vector<1x512x1024xf32> to vector<1xf32>
    %reduce_sum3A_429 = vector.shape_cast %reduce_sum3A_428 : vector<1xf32> to vector<1x1x1xf32>
    %reduce_sum3A_430 = vector.extract %reduce_sum3A_429[0, 0, 0] : f32 from vector<1x1x1xf32>
    %mul3A_431 = arith.constant -8.999990e-01 : f32
    %mul3A_432 = arith.mulf %mul3A_431, %reduce_sum3A_430 : f32
    %add3A_433 = arith.addf %sub3A_415, %mul3A_432 : f32
    %dma_start3A_434 = arith.constant 0 : i32
    %dma_start3A_435 = arith.constant 20480 : i32
    %dma_start3A_436 = tpu.memref_slice %arg0[%dma_start3A_434, %dma_start3A_435] : memref<1024x100000xf32, #tpu.memory_space<any>> -> memref<512x1024xf32, #tpu.memory_space<any>>
    tpu.enqueue_dma source(%dma_start3A_436 : memref<512x1024xf32, #tpu.memory_space<any>>) target(%arg11 : memref<512x1024xf32, #tpu.memory_space<vmem>>) target_semaphore(%arg23 : memref<!tpu.dma_semaphore, #tpu.memory_space<semaphore_mem>>)
    %dma_wait3A_437 = arith.constant 0 : i32
    %dma_wait3A_438 = arith.constant 9216 : i32
    %dma_wait3A_439 = tpu.memref_slice %arg0[%dma_wait3A_437, %dma_wait3A_438] : memref<1024x100000xf32, #tpu.memory_space<any>> -> memref<512x1024xf32, #tpu.memory_space<any>>
    tpu.wait_dma2 semaphore(%arg24 : memref<!tpu.dma_semaphore, #tpu.memory_space<semaphore_mem>>) src(%dma_wait3A_439 : memref<512x1024xf32, #tpu.memory_space<any>>) dst(%arg12 : memref<512x1024xf32, #tpu.memory_space<vmem>>)
    %get3A_440 = arith.constant 0 : index
    %get3A_441 = arith.constant 0 : index
    %get3A_442 = vector.load %arg12[%get3A_440, %get3A_441] : memref<512x1024xf32, #tpu.memory_space<vmem>>, vector<512x1024xf32>
    %iota3A_443 = tpu.iota {dimensions = array<i32: 1>} : vector<512x1024xi32>
    %add3A_444 = arith.constant 9216 : i32
    %add3A_445 = vector.broadcast %add3A_444 : i32 to vector<512x1024xi32>
    %add3A_446 = arith.addi %add3A_445, %iota3A_443 : vector<512x1024xi32>
    %reduce_sum3A_447 = arith.constant dense<0.000000e+00> : vector<512xf32>
    %reduce_sum3A_448 = vector.multi_reduction <add>, %get3A_442, %reduce_sum3A_447 [1] : vector<512x1024xf32> to vector<512xf32>
    %broadcast_in_dim3A_449 = vector.shape_cast %reduce_sum3A_448 : vector<512xf32> to vector<512x1xf32>
    %mul3A_450 = arith.mulf %broadcast_in_dim3A_449, %convert_element_type3A_4 : vector<512x1xf32>
    %reduce_sum3A_451 = vector.shape_cast %mul3A_450 : vector<512x1xf32> to vector<1x512x1xf32>
    %reduce_sum3A_452 = arith.constant dense<0.000000e+00> : vector<1xf32>
    %reduce_sum3A_453 = vector.multi_reduction <add>, %reduce_sum3A_451, %reduce_sum3A_452 [1, 2] : vector<1x512x1xf32> to vector<1xf32>
    %reduce_sum3A_454 = vector.shape_cast %reduce_sum3A_453 : vector<1xf32> to vector<1x1x1xf32>
    %reduce_sum3A_455 = vector.extract %reduce_sum3A_454[0, 0, 0] : f32 from vector<1x1x1xf32>
    %mul3A_456 = arith.constant 1.000020e-06 : f32
    %mul3A_457 = arith.mulf %mul3A_456, %reduce_sum3A_455 : f32
    %sub3A_458 = arith.subf %add3A_433, %mul3A_457 : f32
    %eq3A_459 = vector.broadcast %get3A_1 : vector<512x1xi32> to vector<512x1024xi32>
    %eq3A_460 = arith.cmpi eq, %add3A_446, %eq3A_459 : vector<512x1024xi32>
    %ne3A_461 = arith.constant 0 : i32
    %ne3A_462 = vector.broadcast %ne3A_461 : i32 to vector<512x1xi32>
    %ne3A_463 = arith.cmpi ne, %get3A_1, %ne3A_462 : vector<512x1xi32>
    %and3A_464 = vector.broadcast %ne3A_463 : vector<512x1xi1> to vector<512x1024xi1>
    %and3A_465 = arith.andi %eq3A_460, %and3A_464 : vector<512x1024xi1>
    %jit3A_466 = arith.constant 0.000000e+00 : f32
    %broadcast_in_dim3A_467 = vector.broadcast %jit3A_466 : f32 to vector<512x1024xf32>
    %select_n3A_468 = arith.select %and3A_465, %get3A_442, %broadcast_in_dim3A_467 : vector<512x1024xi1>, vector<512x1024xf32>
    %reduce_sum3A_469 = vector.shape_cast %select_n3A_468 : vector<512x1024xf32> to vector<1x512x1024xf32>
    %reduce_sum3A_470 = arith.constant dense<0.000000e+00> : vector<1xf32>
    %reduce_sum3A_471 = vector.multi_reduction <add>, %reduce_sum3A_469, %reduce_sum3A_470 [1, 2] : vector<1x512x1024xf32> to vector<1xf32>
    %reduce_sum3A_472 = vector.shape_cast %reduce_sum3A_471 : vector<1xf32> to vector<1x1x1xf32>
    %reduce_sum3A_473 = vector.extract %reduce_sum3A_472[0, 0, 0] : f32 from vector<1x1x1xf32>
    %mul3A_474 = arith.constant -8.999990e-01 : f32
    %mul3A_475 = arith.mulf %mul3A_474, %reduce_sum3A_473 : f32
    %add3A_476 = arith.addf %sub3A_458, %mul3A_475 : f32
    %dma_start3A_477 = arith.constant 0 : i32
    %dma_start3A_478 = arith.constant 21504 : i32
    %dma_start3A_479 = tpu.memref_slice %arg0[%dma_start3A_477, %dma_start3A_478] : memref<1024x100000xf32, #tpu.memory_space<any>> -> memref<512x1024xf32, #tpu.memory_space<any>>
    tpu.enqueue_dma source(%dma_start3A_479 : memref<512x1024xf32, #tpu.memory_space<any>>) target(%arg12 : memref<512x1024xf32, #tpu.memory_space<vmem>>) target_semaphore(%arg24 : memref<!tpu.dma_semaphore, #tpu.memory_space<semaphore_mem>>)
    %dma_wait3A_480 = arith.constant 0 : i32
    %dma_wait3A_481 = arith.constant 10240 : i32
    %dma_wait3A_482 = tpu.memref_slice %arg0[%dma_wait3A_480, %dma_wait3A_481] : memref<1024x100000xf32, #tpu.memory_space<any>> -> memref<512x1024xf32, #tpu.memory_space<any>>
    tpu.wait_dma2 semaphore(%arg25 : memref<!tpu.dma_semaphore, #tpu.memory_space<semaphore_mem>>) src(%dma_wait3A_482 : memref<512x1024xf32, #tpu.memory_space<any>>) dst(%arg13 : memref<512x1024xf32, #tpu.memory_space<vmem>>)
    %get3A_483 = arith.constant 0 : index
    %get3A_484 = arith.constant 0 : index
    %get3A_485 = vector.load %arg13[%get3A_483, %get3A_484] : memref<512x1024xf32, #tpu.memory_space<vmem>>, vector<512x1024xf32>
    %iota3A_486 = tpu.iota {dimensions = array<i32: 1>} : vector<512x1024xi32>
    %add3A_487 = arith.constant 10240 : i32
    %add3A_488 = vector.broadcast %add3A_487 : i32 to vector<512x1024xi32>
    %add3A_489 = arith.addi %add3A_488, %iota3A_486 : vector<512x1024xi32>
    %reduce_sum3A_490 = arith.constant dense<0.000000e+00> : vector<512xf32>
    %reduce_sum3A_491 = vector.multi_reduction <add>, %get3A_485, %reduce_sum3A_490 [1] : vector<512x1024xf32> to vector<512xf32>
    %broadcast_in_dim3A_492 = vector.shape_cast %reduce_sum3A_491 : vector<512xf32> to vector<512x1xf32>
    %mul3A_493 = arith.mulf %broadcast_in_dim3A_492, %convert_element_type3A_4 : vector<512x1xf32>
    %reduce_sum3A_494 = vector.shape_cast %mul3A_493 : vector<512x1xf32> to vector<1x512x1xf32>
    %reduce_sum3A_495 = arith.constant dense<0.000000e+00> : vector<1xf32>
    %reduce_sum3A_496 = vector.multi_reduction <add>, %reduce_sum3A_494, %reduce_sum3A_495 [1, 2] : vector<1x512x1xf32> to vector<1xf32>
    %reduce_sum3A_497 = vector.shape_cast %reduce_sum3A_496 : vector<1xf32> to vector<1x1x1xf32>
    %reduce_sum3A_498 = vector.extract %reduce_sum3A_497[0, 0, 0] : f32 from vector<1x1x1xf32>
    %mul3A_499 = arith.constant 1.000020e-06 : f32
    %mul3A_500 = arith.mulf %mul3A_499, %reduce_sum3A_498 : f32
    %sub3A_501 = arith.subf %add3A_476, %mul3A_500 : f32
    %eq3A_502 = vector.broadcast %get3A_1 : vector<512x1xi32> to vector<512x1024xi32>
    %eq3A_503 = arith.cmpi eq, %add3A_489, %eq3A_502 : vector<512x1024xi32>
    %ne3A_504 = arith.constant 0 : i32
    %ne3A_505 = vector.broadcast %ne3A_504 : i32 to vector<512x1xi32>
    %ne3A_506 = arith.cmpi ne, %get3A_1, %ne3A_505 : vector<512x1xi32>
    %and3A_507 = vector.broadcast %ne3A_506 : vector<512x1xi1> to vector<512x1024xi1>
    %and3A_508 = arith.andi %eq3A_503, %and3A_507 : vector<512x1024xi1>
    %jit3A_509 = arith.constant 0.000000e+00 : f32
    %broadcast_in_dim3A_510 = vector.broadcast %jit3A_509 : f32 to vector<512x1024xf32>
    %select_n3A_511 = arith.select %and3A_508, %get3A_485, %broadcast_in_dim3A_510 : vector<512x1024xi1>, vector<512x1024xf32>
    %reduce_sum3A_512 = vector.shape_cast %select_n3A_511 : vector<512x1024xf32> to vector<1x512x1024xf32>
    %reduce_sum3A_513 = arith.constant dense<0.000000e+00> : vector<1xf32>
    %reduce_sum3A_514 = vector.multi_reduction <add>, %reduce_sum3A_512, %reduce_sum3A_513 [1, 2] : vector<1x512x1024xf32> to vector<1xf32>
    %reduce_sum3A_515 = vector.shape_cast %reduce_sum3A_514 : vector<1xf32> to vector<1x1x1xf32>
    %reduce_sum3A_516 = vector.extract %reduce_sum3A_515[0, 0, 0] : f32 from vector<1x1x1xf32>
    %mul3A_517 = arith.constant -8.999990e-01 : f32
    %mul3A_518 = arith.mulf %mul3A_517, %reduce_sum3A_516 : f32
    %add3A_519 = arith.addf %sub3A_501, %mul3A_518 : f32
    %dma_start3A_520 = arith.constant 0 : i32
    %dma_start3A_521 = arith.constant 22528 : i32
    %dma_start3A_522 = tpu.memref_slice %arg0[%dma_start3A_520, %dma_start3A_521] : memref<1024x100000xf32, #tpu.memory_space<any>> -> memref<512x1024xf32, #tpu.memory_space<any>>
    tpu.enqueue_dma source(%dma_start3A_522 : memref<512x1024xf32, #tpu.memory_space<any>>) target(%arg13 : memref<512x1024xf32, #tpu.memory_space<vmem>>) target_semaphore(%arg25 : memref<!tpu.dma_semaphore, #tpu.memory_space<semaphore_mem>>)
    %dma_wait3A_523 = arith.constant 0 : i32
    %dma_wait3A_524 = arith.constant 11264 : i32
    %dma_wait3A_525 = tpu.memref_slice %arg0[%dma_wait3A_523, %dma_wait3A_524] : memref<1024x100000xf32, #tpu.memory_space<any>> -> memref<512x1024xf32, #tpu.memory_space<any>>
    tpu.wait_dma2 semaphore(%arg26 : memref<!tpu.dma_semaphore, #tpu.memory_space<semaphore_mem>>) src(%dma_wait3A_525 : memref<512x1024xf32, #tpu.memory_space<any>>) dst(%arg14 : memref<512x1024xf32, #tpu.memory_space<vmem>>)
    %get3A_526 = arith.constant 0 : index
    %get3A_527 = arith.constant 0 : index
    %get3A_528 = vector.load %arg14[%get3A_526, %get3A_527] : memref<512x1024xf32, #tpu.memory_space<vmem>>, vector<512x1024xf32>
    %iota3A_529 = tpu.iota {dimensions = array<i32: 1>} : vector<512x1024xi32>
    %add3A_530 = arith.constant 11264 : i32
    %add3A_531 = vector.broadcast %add3A_530 : i32 to vector<512x1024xi32>
    %add3A_532 = arith.addi %add3A_531, %iota3A_529 : vector<512x1024xi32>
    %reduce_sum3A_533 = arith.constant dense<0.000000e+00> : vector<512xf32>
    %reduce_sum3A_534 = vector.multi_reduction <add>, %get3A_528, %reduce_sum3A_533 [1] : vector<512x1024xf32> to vector<512xf32>
    %broadcast_in_dim3A_535 = vector.shape_cast %reduce_sum3A_534 : vector<512xf32> to vector<512x1xf32>
    %mul3A_536 = arith.mulf %broadcast_in_dim3A_535, %convert_element_type3A_4 : vector<512x1xf32>
    %reduce_sum3A_537 = vector.shape_cast %mul3A_536 : vector<512x1xf32> to vector<1x512x1xf32>
    %reduce_sum3A_538 = arith.constant dense<0.000000e+00> : vector<1xf32>
    %reduce_sum3A_539 = vector.multi_reduction <add>, %reduce_sum3A_537, %reduce_sum3A_538 [1, 2] : vector<1x512x1xf32> to vector<1xf32>
    %reduce_sum3A_540 = vector.shape_cast %reduce_sum3A_539 : vector<1xf32> to vector<1x1x1xf32>
    %reduce_sum3A_541 = vector.extract %reduce_sum3A_540[0, 0, 0] : f32 from vector<1x1x1xf32>
    %mul3A_542 = arith.constant 1.000020e-06 : f32
    %mul3A_543 = arith.mulf %mul3A_542, %reduce_sum3A_541 : f32
    %sub3A_544 = arith.subf %add3A_519, %mul3A_543 : f32
    %eq3A_545 = vector.broadcast %get3A_1 : vector<512x1xi32> to vector<512x1024xi32>
    %eq3A_546 = arith.cmpi eq, %add3A_532, %eq3A_545 : vector<512x1024xi32>
    %ne3A_547 = arith.constant 0 : i32
    %ne3A_548 = vector.broadcast %ne3A_547 : i32 to vector<512x1xi32>
    %ne3A_549 = arith.cmpi ne, %get3A_1, %ne3A_548 : vector<512x1xi32>
    %and3A_550 = vector.broadcast %ne3A_549 : vector<512x1xi1> to vector<512x1024xi1>
    %and3A_551 = arith.andi %eq3A_546, %and3A_550 : vector<512x1024xi1>
    %jit3A_552 = arith.constant 0.000000e+00 : f32
    %broadcast_in_dim3A_553 = vector.broadcast %jit3A_552 : f32 to vector<512x1024xf32>
    %select_n3A_554 = arith.select %and3A_551, %get3A_528, %broadcast_in_dim3A_553 : vector<512x1024xi1>, vector<512x1024xf32>
    %reduce_sum3A_555 = vector.shape_cast %select_n3A_554 : vector<512x1024xf32> to vector<1x512x1024xf32>
    %reduce_sum3A_556 = arith.constant dense<0.000000e+00> : vector<1xf32>
    %reduce_sum3A_557 = vector.multi_reduction <add>, %reduce_sum3A_555, %reduce_sum3A_556 [1, 2] : vector<1x512x1024xf32> to vector<1xf32>
    %reduce_sum3A_558 = vector.shape_cast %reduce_sum3A_557 : vector<1xf32> to vector<1x1x1xf32>
    %reduce_sum3A_559 = vector.extract %reduce_sum3A_558[0, 0, 0] : f32 from vector<1x1x1xf32>
    %mul3A_560 = arith.constant -8.999990e-01 : f32
    %mul3A_561 = arith.mulf %mul3A_560, %reduce_sum3A_559 : f32
    %add3A_562 = arith.addf %sub3A_544, %mul3A_561 : f32
    %dma_start3A_563 = arith.constant 0 : i32
    %dma_start3A_564 = arith.constant 23552 : i32
    %dma_start3A_565 = tpu.memref_slice %arg0[%dma_start3A_563, %dma_start3A_564] : memref<1024x100000xf32, #tpu.memory_space<any>> -> memref<512x1024xf32, #tpu.memory_space<any>>
    tpu.enqueue_dma source(%dma_start3A_565 : memref<512x1024xf32, #tpu.memory_space<any>>) target(%arg14 : memref<512x1024xf32, #tpu.memory_space<vmem>>) target_semaphore(%arg26 : memref<!tpu.dma_semaphore, #tpu.memory_space<semaphore_mem>>)
    %scan3A = arith.constant 0 : i32
    %scan3A_566 = arith.constant 7 : i32
    %scan3A_567 = arith.addi %scan3A, %scan3A_566 : i32
    %scan3A_568 = arith.constant 1 : i32
    %scan3A_569 = scf.for %scan3A_653 = %scan3A to %scan3A_567 step %scan3A_568 iter_args(%scan3A_654 = %add3A_562) -> (f32)  : i32 {
      %mul3A_655 = arith.constant 12 : i32
      %mul3A_656 = arith.muli %scan3A_653, %mul3A_655 : i32
      %add3A_657 = arith.constant 12 : i32
      %add3A_658 = arith.addi %add3A_657, %mul3A_656 : i32
      %add3A_659 = arith.constant 0 : i32
      %add3A_660 = arith.addi %add3A_658, %add3A_659 : i32
      %mul3A_661 = arith.constant 1024 : i32
      %mul3A_662 = arith.muli %add3A_660, %mul3A_661 : i32
      %dma_wait3A_663 = arith.constant 0 : i32
      %dma_wait3A_664 = tpu.memref_slice %arg0[%dma_wait3A_663, %mul3A_662] : memref<1024x100000xf32, #tpu.memory_space<any>> -> memref<512x1024xf32, #tpu.memory_space<any>>
      tpu.wait_dma2 semaphore(%arg15 : memref<!tpu.dma_semaphore, #tpu.memory_space<semaphore_mem>>) src(%dma_wait3A_664 : memref<512x1024xf32, #tpu.memory_space<any>>) dst(%arg3 : memref<512x1024xf32, #tpu.memory_space<vmem>>)
      %get3A_665 = arith.constant 0 : index
      %get3A_666 = arith.constant 0 : index
      %get3A_667 = vector.load %arg3[%get3A_665, %get3A_666] : memref<512x1024xf32, #tpu.memory_space<vmem>>, vector<512x1024xf32>
      %mul3A_668 = arith.constant 1024 : i32
      %mul3A_669 = arith.muli %add3A_660, %mul3A_668 : i32
      %iota3A_670 = tpu.iota {dimensions = array<i32: 1>} : vector<512x1024xi32>
      %add3A_671 = vector.broadcast %mul3A_669 : i32 to vector<512x1024xi32>
      %add3A_672 = arith.addi %add3A_671, %iota3A_670 : vector<512x1024xi32>
      %reduce_sum3A_673 = arith.constant dense<0.000000e+00> : vector<512xf32>
      %reduce_sum3A_674 = vector.multi_reduction <add>, %get3A_667, %reduce_sum3A_673 [1] : vector<512x1024xf32> to vector<512xf32>
      %broadcast_in_dim3A_675 = vector.shape_cast %reduce_sum3A_674 : vector<512xf32> to vector<512x1xf32>
      %mul3A_676 = arith.mulf %broadcast_in_dim3A_675, %convert_element_type3A_4 : vector<512x1xf32>
      %reduce_sum3A_677 = vector.shape_cast %mul3A_676 : vector<512x1xf32> to vector<1x512x1xf32>
      %reduce_sum3A_678 = arith.constant dense<0.000000e+00> : vector<1xf32>
      %reduce_sum3A_679 = vector.multi_reduction <add>, %reduce_sum3A_677, %reduce_sum3A_678 [1, 2] : vector<1x512x1xf32> to vector<1xf32>
      %reduce_sum3A_680 = vector.shape_cast %reduce_sum3A_679 : vector<1xf32> to vector<1x1x1xf32>
      %reduce_sum3A_681 = vector.extract %reduce_sum3A_680[0, 0, 0] : f32 from vector<1x1x1xf32>
      %mul3A_682 = arith.constant 1.000020e-06 : f32
      %mul3A_683 = arith.mulf %mul3A_682, %reduce_sum3A_681 : f32
      %sub3A_684 = arith.subf %scan3A_654, %mul3A_683 : f32
      %eq3A_685 = vector.broadcast %get3A_1 : vector<512x1xi32> to vector<512x1024xi32>
      %eq3A_686 = arith.cmpi eq, %add3A_672, %eq3A_685 : vector<512x1024xi32>
      %ne3A_687 = arith.constant 0 : i32
      %ne3A_688 = vector.broadcast %ne3A_687 : i32 to vector<512x1xi32>
      %ne3A_689 = arith.cmpi ne, %get3A_1, %ne3A_688 : vector<512x1xi32>
      %and3A_690 = vector.broadcast %ne3A_689 : vector<512x1xi1> to vector<512x1024xi1>
      %and3A_691 = arith.andi %eq3A_686, %and3A_690 : vector<512x1024xi1>
      %jit3A_692 = arith.constant 0.000000e+00 : f32
      %broadcast_in_dim3A_693 = vector.broadcast %jit3A_692 : f32 to vector<512x1024xf32>
      %select_n3A_694 = arith.select %and3A_691, %get3A_667, %broadcast_in_dim3A_693 : vector<512x1024xi1>, vector<512x1024xf32>
      %reduce_sum3A_695 = vector.shape_cast %select_n3A_694 : vector<512x1024xf32> to vector<1x512x1024xf32>
      %reduce_sum3A_696 = arith.constant dense<0.000000e+00> : vector<1xf32>
      %reduce_sum3A_697 = vector.multi_reduction <add>, %reduce_sum3A_695, %reduce_sum3A_696 [1, 2] : vector<1x512x1024xf32> to vector<1xf32>
      %reduce_sum3A_698 = vector.shape_cast %reduce_sum3A_697 : vector<1xf32> to vector<1x1x1xf32>
      %reduce_sum3A_699 = vector.extract %reduce_sum3A_698[0, 0, 0] : f32 from vector<1x1x1xf32>
      %mul3A_700 = arith.constant -8.999990e-01 : f32
      %mul3A_701 = arith.mulf %mul3A_700, %reduce_sum3A_699 : f32
      %add3A_702 = arith.addf %sub3A_684, %mul3A_701 : f32
      %add3A_703 = arith.constant 12 : i32
      %add3A_704 = arith.addi %add3A_660, %add3A_703 : i32
      %le3A = arith.constant 96 : i32
      %le3A_705 = arith.cmpi sle, %add3A_704, %le3A : i32
      %convert_element_type3A_706 = arith.extui %le3A_705 : i1 to i32
      %cond3A = arith.constant 0 : i32
      %cond3A_707 = arith.cmpi ne, %convert_element_type3A_706, %cond3A : i32
      scf.if %cond3A_707 {
        %add3A_1313 = arith.constant 12 : i32
        %add3A_1314 = arith.addi %add3A_660, %add3A_1313 : i32
        %mul3A_1315 = arith.constant 1024 : i32
        %mul3A_1316 = arith.muli %add3A_1314, %mul3A_1315 : i32
        %dma_start3A_1317 = arith.constant 0 : i32
        %dma_start3A_1318 = tpu.memref_slice %arg0[%dma_start3A_1317, %mul3A_1316] : memref<1024x100000xf32, #tpu.memory_space<any>> -> memref<512x1024xf32, #tpu.memory_space<any>>
        tpu.enqueue_dma source(%dma_start3A_1318 : memref<512x1024xf32, #tpu.memory_space<any>>) target(%arg3 : memref<512x1024xf32, #tpu.memory_space<vmem>>) target_semaphore(%arg15 : memref<!tpu.dma_semaphore, #tpu.memory_space<semaphore_mem>>)
      } else {
      }
      %mul3A_708 = arith.constant 12 : i32
      %mul3A_709 = arith.muli %scan3A_653, %mul3A_708 : i32
      %add3A_710 = arith.constant 12 : i32
      %add3A_711 = arith.addi %add3A_710, %mul3A_709 : i32
      %add3A_712 = arith.constant 1 : i32
      %add3A_713 = arith.addi %add3A_711, %add3A_712 : i32
      %mul3A_714 = arith.constant 1024 : i32
      %mul3A_715 = arith.muli %add3A_713, %mul3A_714 : i32
      %dma_wait3A_716 = arith.constant 0 : i32
      %dma_wait3A_717 = tpu.memref_slice %arg0[%dma_wait3A_716, %mul3A_715] : memref<1024x100000xf32, #tpu.memory_space<any>> -> memref<512x1024xf32, #tpu.memory_space<any>>
      tpu.wait_dma2 semaphore(%arg16 : memref<!tpu.dma_semaphore, #tpu.memory_space<semaphore_mem>>) src(%dma_wait3A_717 : memref<512x1024xf32, #tpu.memory_space<any>>) dst(%arg4 : memref<512x1024xf32, #tpu.memory_space<vmem>>)
      %get3A_718 = arith.constant 0 : index
      %get3A_719 = arith.constant 0 : index
      %get3A_720 = vector.load %arg4[%get3A_718, %get3A_719] : memref<512x1024xf32, #tpu.memory_space<vmem>>, vector<512x1024xf32>
      %mul3A_721 = arith.constant 1024 : i32
      %mul3A_722 = arith.muli %add3A_713, %mul3A_721 : i32
      %iota3A_723 = tpu.iota {dimensions = array<i32: 1>} : vector<512x1024xi32>
      %add3A_724 = vector.broadcast %mul3A_722 : i32 to vector<512x1024xi32>
      %add3A_725 = arith.addi %add3A_724, %iota3A_723 : vector<512x1024xi32>
      %reduce_sum3A_726 = arith.constant dense<0.000000e+00> : vector<512xf32>
      %reduce_sum3A_727 = vector.multi_reduction <add>, %get3A_720, %reduce_sum3A_726 [1] : vector<512x1024xf32> to vector<512xf32>
      %broadcast_in_dim3A_728 = vector.shape_cast %reduce_sum3A_727 : vector<512xf32> to vector<512x1xf32>
      %mul3A_729 = arith.mulf %broadcast_in_dim3A_728, %convert_element_type3A_4 : vector<512x1xf32>
      %reduce_sum3A_730 = vector.shape_cast %mul3A_729 : vector<512x1xf32> to vector<1x512x1xf32>
      %reduce_sum3A_731 = arith.constant dense<0.000000e+00> : vector<1xf32>
      %reduce_sum3A_732 = vector.multi_reduction <add>, %reduce_sum3A_730, %reduce_sum3A_731 [1, 2] : vector<1x512x1xf32> to vector<1xf32>
      %reduce_sum3A_733 = vector.shape_cast %reduce_sum3A_732 : vector<1xf32> to vector<1x1x1xf32>
      %reduce_sum3A_734 = vector.extract %reduce_sum3A_733[0, 0, 0] : f32 from vector<1x1x1xf32>
      %mul3A_735 = arith.constant 1.000020e-06 : f32
      %mul3A_736 = arith.mulf %mul3A_735, %reduce_sum3A_734 : f32
      %sub3A_737 = arith.subf %add3A_702, %mul3A_736 : f32
      %eq3A_738 = vector.broadcast %get3A_1 : vector<512x1xi32> to vector<512x1024xi32>
      %eq3A_739 = arith.cmpi eq, %add3A_725, %eq3A_738 : vector<512x1024xi32>
      %ne3A_740 = arith.constant 0 : i32
      %ne3A_741 = vector.broadcast %ne3A_740 : i32 to vector<512x1xi32>
      %ne3A_742 = arith.cmpi ne, %get3A_1, %ne3A_741 : vector<512x1xi32>
      %and3A_743 = vector.broadcast %ne3A_742 : vector<512x1xi1> to vector<512x1024xi1>
      %and3A_744 = arith.andi %eq3A_739, %and3A_743 : vector<512x1024xi1>
      %jit3A_745 = arith.constant 0.000000e+00 : f32
      %broadcast_in_dim3A_746 = vector.broadcast %jit3A_745 : f32 to vector<512x1024xf32>
      %select_n3A_747 = arith.select %and3A_744, %get3A_720, %broadcast_in_dim3A_746 : vector<512x1024xi1>, vector<512x1024xf32>
      %reduce_sum3A_748 = vector.shape_cast %select_n3A_747 : vector<512x1024xf32> to vector<1x512x1024xf32>
      %reduce_sum3A_749 = arith.constant dense<0.000000e+00> : vector<1xf32>
      %reduce_sum3A_750 = vector.multi_reduction <add>, %reduce_sum3A_748, %reduce_sum3A_749 [1, 2] : vector<1x512x1024xf32> to vector<1xf32>
      %reduce_sum3A_751 = vector.shape_cast %reduce_sum3A_750 : vector<1xf32> to vector<1x1x1xf32>
      %reduce_sum3A_752 = vector.extract %reduce_sum3A_751[0, 0, 0] : f32 from vector<1x1x1xf32>
      %mul3A_753 = arith.constant -8.999990e-01 : f32
      %mul3A_754 = arith.mulf %mul3A_753, %reduce_sum3A_752 : f32
      %add3A_755 = arith.addf %sub3A_737, %mul3A_754 : f32
      %add3A_756 = arith.constant 12 : i32
      %add3A_757 = arith.addi %add3A_713, %add3A_756 : i32
      %le3A_758 = arith.constant 96 : i32
      %le3A_759 = arith.cmpi sle, %add3A_757, %le3A_758 : i32
      %convert_element_type3A_760 = arith.extui %le3A_759 : i1 to i32
      %cond3A_761 = arith.constant 0 : i32
      %cond3A_762 = arith.cmpi ne, %convert_element_type3A_760, %cond3A_761 : i32
      scf.if %cond3A_762 {
        %add3A_1313 = arith.constant 12 : i32
        %add3A_1314 = arith.addi %add3A_713, %add3A_1313 : i32
        %mul3A_1315 = arith.constant 1024 : i32
        %mul3A_1316 = arith.muli %add3A_1314, %mul3A_1315 : i32
        %dma_start3A_1317 = arith.constant 0 : i32
        %dma_start3A_1318 = tpu.memref_slice %arg0[%dma_start3A_1317, %mul3A_1316] : memref<1024x100000xf32, #tpu.memory_space<any>> -> memref<512x1024xf32, #tpu.memory_space<any>>
        tpu.enqueue_dma source(%dma_start3A_1318 : memref<512x1024xf32, #tpu.memory_space<any>>) target(%arg4 : memref<512x1024xf32, #tpu.memory_space<vmem>>) target_semaphore(%arg16 : memref<!tpu.dma_semaphore, #tpu.memory_space<semaphore_mem>>)
      } else {
      }
      %mul3A_763 = arith.constant 12 : i32
      %mul3A_764 = arith.muli %scan3A_653, %mul3A_763 : i32
      %add3A_765 = arith.constant 12 : i32
      %add3A_766 = arith.addi %add3A_765, %mul3A_764 : i32
      %add3A_767 = arith.constant 2 : i32
      %add3A_768 = arith.addi %add3A_766, %add3A_767 : i32
      %mul3A_769 = arith.constant 1024 : i32
      %mul3A_770 = arith.muli %add3A_768, %mul3A_769 : i32
      %dma_wait3A_771 = arith.constant 0 : i32
      %dma_wait3A_772 = tpu.memref_slice %arg0[%dma_wait3A_771, %mul3A_770] : memref<1024x100000xf32, #tpu.memory_space<any>> -> memref<512x1024xf32, #tpu.memory_space<any>>
      tpu.wait_dma2 semaphore(%arg17 : memref<!tpu.dma_semaphore, #tpu.memory_space<semaphore_mem>>) src(%dma_wait3A_772 : memref<512x1024xf32, #tpu.memory_space<any>>) dst(%arg5 : memref<512x1024xf32, #tpu.memory_space<vmem>>)
      %get3A_773 = arith.constant 0 : index
      %get3A_774 = arith.constant 0 : index
      %get3A_775 = vector.load %arg5[%get3A_773, %get3A_774] : memref<512x1024xf32, #tpu.memory_space<vmem>>, vector<512x1024xf32>
      %mul3A_776 = arith.constant 1024 : i32
      %mul3A_777 = arith.muli %add3A_768, %mul3A_776 : i32
      %iota3A_778 = tpu.iota {dimensions = array<i32: 1>} : vector<512x1024xi32>
      %add3A_779 = vector.broadcast %mul3A_777 : i32 to vector<512x1024xi32>
      %add3A_780 = arith.addi %add3A_779, %iota3A_778 : vector<512x1024xi32>
      %reduce_sum3A_781 = arith.constant dense<0.000000e+00> : vector<512xf32>
      %reduce_sum3A_782 = vector.multi_reduction <add>, %get3A_775, %reduce_sum3A_781 [1] : vector<512x1024xf32> to vector<512xf32>
      %broadcast_in_dim3A_783 = vector.shape_cast %reduce_sum3A_782 : vector<512xf32> to vector<512x1xf32>
      %mul3A_784 = arith.mulf %broadcast_in_dim3A_783, %convert_element_type3A_4 : vector<512x1xf32>
      %reduce_sum3A_785 = vector.shape_cast %mul3A_784 : vector<512x1xf32> to vector<1x512x1xf32>
      %reduce_sum3A_786 = arith.constant dense<0.000000e+00> : vector<1xf32>
      %reduce_sum3A_787 = vector.multi_reduction <add>, %reduce_sum3A_785, %reduce_sum3A_786 [1, 2] : vector<1x512x1xf32> to vector<1xf32>
      %reduce_sum3A_788 = vector.shape_cast %reduce_sum3A_787 : vector<1xf32> to vector<1x1x1xf32>
      %reduce_sum3A_789 = vector.extract %reduce_sum3A_788[0, 0, 0] : f32 from vector<1x1x1xf32>
      %mul3A_790 = arith.constant 1.000020e-06 : f32
      %mul3A_791 = arith.mulf %mul3A_790, %reduce_sum3A_789 : f32
      %sub3A_792 = arith.subf %add3A_755, %mul3A_791 : f32
      %eq3A_793 = vector.broadcast %get3A_1 : vector<512x1xi32> to vector<512x1024xi32>
      %eq3A_794 = arith.cmpi eq, %add3A_780, %eq3A_793 : vector<512x1024xi32>
      %ne3A_795 = arith.constant 0 : i32
      %ne3A_796 = vector.broadcast %ne3A_795 : i32 to vector<512x1xi32>
      %ne3A_797 = arith.cmpi ne, %get3A_1, %ne3A_796 : vector<512x1xi32>
      %and3A_798 = vector.broadcast %ne3A_797 : vector<512x1xi1> to vector<512x1024xi1>
      %and3A_799 = arith.andi %eq3A_794, %and3A_798 : vector<512x1024xi1>
      %jit3A_800 = arith.constant 0.000000e+00 : f32
      %broadcast_in_dim3A_801 = vector.broadcast %jit3A_800 : f32 to vector<512x1024xf32>
      %select_n3A_802 = arith.select %and3A_799, %get3A_775, %broadcast_in_dim3A_801 : vector<512x1024xi1>, vector<512x1024xf32>
      %reduce_sum3A_803 = vector.shape_cast %select_n3A_802 : vector<512x1024xf32> to vector<1x512x1024xf32>
      %reduce_sum3A_804 = arith.constant dense<0.000000e+00> : vector<1xf32>
      %reduce_sum3A_805 = vector.multi_reduction <add>, %reduce_sum3A_803, %reduce_sum3A_804 [1, 2] : vector<1x512x1024xf32> to vector<1xf32>
      %reduce_sum3A_806 = vector.shape_cast %reduce_sum3A_805 : vector<1xf32> to vector<1x1x1xf32>
      %reduce_sum3A_807 = vector.extract %reduce_sum3A_806[0, 0, 0] : f32 from vector<1x1x1xf32>
      %mul3A_808 = arith.constant -8.999990e-01 : f32
      %mul3A_809 = arith.mulf %mul3A_808, %reduce_sum3A_807 : f32
      %add3A_810 = arith.addf %sub3A_792, %mul3A_809 : f32
      %add3A_811 = arith.constant 12 : i32
      %add3A_812 = arith.addi %add3A_768, %add3A_811 : i32
      %le3A_813 = arith.constant 96 : i32
      %le3A_814 = arith.cmpi sle, %add3A_812, %le3A_813 : i32
      %convert_element_type3A_815 = arith.extui %le3A_814 : i1 to i32
      %cond3A_816 = arith.constant 0 : i32
      %cond3A_817 = arith.cmpi ne, %convert_element_type3A_815, %cond3A_816 : i32
      scf.if %cond3A_817 {
        %add3A_1313 = arith.constant 12 : i32
        %add3A_1314 = arith.addi %add3A_768, %add3A_1313 : i32
        %mul3A_1315 = arith.constant 1024 : i32
        %mul3A_1316 = arith.muli %add3A_1314, %mul3A_1315 : i32
        %dma_start3A_1317 = arith.constant 0 : i32
        %dma_start3A_1318 = tpu.memref_slice %arg0[%dma_start3A_1317, %mul3A_1316] : memref<1024x100000xf32, #tpu.memory_space<any>> -> memref<512x1024xf32, #tpu.memory_space<any>>
        tpu.enqueue_dma source(%dma_start3A_1318 : memref<512x1024xf32, #tpu.memory_space<any>>) target(%arg5 : memref<512x1024xf32, #tpu.memory_space<vmem>>) target_semaphore(%arg17 : memref<!tpu.dma_semaphore, #tpu.memory_space<semaphore_mem>>)
      } else {
      }
      %mul3A_818 = arith.constant 12 : i32
      %mul3A_819 = arith.muli %scan3A_653, %mul3A_818 : i32
      %add3A_820 = arith.constant 12 : i32
      %add3A_821 = arith.addi %add3A_820, %mul3A_819 : i32
      %add3A_822 = arith.constant 3 : i32
      %add3A_823 = arith.addi %add3A_821, %add3A_822 : i32
      %mul3A_824 = arith.constant 1024 : i32
      %mul3A_825 = arith.muli %add3A_823, %mul3A_824 : i32
      %dma_wait3A_826 = arith.constant 0 : i32
      %dma_wait3A_827 = tpu.memref_slice %arg0[%dma_wait3A_826, %mul3A_825] : memref<1024x100000xf32, #tpu.memory_space<any>> -> memref<512x1024xf32, #tpu.memory_space<any>>
      tpu.wait_dma2 semaphore(%arg18 : memref<!tpu.dma_semaphore, #tpu.memory_space<semaphore_mem>>) src(%dma_wait3A_827 : memref<512x1024xf32, #tpu.memory_space<any>>) dst(%arg6 : memref<512x1024xf32, #tpu.memory_space<vmem>>)
      %get3A_828 = arith.constant 0 : index
      %get3A_829 = arith.constant 0 : index
      %get3A_830 = vector.load %arg6[%get3A_828, %get3A_829] : memref<512x1024xf32, #tpu.memory_space<vmem>>, vector<512x1024xf32>
      %mul3A_831 = arith.constant 1024 : i32
      %mul3A_832 = arith.muli %add3A_823, %mul3A_831 : i32
      %iota3A_833 = tpu.iota {dimensions = array<i32: 1>} : vector<512x1024xi32>
      %add3A_834 = vector.broadcast %mul3A_832 : i32 to vector<512x1024xi32>
      %add3A_835 = arith.addi %add3A_834, %iota3A_833 : vector<512x1024xi32>
      %reduce_sum3A_836 = arith.constant dense<0.000000e+00> : vector<512xf32>
      %reduce_sum3A_837 = vector.multi_reduction <add>, %get3A_830, %reduce_sum3A_836 [1] : vector<512x1024xf32> to vector<512xf32>
      %broadcast_in_dim3A_838 = vector.shape_cast %reduce_sum3A_837 : vector<512xf32> to vector<512x1xf32>
      %mul3A_839 = arith.mulf %broadcast_in_dim3A_838, %convert_element_type3A_4 : vector<512x1xf32>
      %reduce_sum3A_840 = vector.shape_cast %mul3A_839 : vector<512x1xf32> to vector<1x512x1xf32>
      %reduce_sum3A_841 = arith.constant dense<0.000000e+00> : vector<1xf32>
      %reduce_sum3A_842 = vector.multi_reduction <add>, %reduce_sum3A_840, %reduce_sum3A_841 [1, 2] : vector<1x512x1xf32> to vector<1xf32>
      %reduce_sum3A_843 = vector.shape_cast %reduce_sum3A_842 : vector<1xf32> to vector<1x1x1xf32>
      %reduce_sum3A_844 = vector.extract %reduce_sum3A_843[0, 0, 0] : f32 from vector<1x1x1xf32>
      %mul3A_845 = arith.constant 1.000020e-06 : f32
      %mul3A_846 = arith.mulf %mul3A_845, %reduce_sum3A_844 : f32
      %sub3A_847 = arith.subf %add3A_810, %mul3A_846 : f32
      %eq3A_848 = vector.broadcast %get3A_1 : vector<512x1xi32> to vector<512x1024xi32>
      %eq3A_849 = arith.cmpi eq, %add3A_835, %eq3A_848 : vector<512x1024xi32>
      %ne3A_850 = arith.constant 0 : i32
      %ne3A_851 = vector.broadcast %ne3A_850 : i32 to vector<512x1xi32>
      %ne3A_852 = arith.cmpi ne, %get3A_1, %ne3A_851 : vector<512x1xi32>
      %and3A_853 = vector.broadcast %ne3A_852 : vector<512x1xi1> to vector<512x1024xi1>
      %and3A_854 = arith.andi %eq3A_849, %and3A_853 : vector<512x1024xi1>
      %jit3A_855 = arith.constant 0.000000e+00 : f32
      %broadcast_in_dim3A_856 = vector.broadcast %jit3A_855 : f32 to vector<512x1024xf32>
      %select_n3A_857 = arith.select %and3A_854, %get3A_830, %broadcast_in_dim3A_856 : vector<512x1024xi1>, vector<512x1024xf32>
      %reduce_sum3A_858 = vector.shape_cast %select_n3A_857 : vector<512x1024xf32> to vector<1x512x1024xf32>
      %reduce_sum3A_859 = arith.constant dense<0.000000e+00> : vector<1xf32>
      %reduce_sum3A_860 = vector.multi_reduction <add>, %reduce_sum3A_858, %reduce_sum3A_859 [1, 2] : vector<1x512x1024xf32> to vector<1xf32>
      %reduce_sum3A_861 = vector.shape_cast %reduce_sum3A_860 : vector<1xf32> to vector<1x1x1xf32>
      %reduce_sum3A_862 = vector.extract %reduce_sum3A_861[0, 0, 0] : f32 from vector<1x1x1xf32>
      %mul3A_863 = arith.constant -8.999990e-01 : f32
      %mul3A_864 = arith.mulf %mul3A_863, %reduce_sum3A_862 : f32
      %add3A_865 = arith.addf %sub3A_847, %mul3A_864 : f32
      %add3A_866 = arith.constant 12 : i32
      %add3A_867 = arith.addi %add3A_823, %add3A_866 : i32
      %le3A_868 = arith.constant 96 : i32
      %le3A_869 = arith.cmpi sle, %add3A_867, %le3A_868 : i32
      %convert_element_type3A_870 = arith.extui %le3A_869 : i1 to i32
      %cond3A_871 = arith.constant 0 : i32
      %cond3A_872 = arith.cmpi ne, %convert_element_type3A_870, %cond3A_871 : i32
      scf.if %cond3A_872 {
        %add3A_1313 = arith.constant 12 : i32
        %add3A_1314 = arith.addi %add3A_823, %add3A_1313 : i32
        %mul3A_1315 = arith.constant 1024 : i32
        %mul3A_1316 = arith.muli %add3A_1314, %mul3A_1315 : i32
        %dma_start3A_1317 = arith.constant 0 : i32
        %dma_start3A_1318 = tpu.memref_slice %arg0[%dma_start3A_1317, %mul3A_1316] : memref<1024x100000xf32, #tpu.memory_space<any>> -> memref<512x1024xf32, #tpu.memory_space<any>>
        tpu.enqueue_dma source(%dma_start3A_1318 : memref<512x1024xf32, #tpu.memory_space<any>>) target(%arg6 : memref<512x1024xf32, #tpu.memory_space<vmem>>) target_semaphore(%arg18 : memref<!tpu.dma_semaphore, #tpu.memory_space<semaphore_mem>>)
      } else {
      }
      %mul3A_873 = arith.constant 12 : i32
      %mul3A_874 = arith.muli %scan3A_653, %mul3A_873 : i32
      %add3A_875 = arith.constant 12 : i32
      %add3A_876 = arith.addi %add3A_875, %mul3A_874 : i32
      %add3A_877 = arith.constant 4 : i32
      %add3A_878 = arith.addi %add3A_876, %add3A_877 : i32
      %mul3A_879 = arith.constant 1024 : i32
      %mul3A_880 = arith.muli %add3A_878, %mul3A_879 : i32
      %dma_wait3A_881 = arith.constant 0 : i32
      %dma_wait3A_882 = tpu.memref_slice %arg0[%dma_wait3A_881, %mul3A_880] : memref<1024x100000xf32, #tpu.memory_space<any>> -> memref<512x1024xf32, #tpu.memory_space<any>>
      tpu.wait_dma2 semaphore(%arg19 : memref<!tpu.dma_semaphore, #tpu.memory_space<semaphore_mem>>) src(%dma_wait3A_882 : memref<512x1024xf32, #tpu.memory_space<any>>) dst(%arg7 : memref<512x1024xf32, #tpu.memory_space<vmem>>)
      %get3A_883 = arith.constant 0 : index
      %get3A_884 = arith.constant 0 : index
      %get3A_885 = vector.load %arg7[%get3A_883, %get3A_884] : memref<512x1024xf32, #tpu.memory_space<vmem>>, vector<512x1024xf32>
      %mul3A_886 = arith.constant 1024 : i32
      %mul3A_887 = arith.muli %add3A_878, %mul3A_886 : i32
      %iota3A_888 = tpu.iota {dimensions = array<i32: 1>} : vector<512x1024xi32>
      %add3A_889 = vector.broadcast %mul3A_887 : i32 to vector<512x1024xi32>
      %add3A_890 = arith.addi %add3A_889, %iota3A_888 : vector<512x1024xi32>
      %reduce_sum3A_891 = arith.constant dense<0.000000e+00> : vector<512xf32>
      %reduce_sum3A_892 = vector.multi_reduction <add>, %get3A_885, %reduce_sum3A_891 [1] : vector<512x1024xf32> to vector<512xf32>
      %broadcast_in_dim3A_893 = vector.shape_cast %reduce_sum3A_892 : vector<512xf32> to vector<512x1xf32>
      %mul3A_894 = arith.mulf %broadcast_in_dim3A_893, %convert_element_type3A_4 : vector<512x1xf32>
      %reduce_sum3A_895 = vector.shape_cast %mul3A_894 : vector<512x1xf32> to vector<1x512x1xf32>
      %reduce_sum3A_896 = arith.constant dense<0.000000e+00> : vector<1xf32>
      %reduce_sum3A_897 = vector.multi_reduction <add>, %reduce_sum3A_895, %reduce_sum3A_896 [1, 2] : vector<1x512x1xf32> to vector<1xf32>
      %reduce_sum3A_898 = vector.shape_cast %reduce_sum3A_897 : vector<1xf32> to vector<1x1x1xf32>
      %reduce_sum3A_899 = vector.extract %reduce_sum3A_898[0, 0, 0] : f32 from vector<1x1x1xf32>
      %mul3A_900 = arith.constant 1.000020e-06 : f32
      %mul3A_901 = arith.mulf %mul3A_900, %reduce_sum3A_899 : f32
      %sub3A_902 = arith.subf %add3A_865, %mul3A_901 : f32
      %eq3A_903 = vector.broadcast %get3A_1 : vector<512x1xi32> to vector<512x1024xi32>
      %eq3A_904 = arith.cmpi eq, %add3A_890, %eq3A_903 : vector<512x1024xi32>
      %ne3A_905 = arith.constant 0 : i32
      %ne3A_906 = vector.broadcast %ne3A_905 : i32 to vector<512x1xi32>
      %ne3A_907 = arith.cmpi ne, %get3A_1, %ne3A_906 : vector<512x1xi32>
      %and3A_908 = vector.broadcast %ne3A_907 : vector<512x1xi1> to vector<512x1024xi1>
      %and3A_909 = arith.andi %eq3A_904, %and3A_908 : vector<512x1024xi1>
      %jit3A_910 = arith.constant 0.000000e+00 : f32
      %broadcast_in_dim3A_911 = vector.broadcast %jit3A_910 : f32 to vector<512x1024xf32>
      %select_n3A_912 = arith.select %and3A_909, %get3A_885, %broadcast_in_dim3A_911 : vector<512x1024xi1>, vector<512x1024xf32>
      %reduce_sum3A_913 = vector.shape_cast %select_n3A_912 : vector<512x1024xf32> to vector<1x512x1024xf32>
      %reduce_sum3A_914 = arith.constant dense<0.000000e+00> : vector<1xf32>
      %reduce_sum3A_915 = vector.multi_reduction <add>, %reduce_sum3A_913, %reduce_sum3A_914 [1, 2] : vector<1x512x1024xf32> to vector<1xf32>
      %reduce_sum3A_916 = vector.shape_cast %reduce_sum3A_915 : vector<1xf32> to vector<1x1x1xf32>
      %reduce_sum3A_917 = vector.extract %reduce_sum3A_916[0, 0, 0] : f32 from vector<1x1x1xf32>
      %mul3A_918 = arith.constant -8.999990e-01 : f32
      %mul3A_919 = arith.mulf %mul3A_918, %reduce_sum3A_917 : f32
      %add3A_920 = arith.addf %sub3A_902, %mul3A_919 : f32
      %add3A_921 = arith.constant 12 : i32
      %add3A_922 = arith.addi %add3A_878, %add3A_921 : i32
      %le3A_923 = arith.constant 96 : i32
      %le3A_924 = arith.cmpi sle, %add3A_922, %le3A_923 : i32
      %convert_element_type3A_925 = arith.extui %le3A_924 : i1 to i32
      %cond3A_926 = arith.constant 0 : i32
      %cond3A_927 = arith.cmpi ne, %convert_element_type3A_925, %cond3A_926 : i32
      scf.if %cond3A_927 {
        %add3A_1313 = arith.constant 12 : i32
        %add3A_1314 = arith.addi %add3A_878, %add3A_1313 : i32
        %mul3A_1315 = arith.constant 1024 : i32
        %mul3A_1316 = arith.muli %add3A_1314, %mul3A_1315 : i32
        %dma_start3A_1317 = arith.constant 0 : i32
        %dma_start3A_1318 = tpu.memref_slice %arg0[%dma_start3A_1317, %mul3A_1316] : memref<1024x100000xf32, #tpu.memory_space<any>> -> memref<512x1024xf32, #tpu.memory_space<any>>
        tpu.enqueue_dma source(%dma_start3A_1318 : memref<512x1024xf32, #tpu.memory_space<any>>) target(%arg7 : memref<512x1024xf32, #tpu.memory_space<vmem>>) target_semaphore(%arg19 : memref<!tpu.dma_semaphore, #tpu.memory_space<semaphore_mem>>)
      } else {
      }
      %mul3A_928 = arith.constant 12 : i32
      %mul3A_929 = arith.muli %scan3A_653, %mul3A_928 : i32
      %add3A_930 = arith.constant 12 : i32
      %add3A_931 = arith.addi %add3A_930, %mul3A_929 : i32
      %add3A_932 = arith.constant 5 : i32
      %add3A_933 = arith.addi %add3A_931, %add3A_932 : i32
      %mul3A_934 = arith.constant 1024 : i32
      %mul3A_935 = arith.muli %add3A_933, %mul3A_934 : i32
      %dma_wait3A_936 = arith.constant 0 : i32
      %dma_wait3A_937 = tpu.memref_slice %arg0[%dma_wait3A_936, %mul3A_935] : memref<1024x100000xf32, #tpu.memory_space<any>> -> memref<512x1024xf32, #tpu.memory_space<any>>
      tpu.wait_dma2 semaphore(%arg20 : memref<!tpu.dma_semaphore, #tpu.memory_space<semaphore_mem>>) src(%dma_wait3A_937 : memref<512x1024xf32, #tpu.memory_space<any>>) dst(%arg8 : memref<512x1024xf32, #tpu.memory_space<vmem>>)
      %get3A_938 = arith.constant 0 : index
      %get3A_939 = arith.constant 0 : index
      %get3A_940 = vector.load %arg8[%get3A_938, %get3A_939] : memref<512x1024xf32, #tpu.memory_space<vmem>>, vector<512x1024xf32>
      %mul3A_941 = arith.constant 1024 : i32
      %mul3A_942 = arith.muli %add3A_933, %mul3A_941 : i32
      %iota3A_943 = tpu.iota {dimensions = array<i32: 1>} : vector<512x1024xi32>
      %add3A_944 = vector.broadcast %mul3A_942 : i32 to vector<512x1024xi32>
      %add3A_945 = arith.addi %add3A_944, %iota3A_943 : vector<512x1024xi32>
      %reduce_sum3A_946 = arith.constant dense<0.000000e+00> : vector<512xf32>
      %reduce_sum3A_947 = vector.multi_reduction <add>, %get3A_940, %reduce_sum3A_946 [1] : vector<512x1024xf32> to vector<512xf32>
      %broadcast_in_dim3A_948 = vector.shape_cast %reduce_sum3A_947 : vector<512xf32> to vector<512x1xf32>
      %mul3A_949 = arith.mulf %broadcast_in_dim3A_948, %convert_element_type3A_4 : vector<512x1xf32>
      %reduce_sum3A_950 = vector.shape_cast %mul3A_949 : vector<512x1xf32> to vector<1x512x1xf32>
      %reduce_sum3A_951 = arith.constant dense<0.000000e+00> : vector<1xf32>
      %reduce_sum3A_952 = vector.multi_reduction <add>, %reduce_sum3A_950, %reduce_sum3A_951 [1, 2] : vector<1x512x1xf32> to vector<1xf32>
      %reduce_sum3A_953 = vector.shape_cast %reduce_sum3A_952 : vector<1xf32> to vector<1x1x1xf32>
      %reduce_sum3A_954 = vector.extract %reduce_sum3A_953[0, 0, 0] : f32 from vector<1x1x1xf32>
      %mul3A_955 = arith.constant 1.000020e-06 : f32
      %mul3A_956 = arith.mulf %mul3A_955, %reduce_sum3A_954 : f32
      %sub3A_957 = arith.subf %add3A_920, %mul3A_956 : f32
      %eq3A_958 = vector.broadcast %get3A_1 : vector<512x1xi32> to vector<512x1024xi32>
      %eq3A_959 = arith.cmpi eq, %add3A_945, %eq3A_958 : vector<512x1024xi32>
      %ne3A_960 = arith.constant 0 : i32
      %ne3A_961 = vector.broadcast %ne3A_960 : i32 to vector<512x1xi32>
      %ne3A_962 = arith.cmpi ne, %get3A_1, %ne3A_961 : vector<512x1xi32>
      %and3A_963 = vector.broadcast %ne3A_962 : vector<512x1xi1> to vector<512x1024xi1>
      %and3A_964 = arith.andi %eq3A_959, %and3A_963 : vector<512x1024xi1>
      %jit3A_965 = arith.constant 0.000000e+00 : f32
      %broadcast_in_dim3A_966 = vector.broadcast %jit3A_965 : f32 to vector<512x1024xf32>
      %select_n3A_967 = arith.select %and3A_964, %get3A_940, %broadcast_in_dim3A_966 : vector<512x1024xi1>, vector<512x1024xf32>
      %reduce_sum3A_968 = vector.shape_cast %select_n3A_967 : vector<512x1024xf32> to vector<1x512x1024xf32>
      %reduce_sum3A_969 = arith.constant dense<0.000000e+00> : vector<1xf32>
      %reduce_sum3A_970 = vector.multi_reduction <add>, %reduce_sum3A_968, %reduce_sum3A_969 [1, 2] : vector<1x512x1024xf32> to vector<1xf32>
      %reduce_sum3A_971 = vector.shape_cast %reduce_sum3A_970 : vector<1xf32> to vector<1x1x1xf32>
      %reduce_sum3A_972 = vector.extract %reduce_sum3A_971[0, 0, 0] : f32 from vector<1x1x1xf32>
      %mul3A_973 = arith.constant -8.999990e-01 : f32
      %mul3A_974 = arith.mulf %mul3A_973, %reduce_sum3A_972 : f32
      %add3A_975 = arith.addf %sub3A_957, %mul3A_974 : f32
      %add3A_976 = arith.constant 12 : i32
      %add3A_977 = arith.addi %add3A_933, %add3A_976 : i32
      %le3A_978 = arith.constant 96 : i32
      %le3A_979 = arith.cmpi sle, %add3A_977, %le3A_978 : i32
      %convert_element_type3A_980 = arith.extui %le3A_979 : i1 to i32
      %cond3A_981 = arith.constant 0 : i32
      %cond3A_982 = arith.cmpi ne, %convert_element_type3A_980, %cond3A_981 : i32
      scf.if %cond3A_982 {
        %add3A_1313 = arith.constant 12 : i32
        %add3A_1314 = arith.addi %add3A_933, %add3A_1313 : i32
        %mul3A_1315 = arith.constant 1024 : i32
        %mul3A_1316 = arith.muli %add3A_1314, %mul3A_1315 : i32
        %dma_start3A_1317 = arith.constant 0 : i32
        %dma_start3A_1318 = tpu.memref_slice %arg0[%dma_start3A_1317, %mul3A_1316] : memref<1024x100000xf32, #tpu.memory_space<any>> -> memref<512x1024xf32, #tpu.memory_space<any>>
        tpu.enqueue_dma source(%dma_start3A_1318 : memref<512x1024xf32, #tpu.memory_space<any>>) target(%arg8 : memref<512x1024xf32, #tpu.memory_space<vmem>>) target_semaphore(%arg20 : memref<!tpu.dma_semaphore, #tpu.memory_space<semaphore_mem>>)
      } else {
      }
      %mul3A_983 = arith.constant 12 : i32
      %mul3A_984 = arith.muli %scan3A_653, %mul3A_983 : i32
      %add3A_985 = arith.constant 12 : i32
      %add3A_986 = arith.addi %add3A_985, %mul3A_984 : i32
      %add3A_987 = arith.constant 6 : i32
      %add3A_988 = arith.addi %add3A_986, %add3A_987 : i32
      %mul3A_989 = arith.constant 1024 : i32
      %mul3A_990 = arith.muli %add3A_988, %mul3A_989 : i32
      %dma_wait3A_991 = arith.constant 0 : i32
      %dma_wait3A_992 = tpu.memref_slice %arg0[%dma_wait3A_991, %mul3A_990] : memref<1024x100000xf32, #tpu.memory_space<any>> -> memref<512x1024xf32, #tpu.memory_space<any>>
      tpu.wait_dma2 semaphore(%arg21 : memref<!tpu.dma_semaphore, #tpu.memory_space<semaphore_mem>>) src(%dma_wait3A_992 : memref<512x1024xf32, #tpu.memory_space<any>>) dst(%arg9 : memref<512x1024xf32, #tpu.memory_space<vmem>>)
      %get3A_993 = arith.constant 0 : index
      %get3A_994 = arith.constant 0 : index
      %get3A_995 = vector.load %arg9[%get3A_993, %get3A_994] : memref<512x1024xf32, #tpu.memory_space<vmem>>, vector<512x1024xf32>
      %mul3A_996 = arith.constant 1024 : i32
      %mul3A_997 = arith.muli %add3A_988, %mul3A_996 : i32
      %iota3A_998 = tpu.iota {dimensions = array<i32: 1>} : vector<512x1024xi32>
      %add3A_999 = vector.broadcast %mul3A_997 : i32 to vector<512x1024xi32>
      %add3A_1000 = arith.addi %add3A_999, %iota3A_998 : vector<512x1024xi32>
      %reduce_sum3A_1001 = arith.constant dense<0.000000e+00> : vector<512xf32>
      %reduce_sum3A_1002 = vector.multi_reduction <add>, %get3A_995, %reduce_sum3A_1001 [1] : vector<512x1024xf32> to vector<512xf32>
      %broadcast_in_dim3A_1003 = vector.shape_cast %reduce_sum3A_1002 : vector<512xf32> to vector<512x1xf32>
      %mul3A_1004 = arith.mulf %broadcast_in_dim3A_1003, %convert_element_type3A_4 : vector<512x1xf32>
      %reduce_sum3A_1005 = vector.shape_cast %mul3A_1004 : vector<512x1xf32> to vector<1x512x1xf32>
      %reduce_sum3A_1006 = arith.constant dense<0.000000e+00> : vector<1xf32>
      %reduce_sum3A_1007 = vector.multi_reduction <add>, %reduce_sum3A_1005, %reduce_sum3A_1006 [1, 2] : vector<1x512x1xf32> to vector<1xf32>
      %reduce_sum3A_1008 = vector.shape_cast %reduce_sum3A_1007 : vector<1xf32> to vector<1x1x1xf32>
      %reduce_sum3A_1009 = vector.extract %reduce_sum3A_1008[0, 0, 0] : f32 from vector<1x1x1xf32>
      %mul3A_1010 = arith.constant 1.000020e-06 : f32
      %mul3A_1011 = arith.mulf %mul3A_1010, %reduce_sum3A_1009 : f32
      %sub3A_1012 = arith.subf %add3A_975, %mul3A_1011 : f32
      %eq3A_1013 = vector.broadcast %get3A_1 : vector<512x1xi32> to vector<512x1024xi32>
      %eq3A_1014 = arith.cmpi eq, %add3A_1000, %eq3A_1013 : vector<512x1024xi32>
      %ne3A_1015 = arith.constant 0 : i32
      %ne3A_1016 = vector.broadcast %ne3A_1015 : i32 to vector<512x1xi32>
      %ne3A_1017 = arith.cmpi ne, %get3A_1, %ne3A_1016 : vector<512x1xi32>
      %and3A_1018 = vector.broadcast %ne3A_1017 : vector<512x1xi1> to vector<512x1024xi1>
      %and3A_1019 = arith.andi %eq3A_1014, %and3A_1018 : vector<512x1024xi1>
      %jit3A_1020 = arith.constant 0.000000e+00 : f32
      %broadcast_in_dim3A_1021 = vector.broadcast %jit3A_1020 : f32 to vector<512x1024xf32>
      %select_n3A_1022 = arith.select %and3A_1019, %get3A_995, %broadcast_in_dim3A_1021 : vector<512x1024xi1>, vector<512x1024xf32>
      %reduce_sum3A_1023 = vector.shape_cast %select_n3A_1022 : vector<512x1024xf32> to vector<1x512x1024xf32>
      %reduce_sum3A_1024 = arith.constant dense<0.000000e+00> : vector<1xf32>
      %reduce_sum3A_1025 = vector.multi_reduction <add>, %reduce_sum3A_1023, %reduce_sum3A_1024 [1, 2] : vector<1x512x1024xf32> to vector<1xf32>
      %reduce_sum3A_1026 = vector.shape_cast %reduce_sum3A_1025 : vector<1xf32> to vector<1x1x1xf32>
      %reduce_sum3A_1027 = vector.extract %reduce_sum3A_1026[0, 0, 0] : f32 from vector<1x1x1xf32>
      %mul3A_1028 = arith.constant -8.999990e-01 : f32
      %mul3A_1029 = arith.mulf %mul3A_1028, %reduce_sum3A_1027 : f32
      %add3A_1030 = arith.addf %sub3A_1012, %mul3A_1029 : f32
      %add3A_1031 = arith.constant 12 : i32
      %add3A_1032 = arith.addi %add3A_988, %add3A_1031 : i32
      %le3A_1033 = arith.constant 96 : i32
      %le3A_1034 = arith.cmpi sle, %add3A_1032, %le3A_1033 : i32
      %convert_element_type3A_1035 = arith.extui %le3A_1034 : i1 to i32
      %cond3A_1036 = arith.constant 0 : i32
      %cond3A_1037 = arith.cmpi ne, %convert_element_type3A_1035, %cond3A_1036 : i32
      scf.if %cond3A_1037 {
        %add3A_1313 = arith.constant 12 : i32
        %add3A_1314 = arith.addi %add3A_988, %add3A_1313 : i32
        %mul3A_1315 = arith.constant 1024 : i32
        %mul3A_1316 = arith.muli %add3A_1314, %mul3A_1315 : i32
        %dma_start3A_1317 = arith.constant 0 : i32
        %dma_start3A_1318 = tpu.memref_slice %arg0[%dma_start3A_1317, %mul3A_1316] : memref<1024x100000xf32, #tpu.memory_space<any>> -> memref<512x1024xf32, #tpu.memory_space<any>>
        tpu.enqueue_dma source(%dma_start3A_1318 : memref<512x1024xf32, #tpu.memory_space<any>>) target(%arg9 : memref<512x1024xf32, #tpu.memory_space<vmem>>) target_semaphore(%arg21 : memref<!tpu.dma_semaphore, #tpu.memory_space<semaphore_mem>>)
      } else {
      }
      %mul3A_1038 = arith.constant 12 : i32
      %mul3A_1039 = arith.muli %scan3A_653, %mul3A_1038 : i32
      %add3A_1040 = arith.constant 12 : i32
      %add3A_1041 = arith.addi %add3A_1040, %mul3A_1039 : i32
      %add3A_1042 = arith.constant 7 : i32
      %add3A_1043 = arith.addi %add3A_1041, %add3A_1042 : i32
      %mul3A_1044 = arith.constant 1024 : i32
      %mul3A_1045 = arith.muli %add3A_1043, %mul3A_1044 : i32
      %dma_wait3A_1046 = arith.constant 0 : i32
      %dma_wait3A_1047 = tpu.memref_slice %arg0[%dma_wait3A_1046, %mul3A_1045] : memref<1024x100000xf32, #tpu.memory_space<any>> -> memref<512x1024xf32, #tpu.memory_space<any>>
      tpu.wait_dma2 semaphore(%arg22 : memref<!tpu.dma_semaphore, #tpu.memory_space<semaphore_mem>>) src(%dma_wait3A_1047 : memref<512x1024xf32, #tpu.memory_space<any>>) dst(%arg10 : memref<512x1024xf32, #tpu.memory_space<vmem>>)
      %get3A_1048 = arith.constant 0 : index
      %get3A_1049 = arith.constant 0 : index
      %get3A_1050 = vector.load %arg10[%get3A_1048, %get3A_1049] : memref<512x1024xf32, #tpu.memory_space<vmem>>, vector<512x1024xf32>
      %mul3A_1051 = arith.constant 1024 : i32
      %mul3A_1052 = arith.muli %add3A_1043, %mul3A_1051 : i32
      %iota3A_1053 = tpu.iota {dimensions = array<i32: 1>} : vector<512x1024xi32>
      %add3A_1054 = vector.broadcast %mul3A_1052 : i32 to vector<512x1024xi32>
      %add3A_1055 = arith.addi %add3A_1054, %iota3A_1053 : vector<512x1024xi32>
      %reduce_sum3A_1056 = arith.constant dense<0.000000e+00> : vector<512xf32>
      %reduce_sum3A_1057 = vector.multi_reduction <add>, %get3A_1050, %reduce_sum3A_1056 [1] : vector<512x1024xf32> to vector<512xf32>
      %broadcast_in_dim3A_1058 = vector.shape_cast %reduce_sum3A_1057 : vector<512xf32> to vector<512x1xf32>
      %mul3A_1059 = arith.mulf %broadcast_in_dim3A_1058, %convert_element_type3A_4 : vector<512x1xf32>
      %reduce_sum3A_1060 = vector.shape_cast %mul3A_1059 : vector<512x1xf32> to vector<1x512x1xf32>
      %reduce_sum3A_1061 = arith.constant dense<0.000000e+00> : vector<1xf32>
      %reduce_sum3A_1062 = vector.multi_reduction <add>, %reduce_sum3A_1060, %reduce_sum3A_1061 [1, 2] : vector<1x512x1xf32> to vector<1xf32>
      %reduce_sum3A_1063 = vector.shape_cast %reduce_sum3A_1062 : vector<1xf32> to vector<1x1x1xf32>
      %reduce_sum3A_1064 = vector.extract %reduce_sum3A_1063[0, 0, 0] : f32 from vector<1x1x1xf32>
      %mul3A_1065 = arith.constant 1.000020e-06 : f32
      %mul3A_1066 = arith.mulf %mul3A_1065, %reduce_sum3A_1064 : f32
      %sub3A_1067 = arith.subf %add3A_1030, %mul3A_1066 : f32
      %eq3A_1068 = vector.broadcast %get3A_1 : vector<512x1xi32> to vector<512x1024xi32>
      %eq3A_1069 = arith.cmpi eq, %add3A_1055, %eq3A_1068 : vector<512x1024xi32>
      %ne3A_1070 = arith.constant 0 : i32
      %ne3A_1071 = vector.broadcast %ne3A_1070 : i32 to vector<512x1xi32>
      %ne3A_1072 = arith.cmpi ne, %get3A_1, %ne3A_1071 : vector<512x1xi32>
      %and3A_1073 = vector.broadcast %ne3A_1072 : vector<512x1xi1> to vector<512x1024xi1>
      %and3A_1074 = arith.andi %eq3A_1069, %and3A_1073 : vector<512x1024xi1>
      %jit3A_1075 = arith.constant 0.000000e+00 : f32
      %broadcast_in_dim3A_1076 = vector.broadcast %jit3A_1075 : f32 to vector<512x1024xf32>
      %select_n3A_1077 = arith.select %and3A_1074, %get3A_1050, %broadcast_in_dim3A_1076 : vector<512x1024xi1>, vector<512x1024xf32>
      %reduce_sum3A_1078 = vector.shape_cast %select_n3A_1077 : vector<512x1024xf32> to vector<1x512x1024xf32>
      %reduce_sum3A_1079 = arith.constant dense<0.000000e+00> : vector<1xf32>
      %reduce_sum3A_1080 = vector.multi_reduction <add>, %reduce_sum3A_1078, %reduce_sum3A_1079 [1, 2] : vector<1x512x1024xf32> to vector<1xf32>
      %reduce_sum3A_1081 = vector.shape_cast %reduce_sum3A_1080 : vector<1xf32> to vector<1x1x1xf32>
      %reduce_sum3A_1082 = vector.extract %reduce_sum3A_1081[0, 0, 0] : f32 from vector<1x1x1xf32>
      %mul3A_1083 = arith.constant -8.999990e-01 : f32
      %mul3A_1084 = arith.mulf %mul3A_1083, %reduce_sum3A_1082 : f32
      %add3A_1085 = arith.addf %sub3A_1067, %mul3A_1084 : f32
      %add3A_1086 = arith.constant 12 : i32
      %add3A_1087 = arith.addi %add3A_1043, %add3A_1086 : i32
      %le3A_1088 = arith.constant 96 : i32
      %le3A_1089 = arith.cmpi sle, %add3A_1087, %le3A_1088 : i32
      %convert_element_type3A_1090 = arith.extui %le3A_1089 : i1 to i32
      %cond3A_1091 = arith.constant 0 : i32
      %cond3A_1092 = arith.cmpi ne, %convert_element_type3A_1090, %cond3A_1091 : i32
      scf.if %cond3A_1092 {
        %add3A_1313 = arith.constant 12 : i32
        %add3A_1314 = arith.addi %add3A_1043, %add3A_1313 : i32
        %mul3A_1315 = arith.constant 1024 : i32
        %mul3A_1316 = arith.muli %add3A_1314, %mul3A_1315 : i32
        %dma_start3A_1317 = arith.constant 0 : i32
        %dma_start3A_1318 = tpu.memref_slice %arg0[%dma_start3A_1317, %mul3A_1316] : memref<1024x100000xf32, #tpu.memory_space<any>> -> memref<512x1024xf32, #tpu.memory_space<any>>
        tpu.enqueue_dma source(%dma_start3A_1318 : memref<512x1024xf32, #tpu.memory_space<any>>) target(%arg10 : memref<512x1024xf32, #tpu.memory_space<vmem>>) target_semaphore(%arg22 : memref<!tpu.dma_semaphore, #tpu.memory_space<semaphore_mem>>)
      } else {
      }
      %mul3A_1093 = arith.constant 12 : i32
      %mul3A_1094 = arith.muli %scan3A_653, %mul3A_1093 : i32
      %add3A_1095 = arith.constant 12 : i32
      %add3A_1096 = arith.addi %add3A_1095, %mul3A_1094 : i32
      %add3A_1097 = arith.constant 8 : i32
      %add3A_1098 = arith.addi %add3A_1096, %add3A_1097 : i32
      %mul3A_1099 = arith.constant 1024 : i32
      %mul3A_1100 = arith.muli %add3A_1098, %mul3A_1099 : i32
      %dma_wait3A_1101 = arith.constant 0 : i32
      %dma_wait3A_1102 = tpu.memref_slice %arg0[%dma_wait3A_1101, %mul3A_1100] : memref<1024x100000xf32, #tpu.memory_space<any>> -> memref<512x1024xf32, #tpu.memory_space<any>>
      tpu.wait_dma2 semaphore(%arg23 : memref<!tpu.dma_semaphore, #tpu.memory_space<semaphore_mem>>) src(%dma_wait3A_1102 : memref<512x1024xf32, #tpu.memory_space<any>>) dst(%arg11 : memref<512x1024xf32, #tpu.memory_space<vmem>>)
      %get3A_1103 = arith.constant 0 : index
      %get3A_1104 = arith.constant 0 : index
      %get3A_1105 = vector.load %arg11[%get3A_1103, %get3A_1104] : memref<512x1024xf32, #tpu.memory_space<vmem>>, vector<512x1024xf32>
      %mul3A_1106 = arith.constant 1024 : i32
      %mul3A_1107 = arith.muli %add3A_1098, %mul3A_1106 : i32
      %iota3A_1108 = tpu.iota {dimensions = array<i32: 1>} : vector<512x1024xi32>
      %add3A_1109 = vector.broadcast %mul3A_1107 : i32 to vector<512x1024xi32>
      %add3A_1110 = arith.addi %add3A_1109, %iota3A_1108 : vector<512x1024xi32>
      %reduce_sum3A_1111 = arith.constant dense<0.000000e+00> : vector<512xf32>
      %reduce_sum3A_1112 = vector.multi_reduction <add>, %get3A_1105, %reduce_sum3A_1111 [1] : vector<512x1024xf32> to vector<512xf32>
      %broadcast_in_dim3A_1113 = vector.shape_cast %reduce_sum3A_1112 : vector<512xf32> to vector<512x1xf32>
      %mul3A_1114 = arith.mulf %broadcast_in_dim3A_1113, %convert_element_type3A_4 : vector<512x1xf32>
      %reduce_sum3A_1115 = vector.shape_cast %mul3A_1114 : vector<512x1xf32> to vector<1x512x1xf32>
      %reduce_sum3A_1116 = arith.constant dense<0.000000e+00> : vector<1xf32>
      %reduce_sum3A_1117 = vector.multi_reduction <add>, %reduce_sum3A_1115, %reduce_sum3A_1116 [1, 2] : vector<1x512x1xf32> to vector<1xf32>
      %reduce_sum3A_1118 = vector.shape_cast %reduce_sum3A_1117 : vector<1xf32> to vector<1x1x1xf32>
      %reduce_sum3A_1119 = vector.extract %reduce_sum3A_1118[0, 0, 0] : f32 from vector<1x1x1xf32>
      %mul3A_1120 = arith.constant 1.000020e-06 : f32
      %mul3A_1121 = arith.mulf %mul3A_1120, %reduce_sum3A_1119 : f32
      %sub3A_1122 = arith.subf %add3A_1085, %mul3A_1121 : f32
      %eq3A_1123 = vector.broadcast %get3A_1 : vector<512x1xi32> to vector<512x1024xi32>
      %eq3A_1124 = arith.cmpi eq, %add3A_1110, %eq3A_1123 : vector<512x1024xi32>
      %ne3A_1125 = arith.constant 0 : i32
      %ne3A_1126 = vector.broadcast %ne3A_1125 : i32 to vector<512x1xi32>
      %ne3A_1127 = arith.cmpi ne, %get3A_1, %ne3A_1126 : vector<512x1xi32>
      %and3A_1128 = vector.broadcast %ne3A_1127 : vector<512x1xi1> to vector<512x1024xi1>
      %and3A_1129 = arith.andi %eq3A_1124, %and3A_1128 : vector<512x1024xi1>
      %jit3A_1130 = arith.constant 0.000000e+00 : f32
      %broadcast_in_dim3A_1131 = vector.broadcast %jit3A_1130 : f32 to vector<512x1024xf32>
      %select_n3A_1132 = arith.select %and3A_1129, %get3A_1105, %broadcast_in_dim3A_1131 : vector<512x1024xi1>, vector<512x1024xf32>
      %reduce_sum3A_1133 = vector.shape_cast %select_n3A_1132 : vector<512x1024xf32> to vector<1x512x1024xf32>
      %reduce_sum3A_1134 = arith.constant dense<0.000000e+00> : vector<1xf32>
      %reduce_sum3A_1135 = vector.multi_reduction <add>, %reduce_sum3A_1133, %reduce_sum3A_1134 [1, 2] : vector<1x512x1024xf32> to vector<1xf32>
      %reduce_sum3A_1136 = vector.shape_cast %reduce_sum3A_1135 : vector<1xf32> to vector<1x1x1xf32>
      %reduce_sum3A_1137 = vector.extract %reduce_sum3A_1136[0, 0, 0] : f32 from vector<1x1x1xf32>
      %mul3A_1138 = arith.constant -8.999990e-01 : f32
      %mul3A_1139 = arith.mulf %mul3A_1138, %reduce_sum3A_1137 : f32
      %add3A_1140 = arith.addf %sub3A_1122, %mul3A_1139 : f32
      %add3A_1141 = arith.constant 12 : i32
      %add3A_1142 = arith.addi %add3A_1098, %add3A_1141 : i32
      %le3A_1143 = arith.constant 96 : i32
      %le3A_1144 = arith.cmpi sle, %add3A_1142, %le3A_1143 : i32
      %convert_element_type3A_1145 = arith.extui %le3A_1144 : i1 to i32
      %cond3A_1146 = arith.constant 0 : i32
      %cond3A_1147 = arith.cmpi ne, %convert_element_type3A_1145, %cond3A_1146 : i32
      scf.if %cond3A_1147 {
        %add3A_1313 = arith.constant 12 : i32
        %add3A_1314 = arith.addi %add3A_1098, %add3A_1313 : i32
        %mul3A_1315 = arith.constant 1024 : i32
        %mul3A_1316 = arith.muli %add3A_1314, %mul3A_1315 : i32
        %dma_start3A_1317 = arith.constant 0 : i32
        %dma_start3A_1318 = tpu.memref_slice %arg0[%dma_start3A_1317, %mul3A_1316] : memref<1024x100000xf32, #tpu.memory_space<any>> -> memref<512x1024xf32, #tpu.memory_space<any>>
        tpu.enqueue_dma source(%dma_start3A_1318 : memref<512x1024xf32, #tpu.memory_space<any>>) target(%arg11 : memref<512x1024xf32, #tpu.memory_space<vmem>>) target_semaphore(%arg23 : memref<!tpu.dma_semaphore, #tpu.memory_space<semaphore_mem>>)
      } else {
      }
      %mul3A_1148 = arith.constant 12 : i32
      %mul3A_1149 = arith.muli %scan3A_653, %mul3A_1148 : i32
      %add3A_1150 = arith.constant 12 : i32
      %add3A_1151 = arith.addi %add3A_1150, %mul3A_1149 : i32
      %add3A_1152 = arith.constant 9 : i32
      %add3A_1153 = arith.addi %add3A_1151, %add3A_1152 : i32
      %mul3A_1154 = arith.constant 1024 : i32
      %mul3A_1155 = arith.muli %add3A_1153, %mul3A_1154 : i32
      %dma_wait3A_1156 = arith.constant 0 : i32
      %dma_wait3A_1157 = tpu.memref_slice %arg0[%dma_wait3A_1156, %mul3A_1155] : memref<1024x100000xf32, #tpu.memory_space<any>> -> memref<512x1024xf32, #tpu.memory_space<any>>
      tpu.wait_dma2 semaphore(%arg24 : memref<!tpu.dma_semaphore, #tpu.memory_space<semaphore_mem>>) src(%dma_wait3A_1157 : memref<512x1024xf32, #tpu.memory_space<any>>) dst(%arg12 : memref<512x1024xf32, #tpu.memory_space<vmem>>)
      %get3A_1158 = arith.constant 0 : index
      %get3A_1159 = arith.constant 0 : index
      %get3A_1160 = vector.load %arg12[%get3A_1158, %get3A_1159] : memref<512x1024xf32, #tpu.memory_space<vmem>>, vector<512x1024xf32>
      %mul3A_1161 = arith.constant 1024 : i32
      %mul3A_1162 = arith.muli %add3A_1153, %mul3A_1161 : i32
      %iota3A_1163 = tpu.iota {dimensions = array<i32: 1>} : vector<512x1024xi32>
      %add3A_1164 = vector.broadcast %mul3A_1162 : i32 to vector<512x1024xi32>
      %add3A_1165 = arith.addi %add3A_1164, %iota3A_1163 : vector<512x1024xi32>
      %reduce_sum3A_1166 = arith.constant dense<0.000000e+00> : vector<512xf32>
      %reduce_sum3A_1167 = vector.multi_reduction <add>, %get3A_1160, %reduce_sum3A_1166 [1] : vector<512x1024xf32> to vector<512xf32>
      %broadcast_in_dim3A_1168 = vector.shape_cast %reduce_sum3A_1167 : vector<512xf32> to vector<512x1xf32>
      %mul3A_1169 = arith.mulf %broadcast_in_dim3A_1168, %convert_element_type3A_4 : vector<512x1xf32>
      %reduce_sum3A_1170 = vector.shape_cast %mul3A_1169 : vector<512x1xf32> to vector<1x512x1xf32>
      %reduce_sum3A_1171 = arith.constant dense<0.000000e+00> : vector<1xf32>
      %reduce_sum3A_1172 = vector.multi_reduction <add>, %reduce_sum3A_1170, %reduce_sum3A_1171 [1, 2] : vector<1x512x1xf32> to vector<1xf32>
      %reduce_sum3A_1173 = vector.shape_cast %reduce_sum3A_1172 : vector<1xf32> to vector<1x1x1xf32>
      %reduce_sum3A_1174 = vector.extract %reduce_sum3A_1173[0, 0, 0] : f32 from vector<1x1x1xf32>
      %mul3A_1175 = arith.constant 1.000020e-06 : f32
      %mul3A_1176 = arith.mulf %mul3A_1175, %reduce_sum3A_1174 : f32
      %sub3A_1177 = arith.subf %add3A_1140, %mul3A_1176 : f32
      %eq3A_1178 = vector.broadcast %get3A_1 : vector<512x1xi32> to vector<512x1024xi32>
      %eq3A_1179 = arith.cmpi eq, %add3A_1165, %eq3A_1178 : vector<512x1024xi32>
      %ne3A_1180 = arith.constant 0 : i32
      %ne3A_1181 = vector.broadcast %ne3A_1180 : i32 to vector<512x1xi32>
      %ne3A_1182 = arith.cmpi ne, %get3A_1, %ne3A_1181 : vector<512x1xi32>
      %and3A_1183 = vector.broadcast %ne3A_1182 : vector<512x1xi1> to vector<512x1024xi1>
      %and3A_1184 = arith.andi %eq3A_1179, %and3A_1183 : vector<512x1024xi1>
      %jit3A_1185 = arith.constant 0.000000e+00 : f32
      %broadcast_in_dim3A_1186 = vector.broadcast %jit3A_1185 : f32 to vector<512x1024xf32>
      %select_n3A_1187 = arith.select %and3A_1184, %get3A_1160, %broadcast_in_dim3A_1186 : vector<512x1024xi1>, vector<512x1024xf32>
      %reduce_sum3A_1188 = vector.shape_cast %select_n3A_1187 : vector<512x1024xf32> to vector<1x512x1024xf32>
      %reduce_sum3A_1189 = arith.constant dense<0.000000e+00> : vector<1xf32>
      %reduce_sum3A_1190 = vector.multi_reduction <add>, %reduce_sum3A_1188, %reduce_sum3A_1189 [1, 2] : vector<1x512x1024xf32> to vector<1xf32>
      %reduce_sum3A_1191 = vector.shape_cast %reduce_sum3A_1190 : vector<1xf32> to vector<1x1x1xf32>
      %reduce_sum3A_1192 = vector.extract %reduce_sum3A_1191[0, 0, 0] : f32 from vector<1x1x1xf32>
      %mul3A_1193 = arith.constant -8.999990e-01 : f32
      %mul3A_1194 = arith.mulf %mul3A_1193, %reduce_sum3A_1192 : f32
      %add3A_1195 = arith.addf %sub3A_1177, %mul3A_1194 : f32
      %add3A_1196 = arith.constant 12 : i32
      %add3A_1197 = arith.addi %add3A_1153, %add3A_1196 : i32
      %le3A_1198 = arith.constant 96 : i32
      %le3A_1199 = arith.cmpi sle, %add3A_1197, %le3A_1198 : i32
      %convert_element_type3A_1200 = arith.extui %le3A_1199 : i1 to i32
      %cond3A_1201 = arith.constant 0 : i32
      %cond3A_1202 = arith.cmpi ne, %convert_element_type3A_1200, %cond3A_1201 : i32
      scf.if %cond3A_1202 {
        %add3A_1313 = arith.constant 12 : i32
        %add3A_1314 = arith.addi %add3A_1153, %add3A_1313 : i32
        %mul3A_1315 = arith.constant 1024 : i32
        %mul3A_1316 = arith.muli %add3A_1314, %mul3A_1315 : i32
        %dma_start3A_1317 = arith.constant 0 : i32
        %dma_start3A_1318 = tpu.memref_slice %arg0[%dma_start3A_1317, %mul3A_1316] : memref<1024x100000xf32, #tpu.memory_space<any>> -> memref<512x1024xf32, #tpu.memory_space<any>>
        tpu.enqueue_dma source(%dma_start3A_1318 : memref<512x1024xf32, #tpu.memory_space<any>>) target(%arg12 : memref<512x1024xf32, #tpu.memory_space<vmem>>) target_semaphore(%arg24 : memref<!tpu.dma_semaphore, #tpu.memory_space<semaphore_mem>>)
      } else {
      }
      %mul3A_1203 = arith.constant 12 : i32
      %mul3A_1204 = arith.muli %scan3A_653, %mul3A_1203 : i32
      %add3A_1205 = arith.constant 12 : i32
      %add3A_1206 = arith.addi %add3A_1205, %mul3A_1204 : i32
      %add3A_1207 = arith.constant 10 : i32
      %add3A_1208 = arith.addi %add3A_1206, %add3A_1207 : i32
      %mul3A_1209 = arith.constant 1024 : i32
      %mul3A_1210 = arith.muli %add3A_1208, %mul3A_1209 : i32
      %dma_wait3A_1211 = arith.constant 0 : i32
      %dma_wait3A_1212 = tpu.memref_slice %arg0[%dma_wait3A_1211, %mul3A_1210] : memref<1024x100000xf32, #tpu.memory_space<any>> -> memref<512x1024xf32, #tpu.memory_space<any>>
      tpu.wait_dma2 semaphore(%arg25 : memref<!tpu.dma_semaphore, #tpu.memory_space<semaphore_mem>>) src(%dma_wait3A_1212 : memref<512x1024xf32, #tpu.memory_space<any>>) dst(%arg13 : memref<512x1024xf32, #tpu.memory_space<vmem>>)
      %get3A_1213 = arith.constant 0 : index
      %get3A_1214 = arith.constant 0 : index
      %get3A_1215 = vector.load %arg13[%get3A_1213, %get3A_1214] : memref<512x1024xf32, #tpu.memory_space<vmem>>, vector<512x1024xf32>
      %mul3A_1216 = arith.constant 1024 : i32
      %mul3A_1217 = arith.muli %add3A_1208, %mul3A_1216 : i32
      %iota3A_1218 = tpu.iota {dimensions = array<i32: 1>} : vector<512x1024xi32>
      %add3A_1219 = vector.broadcast %mul3A_1217 : i32 to vector<512x1024xi32>
      %add3A_1220 = arith.addi %add3A_1219, %iota3A_1218 : vector<512x1024xi32>
      %reduce_sum3A_1221 = arith.constant dense<0.000000e+00> : vector<512xf32>
      %reduce_sum3A_1222 = vector.multi_reduction <add>, %get3A_1215, %reduce_sum3A_1221 [1] : vector<512x1024xf32> to vector<512xf32>
      %broadcast_in_dim3A_1223 = vector.shape_cast %reduce_sum3A_1222 : vector<512xf32> to vector<512x1xf32>
      %mul3A_1224 = arith.mulf %broadcast_in_dim3A_1223, %convert_element_type3A_4 : vector<512x1xf32>
      %reduce_sum3A_1225 = vector.shape_cast %mul3A_1224 : vector<512x1xf32> to vector<1x512x1xf32>
      %reduce_sum3A_1226 = arith.constant dense<0.000000e+00> : vector<1xf32>
      %reduce_sum3A_1227 = vector.multi_reduction <add>, %reduce_sum3A_1225, %reduce_sum3A_1226 [1, 2] : vector<1x512x1xf32> to vector<1xf32>
      %reduce_sum3A_1228 = vector.shape_cast %reduce_sum3A_1227 : vector<1xf32> to vector<1x1x1xf32>
      %reduce_sum3A_1229 = vector.extract %reduce_sum3A_1228[0, 0, 0] : f32 from vector<1x1x1xf32>
      %mul3A_1230 = arith.constant 1.000020e-06 : f32
      %mul3A_1231 = arith.mulf %mul3A_1230, %reduce_sum3A_1229 : f32
      %sub3A_1232 = arith.subf %add3A_1195, %mul3A_1231 : f32
      %eq3A_1233 = vector.broadcast %get3A_1 : vector<512x1xi32> to vector<512x1024xi32>
      %eq3A_1234 = arith.cmpi eq, %add3A_1220, %eq3A_1233 : vector<512x1024xi32>
      %ne3A_1235 = arith.constant 0 : i32
      %ne3A_1236 = vector.broadcast %ne3A_1235 : i32 to vector<512x1xi32>
      %ne3A_1237 = arith.cmpi ne, %get3A_1, %ne3A_1236 : vector<512x1xi32>
      %and3A_1238 = vector.broadcast %ne3A_1237 : vector<512x1xi1> to vector<512x1024xi1>
      %and3A_1239 = arith.andi %eq3A_1234, %and3A_1238 : vector<512x1024xi1>
      %jit3A_1240 = arith.constant 0.000000e+00 : f32
      %broadcast_in_dim3A_1241 = vector.broadcast %jit3A_1240 : f32 to vector<512x1024xf32>
      %select_n3A_1242 = arith.select %and3A_1239, %get3A_1215, %broadcast_in_dim3A_1241 : vector<512x1024xi1>, vector<512x1024xf32>
      %reduce_sum3A_1243 = vector.shape_cast %select_n3A_1242 : vector<512x1024xf32> to vector<1x512x1024xf32>
      %reduce_sum3A_1244 = arith.constant dense<0.000000e+00> : vector<1xf32>
      %reduce_sum3A_1245 = vector.multi_reduction <add>, %reduce_sum3A_1243, %reduce_sum3A_1244 [1, 2] : vector<1x512x1024xf32> to vector<1xf32>
      %reduce_sum3A_1246 = vector.shape_cast %reduce_sum3A_1245 : vector<1xf32> to vector<1x1x1xf32>
      %reduce_sum3A_1247 = vector.extract %reduce_sum3A_1246[0, 0, 0] : f32 from vector<1x1x1xf32>
      %mul3A_1248 = arith.constant -8.999990e-01 : f32
      %mul3A_1249 = arith.mulf %mul3A_1248, %reduce_sum3A_1247 : f32
      %add3A_1250 = arith.addf %sub3A_1232, %mul3A_1249 : f32
      %add3A_1251 = arith.constant 12 : i32
      %add3A_1252 = arith.addi %add3A_1208, %add3A_1251 : i32
      %le3A_1253 = arith.constant 96 : i32
      %le3A_1254 = arith.cmpi sle, %add3A_1252, %le3A_1253 : i32
      %convert_element_type3A_1255 = arith.extui %le3A_1254 : i1 to i32
      %cond3A_1256 = arith.constant 0 : i32
      %cond3A_1257 = arith.cmpi ne, %convert_element_type3A_1255, %cond3A_1256 : i32
      scf.if %cond3A_1257 {
        %add3A_1313 = arith.constant 12 : i32
        %add3A_1314 = arith.addi %add3A_1208, %add3A_1313 : i32
        %mul3A_1315 = arith.constant 1024 : i32
        %mul3A_1316 = arith.muli %add3A_1314, %mul3A_1315 : i32
        %dma_start3A_1317 = arith.constant 0 : i32
        %dma_start3A_1318 = tpu.memref_slice %arg0[%dma_start3A_1317, %mul3A_1316] : memref<1024x100000xf32, #tpu.memory_space<any>> -> memref<512x1024xf32, #tpu.memory_space<any>>
        tpu.enqueue_dma source(%dma_start3A_1318 : memref<512x1024xf32, #tpu.memory_space<any>>) target(%arg13 : memref<512x1024xf32, #tpu.memory_space<vmem>>) target_semaphore(%arg25 : memref<!tpu.dma_semaphore, #tpu.memory_space<semaphore_mem>>)
      } else {
      }
      %mul3A_1258 = arith.constant 12 : i32
      %mul3A_1259 = arith.muli %scan3A_653, %mul3A_1258 : i32
      %add3A_1260 = arith.constant 12 : i32
      %add3A_1261 = arith.addi %add3A_1260, %mul3A_1259 : i32
      %add3A_1262 = arith.constant 11 : i32
      %add3A_1263 = arith.addi %add3A_1261, %add3A_1262 : i32
      %mul3A_1264 = arith.constant 1024 : i32
      %mul3A_1265 = arith.muli %add3A_1263, %mul3A_1264 : i32
      %dma_wait3A_1266 = arith.constant 0 : i32
      %dma_wait3A_1267 = tpu.memref_slice %arg0[%dma_wait3A_1266, %mul3A_1265] : memref<1024x100000xf32, #tpu.memory_space<any>> -> memref<512x1024xf32, #tpu.memory_space<any>>
      tpu.wait_dma2 semaphore(%arg26 : memref<!tpu.dma_semaphore, #tpu.memory_space<semaphore_mem>>) src(%dma_wait3A_1267 : memref<512x1024xf32, #tpu.memory_space<any>>) dst(%arg14 : memref<512x1024xf32, #tpu.memory_space<vmem>>)
      %get3A_1268 = arith.constant 0 : index
      %get3A_1269 = arith.constant 0 : index
      %get3A_1270 = vector.load %arg14[%get3A_1268, %get3A_1269] : memref<512x1024xf32, #tpu.memory_space<vmem>>, vector<512x1024xf32>
      %mul3A_1271 = arith.constant 1024 : i32
      %mul3A_1272 = arith.muli %add3A_1263, %mul3A_1271 : i32
      %iota3A_1273 = tpu.iota {dimensions = array<i32: 1>} : vector<512x1024xi32>
      %add3A_1274 = vector.broadcast %mul3A_1272 : i32 to vector<512x1024xi32>
      %add3A_1275 = arith.addi %add3A_1274, %iota3A_1273 : vector<512x1024xi32>
      %reduce_sum3A_1276 = arith.constant dense<0.000000e+00> : vector<512xf32>
      %reduce_sum3A_1277 = vector.multi_reduction <add>, %get3A_1270, %reduce_sum3A_1276 [1] : vector<512x1024xf32> to vector<512xf32>
      %broadcast_in_dim3A_1278 = vector.shape_cast %reduce_sum3A_1277 : vector<512xf32> to vector<512x1xf32>
      %mul3A_1279 = arith.mulf %broadcast_in_dim3A_1278, %convert_element_type3A_4 : vector<512x1xf32>
      %reduce_sum3A_1280 = vector.shape_cast %mul3A_1279 : vector<512x1xf32> to vector<1x512x1xf32>
      %reduce_sum3A_1281 = arith.constant dense<0.000000e+00> : vector<1xf32>
      %reduce_sum3A_1282 = vector.multi_reduction <add>, %reduce_sum3A_1280, %reduce_sum3A_1281 [1, 2] : vector<1x512x1xf32> to vector<1xf32>
      %reduce_sum3A_1283 = vector.shape_cast %reduce_sum3A_1282 : vector<1xf32> to vector<1x1x1xf32>
      %reduce_sum3A_1284 = vector.extract %reduce_sum3A_1283[0, 0, 0] : f32 from vector<1x1x1xf32>
      %mul3A_1285 = arith.constant 1.000020e-06 : f32
      %mul3A_1286 = arith.mulf %mul3A_1285, %reduce_sum3A_1284 : f32
      %sub3A_1287 = arith.subf %add3A_1250, %mul3A_1286 : f32
      %eq3A_1288 = vector.broadcast %get3A_1 : vector<512x1xi32> to vector<512x1024xi32>
      %eq3A_1289 = arith.cmpi eq, %add3A_1275, %eq3A_1288 : vector<512x1024xi32>
      %ne3A_1290 = arith.constant 0 : i32
      %ne3A_1291 = vector.broadcast %ne3A_1290 : i32 to vector<512x1xi32>
      %ne3A_1292 = arith.cmpi ne, %get3A_1, %ne3A_1291 : vector<512x1xi32>
      %and3A_1293 = vector.broadcast %ne3A_1292 : vector<512x1xi1> to vector<512x1024xi1>
      %and3A_1294 = arith.andi %eq3A_1289, %and3A_1293 : vector<512x1024xi1>
      %jit3A_1295 = arith.constant 0.000000e+00 : f32
      %broadcast_in_dim3A_1296 = vector.broadcast %jit3A_1295 : f32 to vector<512x1024xf32>
      %select_n3A_1297 = arith.select %and3A_1294, %get3A_1270, %broadcast_in_dim3A_1296 : vector<512x1024xi1>, vector<512x1024xf32>
      %reduce_sum3A_1298 = vector.shape_cast %select_n3A_1297 : vector<512x1024xf32> to vector<1x512x1024xf32>
      %reduce_sum3A_1299 = arith.constant dense<0.000000e+00> : vector<1xf32>
      %reduce_sum3A_1300 = vector.multi_reduction <add>, %reduce_sum3A_1298, %reduce_sum3A_1299 [1, 2] : vector<1x512x1024xf32> to vector<1xf32>
      %reduce_sum3A_1301 = vector.shape_cast %reduce_sum3A_1300 : vector<1xf32> to vector<1x1x1xf32>
      %reduce_sum3A_1302 = vector.extract %reduce_sum3A_1301[0, 0, 0] : f32 from vector<1x1x1xf32>
      %mul3A_1303 = arith.constant -8.999990e-01 : f32
      %mul3A_1304 = arith.mulf %mul3A_1303, %reduce_sum3A_1302 : f32
      %add3A_1305 = arith.addf %sub3A_1287, %mul3A_1304 : f32
      %add3A_1306 = arith.constant 12 : i32
      %add3A_1307 = arith.addi %add3A_1263, %add3A_1306 : i32
      %le3A_1308 = arith.constant 96 : i32
      %le3A_1309 = arith.cmpi sle, %add3A_1307, %le3A_1308 : i32
      %convert_element_type3A_1310 = arith.extui %le3A_1309 : i1 to i32
      %cond3A_1311 = arith.constant 0 : i32
      %cond3A_1312 = arith.cmpi ne, %convert_element_type3A_1310, %cond3A_1311 : i32
      scf.if %cond3A_1312 {
        %add3A_1313 = arith.constant 12 : i32
        %add3A_1314 = arith.addi %add3A_1263, %add3A_1313 : i32
        %mul3A_1315 = arith.constant 1024 : i32
        %mul3A_1316 = arith.muli %add3A_1314, %mul3A_1315 : i32
        %dma_start3A_1317 = arith.constant 0 : i32
        %dma_start3A_1318 = tpu.memref_slice %arg0[%dma_start3A_1317, %mul3A_1316] : memref<1024x100000xf32, #tpu.memory_space<any>> -> memref<512x1024xf32, #tpu.memory_space<any>>
        tpu.enqueue_dma source(%dma_start3A_1318 : memref<512x1024xf32, #tpu.memory_space<any>>) target(%arg14 : memref<512x1024xf32, #tpu.memory_space<vmem>>) target_semaphore(%arg26 : memref<!tpu.dma_semaphore, #tpu.memory_space<semaphore_mem>>)
      } else {
      }
      scf.yield %add3A_1305 : f32
    }
    %scan3A_570 = arith.constant 7 : i32
    %dma_wait3A_571 = arith.constant 0 : i32
    %dma_wait3A_572 = arith.constant 98304 : i32
    %dma_wait3A_573 = tpu.memref_slice %arg0[%dma_wait3A_571, %dma_wait3A_572] : memref<1024x100000xf32, #tpu.memory_space<any>> -> memref<512x1024xf32, #tpu.memory_space<any>>
    tpu.wait_dma2 semaphore(%arg15 : memref<!tpu.dma_semaphore, #tpu.memory_space<semaphore_mem>>) src(%dma_wait3A_573 : memref<512x1024xf32, #tpu.memory_space<any>>) dst(%arg3 : memref<512x1024xf32, #tpu.memory_space<vmem>>)
    %get3A_574 = arith.constant 0 : index
    %get3A_575 = arith.constant 0 : index
    %get3A_576 = vector.load %arg3[%get3A_574, %get3A_575] : memref<512x1024xf32, #tpu.memory_space<vmem>>, vector<512x1024xf32>
    %iota3A_577 = tpu.iota {dimensions = array<i32: 1>} : vector<512x1024xi32>
    %add3A_578 = arith.constant 98304 : i32
    %add3A_579 = vector.broadcast %add3A_578 : i32 to vector<512x1024xi32>
    %add3A_580 = arith.addi %add3A_579, %iota3A_577 : vector<512x1024xi32>
    %reduce_sum3A_581 = arith.constant dense<0.000000e+00> : vector<512xf32>
    %reduce_sum3A_582 = vector.multi_reduction <add>, %get3A_576, %reduce_sum3A_581 [1] : vector<512x1024xf32> to vector<512xf32>
    %broadcast_in_dim3A_583 = vector.shape_cast %reduce_sum3A_582 : vector<512xf32> to vector<512x1xf32>
    %mul3A_584 = arith.mulf %broadcast_in_dim3A_583, %convert_element_type3A_4 : vector<512x1xf32>
    %reduce_sum3A_585 = vector.shape_cast %mul3A_584 : vector<512x1xf32> to vector<1x512x1xf32>
    %reduce_sum3A_586 = arith.constant dense<0.000000e+00> : vector<1xf32>
    %reduce_sum3A_587 = vector.multi_reduction <add>, %reduce_sum3A_585, %reduce_sum3A_586 [1, 2] : vector<1x512x1xf32> to vector<1xf32>
    %reduce_sum3A_588 = vector.shape_cast %reduce_sum3A_587 : vector<1xf32> to vector<1x1x1xf32>
    %reduce_sum3A_589 = vector.extract %reduce_sum3A_588[0, 0, 0] : f32 from vector<1x1x1xf32>
    %mul3A_590 = arith.constant 1.000020e-06 : f32
    %mul3A_591 = arith.mulf %mul3A_590, %reduce_sum3A_589 : f32
    %sub3A_592 = arith.subf %scan3A_569, %mul3A_591 : f32
    %eq3A_593 = vector.broadcast %get3A_1 : vector<512x1xi32> to vector<512x1024xi32>
    %eq3A_594 = arith.cmpi eq, %add3A_580, %eq3A_593 : vector<512x1024xi32>
    %ne3A_595 = arith.constant 0 : i32
    %ne3A_596 = vector.broadcast %ne3A_595 : i32 to vector<512x1xi32>
    %ne3A_597 = arith.cmpi ne, %get3A_1, %ne3A_596 : vector<512x1xi32>
    %and3A_598 = vector.broadcast %ne3A_597 : vector<512x1xi1> to vector<512x1024xi1>
    %and3A_599 = arith.andi %eq3A_594, %and3A_598 : vector<512x1024xi1>
    %jit3A_600 = arith.constant 0.000000e+00 : f32
    %broadcast_in_dim3A_601 = vector.broadcast %jit3A_600 : f32 to vector<512x1024xf32>
    %select_n3A_602 = arith.select %and3A_599, %get3A_576, %broadcast_in_dim3A_601 : vector<512x1024xi1>, vector<512x1024xf32>
    %reduce_sum3A_603 = vector.shape_cast %select_n3A_602 : vector<512x1024xf32> to vector<1x512x1024xf32>
    %reduce_sum3A_604 = arith.constant dense<0.000000e+00> : vector<1xf32>
    %reduce_sum3A_605 = vector.multi_reduction <add>, %reduce_sum3A_603, %reduce_sum3A_604 [1, 2] : vector<1x512x1024xf32> to vector<1xf32>
    %reduce_sum3A_606 = vector.shape_cast %reduce_sum3A_605 : vector<1xf32> to vector<1x1x1xf32>
    %reduce_sum3A_607 = vector.extract %reduce_sum3A_606[0, 0, 0] : f32 from vector<1x1x1xf32>
    %mul3A_608 = arith.constant -8.999990e-01 : f32
    %mul3A_609 = arith.mulf %mul3A_608, %reduce_sum3A_607 : f32
    %add3A_610 = arith.addf %sub3A_592, %mul3A_609 : f32
    %dma_wait3A_611 = arith.constant 0 : i32
    %dma_wait3A_612 = arith.constant 99328 : i32
    %dma_wait3A_613 = tpu.memref_slice %arg0[%dma_wait3A_611, %dma_wait3A_612] : memref<1024x100000xf32, #tpu.memory_space<any>> -> memref<512x672xf32, #tpu.memory_space<any>>
    tpu.wait_dma2 semaphore(%arg28 : memref<!tpu.dma_semaphore, #tpu.memory_space<semaphore_mem>>) src(%dma_wait3A_613 : memref<512x672xf32, #tpu.memory_space<any>>) dst(%arg27 : memref<512x672xf32, #tpu.memory_space<vmem>>)
    %get3A_614 = arith.constant 0 : index
    %get3A_615 = arith.constant 0 : index
    %get3A_616 = vector.load %arg27[%get3A_614, %get3A_615] : memref<512x672xf32, #tpu.memory_space<vmem>>, vector<512x672xf32>
    %iota3A_617 = tpu.iota {dimensions = array<i32: 1>} : vector<512x672xi32>
    %add3A_618 = arith.constant 99328 : i32
    %add3A_619 = vector.broadcast %add3A_618 : i32 to vector<512x672xi32>
    %add3A_620 = arith.addi %add3A_619, %iota3A_617 : vector<512x672xi32>
    %reduce_sum3A_621 = arith.constant dense<0.000000e+00> : vector<512xf32>
    %reduce_sum3A_622 = vector.multi_reduction <add>, %get3A_616, %reduce_sum3A_621 [1] : vector<512x672xf32> to vector<512xf32>
    %broadcast_in_dim3A_623 = vector.shape_cast %reduce_sum3A_622 : vector<512xf32> to vector<512x1xf32>
    %mul3A_624 = arith.mulf %broadcast_in_dim3A_623, %convert_element_type3A_4 : vector<512x1xf32>
    %reduce_sum3A_625 = vector.shape_cast %mul3A_624 : vector<512x1xf32> to vector<1x512x1xf32>
    %reduce_sum3A_626 = arith.constant dense<0.000000e+00> : vector<1xf32>
    %reduce_sum3A_627 = vector.multi_reduction <add>, %reduce_sum3A_625, %reduce_sum3A_626 [1, 2] : vector<1x512x1xf32> to vector<1xf32>
    %reduce_sum3A_628 = vector.shape_cast %reduce_sum3A_627 : vector<1xf32> to vector<1x1x1xf32>
    %reduce_sum3A_629 = vector.extract %reduce_sum3A_628[0, 0, 0] : f32 from vector<1x1x1xf32>
    %mul3A_630 = arith.constant 1.000020e-06 : f32
    %mul3A_631 = arith.mulf %mul3A_630, %reduce_sum3A_629 : f32
    %sub3A_632 = arith.subf %add3A_610, %mul3A_631 : f32
    %eq3A_633 = vector.broadcast %get3A_1 : vector<512x1xi32> to vector<512x672xi32>
    %eq3A_634 = arith.cmpi eq, %add3A_620, %eq3A_633 : vector<512x672xi32>
    %ne3A_635 = arith.constant 0 : i32
    %ne3A_636 = vector.broadcast %ne3A_635 : i32 to vector<512x1xi32>
    %ne3A_637 = arith.cmpi ne, %get3A_1, %ne3A_636 : vector<512x1xi32>
    %and3A_638 = vector.broadcast %ne3A_637 : vector<512x1xi1> to vector<512x672xi1>
    %and3A_639 = arith.andi %eq3A_634, %and3A_638 : vector<512x672xi1>
    %jit3A_640 = arith.constant 0.000000e+00 : f32
    %broadcast_in_dim3A_641 = vector.broadcast %jit3A_640 : f32 to vector<512x672xf32>
    %select_n3A_642 = arith.select %and3A_639, %get3A_616, %broadcast_in_dim3A_641 : vector<512x672xi1>, vector<512x672xf32>
    %reduce_sum3A_643 = vector.shape_cast %select_n3A_642 : vector<512x672xf32> to vector<1x512x672xf32>
    %reduce_sum3A_644 = arith.constant dense<0.000000e+00> : vector<1xf32>
    %reduce_sum3A_645 = vector.multi_reduction <add>, %reduce_sum3A_643, %reduce_sum3A_644 [1, 2] : vector<1x512x672xf32> to vector<1xf32>
    %reduce_sum3A_646 = vector.shape_cast %reduce_sum3A_645 : vector<1xf32> to vector<1x1x1xf32>
    %reduce_sum3A_647 = vector.extract %reduce_sum3A_646[0, 0, 0] : f32 from vector<1x1x1xf32>
    %mul3A_648 = arith.constant -8.999990e-01 : f32
    %mul3A_649 = arith.mulf %mul3A_648, %reduce_sum3A_647 : f32
    %add3A_650 = arith.addf %sub3A_632, %mul3A_649 : f32
    %reshape3A = vector.broadcast %add3A_650 : f32 to vector<1x1xf32>
    %swap3A = arith.constant 0 : index
    %swap3A_651 = arith.constant 0 : index
    %swap3A_652 = vector.load %arg2[%swap3A, %swap3A_651] : memref<1x1xf32, #tpu.memory_space<vmem>>, vector<1x1xf32>
    tpu.vector_store %arg2[%swap3A, %swap3A_651], %reshape3A {strides = array<i32>} : memref<1x1xf32, #tpu.memory_space<vmem>>, vector<1x1xf32>,
    return
  }
}

</mosaic_0001>

<sc_bundles>
// kernel: kernel.4.cloned.1.call-start
scs
__scs_entry_jumppad:
0x0: {  	(pc) =	sbr.rel $0x88, $3  }
0x1: {  	(tag) =	ssettag $0x0;
	lr =	simm.s32 $0x1  }
0x2: {  	[smem:$0x3F9F] =	sst lr;
	_ =	strace $0xD0000000  }
0x3: {  	_ = 	snop  }
0x4: {  	_ = 	snop  }
0x5: {  	_ = 	snop  }
0x6: {  	_ = 	snop  }
0x7: {  	_ = 	snop  }
__scs_overlays_trampoline_lowered:
0x8: {  	[smem:$0x3FAE] =	sst s0  }
0x9: {  	[smem:$0x3FAF] =	sst s1  }
0xa: {  	[smem:$0x3FB0] =	sst s2  }
0xb: {  	[smem:$0x3FB1] =	sst s3  }
0xc: {  	[smem:$0x3FB2] =	sst s4  }
0xd: {  	[smem:$0x3FB3] =	sst s5  }
0xe: {  	[smem:$0x3FB4] =	sst s6  }
0xf: {  	[smem:$0x3FB5] =	sst s7  }
0x10: {  	[smem:$0x3FB6] =	sst s8  }
0x11: {  	[smem:$0x3FB7] =	sst s9;
	s0 =	simm.s32 @!p0 $0x0  }
0x12: {  	s1 =	sld [smem:$0x3F9D];
	s0 =	simm.s32 @p0 $0x1  }
0x13: {  	[smem:$0x3FB8] =	sst s0;
	s0 =	simm.s32 @!p1 $0x0  }
0x14: {  	s2 =	sld [smem:$0x3F9C];
	s0 =	simm.s32 @p1 $0x1  }
0x15: {  	[smem:$0x3FB9] =	sst s0;
	s0 =	simm.s32 @!p2 $0x0  }
0x16: {  	s3 =	sld [smem:$0x3FDB];
	s0 =	simm.s32 @p2 $0x1  }
0x17: {  	s4 =	simm.s32 $0x1BF5;
	[smem:$0x3FBB] =	sst s0  }
0x18: {  	s0 =	sld [smem:$0x3F9E];
	_ =	swait.ge [sflag:s4], $0x0  }
0x19: {  	s7 =	sld [smem:$0x3F9F]  }
0x1a: {  	s8 =	sadd.s32 $0xFFFFE003, lr  }
0x1b: {  	s9 =	sadd.s32 $0xFFFFFEF7, lr;
	s5 =	simm.s32 $0xFFFFFFFF;
	p2 =	slt.u32 s8, $0xFFFFF086  }
0x1c: {  	p1 =	slt.u32 s9, $0xF7A;
	s5 =	simm.s32 @!p2 $0x0  }
0x1d: {  	s5 =	simm.s32 @p1 $0x1;
	p0 =	seq.s32 s7, s2  }
0x1e: {  	s7 =	smul.u32 @!p0 $0xF7A, s2;
	p2 =	seq.s32 @!p0 s5, $0x0  }
0x1f: {  	s9 =	smul.u32 $0xF7A, s1;
	s8 =	simm.s32 @!p0 $0x1BF5;
	p2 =	por !p2, p0  }
0x20: {  	[sflag:s8] =	ssyncset.s32 @!p0 $0xFFFFF086;
	s6 =	sadd.s32 @!p0 s3, s7;
	s7 =	simm.s32 @!p0 $0x108  }
0x21: {  	s3 =	sadd.s32 s3, s9;
	s6 =	sadd.s32 @!p0 $0x88, s6;
	s7 =	simm.s32 @p2 $0x1082  }
0x22: {  	[simem:s7], [sflag:s8] =	dma.local @!p0 [hbm:s6], $0xF7A  }
0x23: {  	s9 =	sor.u32 $0xD0000000, s2;
	s6 =	simm.s32 $0x108;
	_ =	swait.ge @!p0 [sflag:s8], $0x0  }
0x24: {  	s3 =	sadd.s32 $0x88, s3;
	s6 =	simm.s32 @!p1 $0x1082;
	[sflag:s4] =	ssyncset.s32 $0xFFFFF086  }
0x25: {  	[simem:s6], [sflag:s4] =	dma.local [hbm:s3], $0xF7A  }
0x26: {  	[smem:$0x3F9F] =	sst s1;
	(tag) =	ssettag s2;
	_ =	strace s9  }
0x27: {  	s1 =	sld [smem:$0x3FAF]  }
0x28: {  	s2 =	sld [smem:$0x3FB0]  }
0x29: {  	s4 =	sld [smem:$0x3FB2]  }
0x2a: {  	p0 =	seq.s32 s5, $0x0;
	s5 =	sld [smem:$0x3FB3]  }
0x2b: {  	s6 =	sld [smem:$0x3FB4]  }
0x2c: {  	s7 =	sld [smem:$0x3FB5]  }
0x2d: {  	s3 =	simm.s32 $0x108;
	s8 =	sld [smem:$0x3FB6]  }
0x2e: {  	s3 =	simm.s32 @!p0 $0x1082;
	s9 =	sld [smem:$0x3FB7]  }
0x2f: {  	lr =	sadd.s32 s0, s3;
	s0 =	sld [smem:$0x3FAE]  }
0x30: {  	s3 =	sld [smem:$0x3FB1]  }
0x31: {  	[smem:$0x3FBA] =	sst s10  }
0x32: {  	s10 =	sld [smem:$0x3FB8];
	_ =	sdelay $0x3  }
0x33: {  	p0 =	seq.s32 s10, $0x1;
	s10 =	sld [smem:$0x3FBA];
	_ =	sdelay $0x3  }
0x34: {  	[smem:$0x3FBA] =	sst s10  }
0x35: {  	s10 =	sld [smem:$0x3FB9];
	_ =	sdelay $0x3  }
0x36: {  	p1 =	seq.s32 s10, $0x1;
	s10 =	sld [smem:$0x3FBA];
	_ =	sdelay $0x3  }
0x37: {  	[smem:$0x3FBA] =	sst s10  }
0x38: {  	s10 =	sld [smem:$0x3FBB]  }
0x39: {  	_ = 	snop;
	(pc) =	sbr.ind lr, $3  }
0x3a: {  	_ = 	snop  }
0x3b: {  	_ = 	snop  }
0x3c: {  	p2 =	seq.s32 s10, $0x1;
	s10 =	sld [smem:$0x3FBA]  }
0x3d: {  	_ =	shalt  }
0x3e: {  	_ =	shalt  }
0x3f: {  	_ =	shalt  }
0x40: {  	_ =	shalt  }
0x41: {  	_ =	shalt  }
0x42: {  	_ =	shalt  }
0x43: {  	_ =	shalt  }
0x44: {  	_ =	shalt  }
0x45: {  	_ =	shalt  }
0x46: {  	_ =	shalt  }
0x47: {  	_ =	shalt  }
0x48: {  	_ =	shalt  }
0x49: {  	_ =	shalt  }
0x4a: {  	_ =	shalt  }
0x4b: {  	_ =	shalt  }
0x4c: {  	_ =	shalt  }
0x4d: {  	_ =	shalt  }
0x4e: {  	_ =	shalt  }
0x4f: {  	_ =	shalt  }
0x50: {  	_ =	shalt  }
0x51: {  	_ =	shalt  }
0x52: {  	_ =	shalt  }
0x53: {  	_ =	shalt  }
0x54: {  	_ =	shalt  }
0x55: {  	_ =	shalt  }
0x56: {  	_ =	shalt  }
0x57: {  	_ =	shalt  }
0x58: {  	_ =	shalt  }
0x59: {  	_ =	shalt  }
0x5a: {  	_ =	shalt  }
0x5b: {  	_ =	shalt  }
0x5c: {  	_ =	shalt  }
0x5d: {  	_ =	shalt  }
0x5e: {  	_ =	shalt  }
0x5f: {  	_ =	shalt  }
0x60: {  	_ =	shalt  }
0x61: {  	_ =	shalt  }
0x62: {  	_ =	shalt  }
0x63: {  	_ =	shalt  }
0x64: {  	_ =	shalt  }
0x65: {  	_ =	shalt  }
0x66: {  	_ =	shalt  }
0x67: {  	_ =	shalt  }
0x68: {  	_ =	shalt  }
0x69: {  	_ =	shalt  }
0x6a: {  	_ =	shalt  }
0x6b: {  	_ =	shalt  }
0x6c: {  	_ =	shalt  }
0x6d: {  	_ =	shalt  }
0x6e: {  	_ =	shalt  }
0x6f: {  	_ =	shalt  }
0x70: {  	_ =	shalt  }
0x71: {  	_ =	shalt  }
0x72: {  	_ =	shalt  }
0x73: {  	_ =	shalt  }
0x74: {  	_ =	shalt  }
0x75: {  	_ =	shalt  }
0x76: {  	_ =	shalt  }
0x77: {  	_ =	shalt  }
0x78: {  	_ =	shalt  }
0x79: {  	_ =	shalt  }
0x7a: {  	_ =	shalt  }
0x7b: {  	_ =	shalt  }
0x7c: {  	_ =	shalt  }
0x7d: {  	_ =	shalt  }
0x7e: {  	_ =	shalt  }
0x7f: {  	_ =	shalt  }
0x80: {  	_ =	shalt  }
0x81: {  	_ =	shalt  }
0x82: {  	_ =	shalt  }
0x83: {  	_ =	shalt  }
0x84: {  	_ =	shalt  }
0x85: {  	_ =	shalt  }
0x86: {  	_ =	shalt  }
0x87: {  	_ =	shalt  }
.Lfunc_end0:
.L_simem_size_0:
called_computation_lowered:
.L_overlay_start_0:
0x88: {  	s2 =	sld [smem:$0x3FD9]  }
0x89: {  	s3 =	sld [smem:$0x3FFE];
	_ =	sdelay $0x1  }
0x8a: {  	s1 =	srdreg.scid  }
0x8b: {  	s0 =	sand.u32 $0x1, s1  }
0x8c: {  	s17 =	sshll.u32 s0, $0xA;
	s2 =	sadd.s32 s3, s2  }
0x8d: {  	s2 =	sadd.s32 s2, s17  }
0x8e: {  	[smem:$0x3FC6] =	sst s2  }
0x8f: {  	_ = 	snop  }
0x90: {  	s2 =	sld [smem:$0x3FC8];
	(tm) =	ssettm $0x1  }
0x91: {  	s18 =	sld [smem:$0x3FFB];
	_ =	sdelay $0x3  }
0x92: {  	_ =	strace s18  }
0x93: {  	s3 =	sld [smem:$0x3FFC];
	_ =	sdelay $0x3  }
0x94: {  	_ =	strace s3  }
0x95: {  	s3 =	sld [smem:$0x3FFD];
	_ =	sdelay $0x3  }
0x96: {  	_ =	strace s3  }
0x97: {  	_ =	strace $0x8FFFFFFF  }
0x98: {  	s19 =	sld [smem:$0x3FDB];
	_ =	sdelay $0x1  }
0x99: {  	s4 =	simm.s32 $_scs_section_size  }
0x9a: {  	s5 =	simm.s32 $_size__tile_overlayer_lowered;
	s6 =	simm.s32 $_tile_overlayer_lowered  }
0x9b: {  	s22 =	simm.s32 $0x1BFF;
	s21 =	sshll.u32 s6, $0x1;
	s3 =	sadd.s32 s4, s19  }
0x9c: {  	s7 =	simm.s32 $0x0;
	s20 =	sshll.u32 s5, $0x1;
	s5 =	sadd.s32 s21, s3  }
0x9d: {  	[timem:s7], [sflag:s22] =	dma.local [hbm:s5], s20  }
0x9e: {  	_ =	swait.ge [sflag:s22], s20  }
0x9f: {  	s4 =	ssub.s32 $0x0, s20;
	[sflag:s22] =	ssyncset.done $0x0  }
0xa0: {  	[sflag:s22] =	ssyncadd.s32 s4;
	_ =	sdelay $0x1  }
0xa1: {  	s23 =	simm.s32 $0x1B8B  }
0xa2: {  	_ =	swait.ge [sflag:s23], $0x1  }
0xa3: {  	[sflag:s23] =	ssyncset.done $0x0  }
0xa4: {  	s25 =	simm.s32 $0x1B8E;
	s24 =	sld [smem:$0x3FFE];
	[sflag:s23] =	ssyncadd.s32 $0xFFFFFFFF  }
0xa5: {  	s26 =	simm.s32 $execute0_lowered;
	[smem:$0x3FD2] =	sst s25  }
0xa6: {  	s5 =	sshll.u32 s26, $0x1;
	_ =	strace $0x80000046;
	[dreg:$0x1] =	wrdreg $0xFFFFFFFF  }
0xa7: {  	s28 =	simm.s32 $_size_execute0_lowered;
	s3 =	sadd.s32 s3, s5;
	[dreg:$0x0] =	wrdreg $0x0  }
0xa8: {  	s5 =	sshll.u32 s28, $0x1;
	[dreg:$0x2] =	wrdreg s3  }
0xa9: {  	[dreg:$0x3] =	wrdreg s5  }
0xaa: {  	[dreg:$0x4] =	wrdreg $0xC0  }
0xab: {  	_ =	task [dreg:s7], $0x5FFFF  }
0xac: {  	[dreg:$0x1] =	wrdreg $0xFFFFFFFF  }
0xad: {  	[dreg:$0x0] =	wrdreg $0x60  }
0xae: {  	[dreg:$0x2] =	wrdreg s24  }
0xaf: {  	[dreg:$0x3] =	wrdreg s2  }
0xb0: {  	[dreg:$0x4] =	wrdreg $0x9  }
0xb1: {  	_ =	task.clear_ibuf [dreg:s7], $0x5FFFF;
	_ =	strace $0x90000046  }
0xb2: {  	s29 =	simm.s32 $0x9;
	_ =	strace $0x80000048  }
0xb3: {  	_ =	swait.ge [sflag:s29], $0x1  }
0xb4: {  	[sflag:s29] =	ssyncadd.s32 $0xFFFFFFFF  }
0xb5: {  	_ =	strace $0x90000048  }
0xb6: {  	_ =	sfence  }
0xb7: {  	s30 =	sld [smem:$0x0];
	_ =	sdelay $0x2  }
0xb8: {  	s31 =	sshll.u32 s1, $0xD;
	s1 =	sshrl.u32 s1, $0x2  }
0xb9: {  	s3 =	sand.u32 $0x4000, s31;
	s1 =	sadd.s32 s1, s30  }
0xba: {  	s0 =	sor.u32 s3, s0;
	s1 =	sshll.u32 s1, $0x11  }
0xbb: {  	s0 =	sor.u32 s1, s0  }
0xbc: {  	s0 =	sadd.s32 $0x8F2B, s0  }
0xbd: {  	[sflag:s0] =	ssyncadd.remote.s32 $0x1  }
0xbe: {  	_ =	sfence.sel $0xFFFF  }
0xbf: {  	[dreg:$0x0] =	wrdreg $0xFFFFFFFF;
	(pc) =	sbr.abs _section_cstart, $3  }
0xc0: {  	[dreg:$0x1] =	wrdreg $0xFFFFFFFF  }
0xc1: {  	_ =	task.clear_ibuf [dreg:s7], $0x2FFFF;
	_ =	strace $0x9FFFFFFF  }
0xc2: {  	(tm) =	ssettm $0x7FFFFFFF  }
0xc3: {  	_ =	shalt  }
tec
execute0_lowered:
.L_overlay_start_1:
0x0: {  	(tag) =	ssettag $0x1  }
0x1: {  	s1 =	srdreg.scid;
	s6 =	rddreg [dreg:$0x0]  }
0x2: {  	s0 =	stileid.u32;
	s8 =	rddreg [dreg:$0x1];
	s3 =	simm.s32 $0x0  }
0x3: {  	s13 =	simm.s32 $0x80;
	s14 =	simm.s32 $0x400;
	s15 =	simm.s32 $0x200  }
0x4: {  	s16 =	simm.s32 $0x6600;
	s17 =	simm.s32 $0xCA00;
	s5 =	sand.u32 $0x1, s1  }
0x5: {  	s18 =	simm.s32 $0x12E00;
	s29 =	sshll.u32 s0, $0x5;
	s2 =	sshll.u32 s5, $0x4  }
0x6: {  	s19 =	simm.s32 $0x1;
	s20 =	simm.s32 $0x2;
	s7 =	sor.u32 s2, s29  }
0x7: {  	v0 =	vlaneseq.u32;
	s21 =	simm.s32 $0x3;
	s22 =	simm.s32 $0x4;
	s2 =	sor.u32 $0x200, s7  }
0x8: {  	s23 =	simm.s32 $0x180;
	s24 =	simm.s32 $0x0;
	v1 =	vmul.u32 $0x10, v0;
	s9 =	sshrl.u32 s2, $0x3  }
0x9: {  	v17 =	vimm.f32 $1.000000000e+00;
	v24 =	vimm.f32 $0.0e+00;
	[smem:$0x7FF] =	sst s3;
	s5 =	ssub.s32 $0x2, s5;
	s10 =	smul.u32 $0xC3800, s9  }
.Ltmp0:
0xa: {  	s4 =	sadd.s32 $0x200, s6;
	s30 =	sshrl.u32 s5, $0x1;
	v2 =	vor.u32 $0x1, v1;
	v3 =	vor.u32 $0x2, v1;
	v4 =	vor.u32 $0x3, v1;
	(pc) =	sbr.rel .LBB2_1-.Ltmp0, $4  }
0xb: {  	_ =	strace $0x80000047;
	v5 =	vor.u32 $0x4, v1;
	v6 =	vor.u32 $0x5, v1;
	v7 =	vor.u32 $0x6, v1;
	s11 =	sadd.s32 s7, s6;
	s12 =	ssub.s32 s5, s30  }
0xc: {  	v8 =	vor.u32 $0x7, v1;
	v9 =	vor.u32 $0x8, v1;
	v10 =	vor.u32 $0x9, v1;
	s5 =	sadd.s32 s8, s9;
	s31 =	sshrl.u32 s10, $0x3;
	s10 =	sadd.s32 $0xC38200, s11  }
0xd: {  	v11 =	vor.u32 $0xA, v1;
	v12 =	vor.u32 $0xB, v1;
	v13 =	vor.u32 $0xC, v1;
	s11 =	smax.u32 s12, $0x1;
	s12 =	simm.s32 $0x5;
	s6 =	sadd.s32 s4, s31  }
0xe: {  	v14 =	vor.u32 $0xD, v1;
	v15 =	vor.u32 $0xE, v1;
	v16 =	vor.u32 $0xF, v1;
	s7 =	sadd.s32 $0x6400, s6;
	s8 =	sadd.s32 $0xC800, s6;
	s9 =	sadd.s32 $0x12C00, s6  }
.LBB2_11:
0xf: {  	[tilespmem:$0x170] =	vst v26  }
.LBB2_13:
0x10: {  	_ =	sdelay $0x3  }
0x11: {  	v20 =	vld.idx.msk [tilespmem:v1+s13+$0x0], $0xffff;
	_ =	sdelay $0x1  }
0x12: {  	v21 =	vld.idx.msk [tilespmem:v2+s13+$0x0], $0xffff;
	_ =	sdelay $0x1  }
0x13: {  	v22 =	vld.idx.msk [tilespmem:v3+s13+$0x0], $0xffff  }
0x14: {  	v20 =	vadd.f32 $0.0e+00, v20  }
0x15: {  	v23 =	vld.idx.msk [tilespmem:v4+s13+$0x0], $0xffff  }
0x16: {  	v20 =	vadd.f32 v21, v20  }
0x17: {  	v51 =	vld.idx.msk [tilespmem:v5+s13+$0x0], $0xffff  }
0x18: {  	v20 =	vadd.f32 v22, v20  }
0x19: {  	v52 =	vld.idx.msk [tilespmem:v6+s13+$0x0], $0xffff  }
0x1a: {  	v20 =	vadd.f32 v23, v20  }
0x1b: {  	v53 =	vld.idx.msk [tilespmem:v7+s13+$0x0], $0xffff  }
0x1c: {  	v20 =	vadd.f32 v51, v20  }
0x1d: {  	v54 =	vld.idx.msk [tilespmem:v8+s13+$0x0], $0xffff  }
0x1e: {  	v20 =	vadd.f32 v52, v20  }
0x1f: {  	v55 =	vld.idx.msk [tilespmem:v9+s13+$0x0], $0xffff  }
0x20: {  	v20 =	vadd.f32 v53, v20  }
0x21: {  	v56 =	vld.idx.msk [tilespmem:v10+s13+$0x0], $0xffff  }
0x22: {  	v20 =	vadd.f32 v54, v20  }
0x23: {  	v57 =	vld.idx.msk [tilespmem:v11+s13+$0x0], $0xffff  }
0x24: {  	v20 =	vadd.f32 v55, v20  }
0x25: {  	v58 =	vld.idx.msk [tilespmem:v12+s13+$0x0], $0xffff  }
0x26: {  	v20 =	vadd.f32 v56, v20  }
0x27: {  	v59 =	vld.idx.msk [tilespmem:v13+s13+$0x0], $0xffff  }
0x28: {  	v20 =	vadd.f32 v57, v20  }
0x29: {  	v60 =	vld.idx.msk [tilespmem:v14+s13+$0x0], $0xffff  }
0x2a: {  	v20 =	vadd.f32 v58, v20  }
0x2b: {  	v61 =	vld.idx.msk [tilespmem:v15+s13+$0x0], $0xffff  }
0x2c: {  	v20 =	vadd.f32 v59, v20  }
0x2d: {  	v62 =	vld.idx.msk [tilespmem:v16+s13+$0x0], $0xffff  }
0x2e: {  	v20 =	vadd.f32 v60, v20;
	_ =	sdelay $0x1  }
0x2f: {  	v20 =	vadd.f32 v61, v20;
	_ =	sdelay $0x1  }
0x30: {  	v20 =	vadd.f32 v62, v20;
	_ =	sdelay $0x1  }
0x31: {  	v19 =	vsub.f32 v20, v19;
	_ =	sdelay $0x1  }
0x32: {  	v19 =	vsub.f32 v19, v25;
	_ =	sdelay $0x1  }
0x33: {  	v19 =	vmul.f32 $-1.000020010e-06, v19;
	_ =	sdelay $0x1  }
0x34: {  	v63 =	vmul.f32 $-8.999999760e-01, v25;
	v19 =	vadd.f32 $-1.476373550e+00, v19;
	_ =	sdelay $0x1  }
0x35: {  	vm0 =	veq.s32 v18, $0x0;
	v18 =	vadd.f32 v63, v19  }
0x36: {  	v19 =	vsel vm0, $0x0, v17  }
0x37: {  	v18 =	vmul.f32 v18, v19;
	_ =	sdelay $0x1  }
0x38: {  	s24 =	sadd.s32 $0x1, s24;
	v18 =	vadd.f32 $0.0e+00, v18  }
0x39: {  	p0 =	sne.s32 s24, s11  }
.Ltmp1:
0x3a: {  	[tilespmem:$0x180] =	vst v18;
	(pc) =	sbr.rel @!p0 .LBB2_14-.Ltmp1, $4  }
0x3b: {  	[hbm4b:s10+s3] =	stream.linear.scatter [tilespmem:s23], [sflag:$0x5], $0x80, $0x38;
	[tilespmem:$0x18900] =	vst v63  }
0x3c: {  	_ =	swait.ge [sflag:s12], $0x80  }
0x3d: {  	[sflag:s12] =	ssyncset.done $0x0  }
0x3e: {  	[sflag:s12] =	ssyncadd.s32 $0xFFFFFF80  }
.LBB2_1:
0x3f: {  	[tilespmem:s3], [sflag:$0x5] =	stream.linear.gather [hbm4b:s5+s3], $0x10, $0x38;
	[tilespmem:$0x18900] =	vst v63  }
0x40: {  	_ =	swait.ge [sflag:s12], $0x10  }
0x41: {  	[sflag:s12] =	ssyncset.done $0x0  }
0x42: {  	[sflag:s12] =	ssyncadd.s32 $0xFFFFFFF0  }
0x43: {  	[tilespmem:s15], [sflag:$0x1] =	stream.strided.gather [hbm4b:s6+s13], $0x6400, s14, s13, $0x38;
	[tilespmem:$0x18900] =	vst v63  }
0x44: {  	_ = 	snop  }
0x45: {  	[tilespmem:s16], [sflag:$0x2] =	stream.strided.gather [hbm4b:s7+s13], $0x6400, s14, s13, $0x38;
	[tilespmem:$0x18900] =	vst v63  }
0x46: {  	_ = 	snop  }
0x47: {  	[tilespmem:s17], [sflag:$0x3] =	stream.strided.gather [hbm4b:s8+s13], $0x6400, s14, s13, $0x38;
	[tilespmem:$0x18900] =	vst v63  }
0x48: {  	_ = 	snop  }
0x49: {  	[tilespmem:s18], [sflag:$0x4] =	stream.strided.gather [hbm4b:s9+s13], $0x5B00, s14, s13, $0x38;
	[tilespmem:$0x18900] =	vst v63  }
0x4a: {  	v18 =	vld [tilespmem:$0x0];
	_ =	sdelay $0x4  }
0x4b: {  	vm0 =	vgt.s32 v18, $0x0;
	v25 =	vadd.s32 $0xFFFF3800, v18;
	v26 =	vadd.s32 $0xFFFED400, v18  }
0x4c: {  	v19 =	vnsel vm0, $0x0, v18;
	vm1 =	vgt.s32 v26, $0x0;
	vm2 =	vlt.u32 v25, $0x6400  }
0x4d: {  	v20 =	vmin.u32 v19, $0x63FF;
	v19 =	vadd.s32 $0xFFFF9C00, v18;
	v23 =	vnsel vm1, $0x0, v26  }
0x4e: {  	vm3 =	vlt.u32 v26, $0x5AA0;
	vm0 =	vgt.s32 v19, $0x0;
	v23 =	vmin.u32 v23, $0x5A9F  }
0x4f: {  	vm1 =	vlt.u32 v19, $0x6400;
	v21 =	vnsel vm0, $0x0, v19;
	vm0 =	vgt.s32 v25, $0x0  }
0x50: {  	v19 =	vimm.f32 $0.0e+00;
	v21 =	vmin.u32 v21, $0x63FF;
	v22 =	vnsel vm0, $0x0, v25  }
0x51: {  	s25 =	simm.s32 $0x0;
	vm0 =	vlt.u32 v18, $0x6400;
	v25 =	vimm.f32 $0.0e+00;
	v22 =	vmin.u32 v22, $0x63FF  }
.LBB2_2:
0x52: {  	_ =	swait.ge [sflag:s19], $0x6400  }
0x53: {  	[sflag:s19] =	ssyncset.done $0x0  }
0x54: {  	s26 =	simm.s32 $0x250;
	[sflag:s19] =	ssyncadd.s32 $0xFFFF9C00  }
0x55: {  	v26 =	vld [tilespmem:s26+$0xFFFFFFB0];
	_ =	sdelay $0x1  }
0x56: {  	v27 =	vld [tilespmem:s26+$0xFFFFFFC0];
	_ =	sdelay $0x1  }
0x57: {  	v28 =	vld [tilespmem:s26+$0xFFFFFFD0]  }
0x58: {  	v26 =	vadd.f32 v26, v24  }
0x59: {  	v29 =	vld [tilespmem:s26+$0xFFFFFFE0]  }
0x5a: {  	v26 =	vadd.f32 v27, v26  }
0x5b: {  	v27 =	vld [tilespmem:s26+$0xFFFFFFF0]  }
0x5c: {  	v26 =	vadd.f32 v28, v26  }
0x5d: {  	v28 =	vld [tilespmem:s26+$0x0]  }
0x5e: {  	v26 =	vadd.f32 v29, v26  }
0x5f: {  	v29 =	vld [tilespmem:s26+$0x10]  }
0x60: {  	v27 =	vadd.f32 v27, v26  }
0x61: {  	s28 =	simm.s32 $0x0;
	v30 =	vld [tilespmem:s26+$0x20]  }
0x62: {  	s28 =	sand.u32 $0xFFE0, s28;
	v31 =	vadd.f32 v28, v27  }
0x63: {  	v28 =	vld [tilespmem:s28+$0x280]  }
0x64: {  	v26 =	vld.msk [tilespmem:s15+$0x0], $0xffff;
	v31 =	vadd.f32 v29, v31  }
0x65: {  	v29 =	vld [tilespmem:s26+$0x40]  }
0x66: {  	v27 =	vld.idx.msk [tilespmem:v20+s15+$0x0], $0xffff;
	s26 =	simm.s32 $0x2F0;
	v31 =	vadd.f32 v30, v31  }
0x67: {  	s29 =	simm.s32 $0xA0;
	s28 =	simm.s32 $0x140;
	v30 =	vld [tilespmem:s26+$0xFFFFFFB0]  }
.LBB2_3:
0x68: {  	p0 =	sne.s32 s28, $0x6360;
	v28 =	vadd.f32 v28, v31  }
0x69: {  	v31 =	vld [tilespmem:s26+$0xFFFFFFC0]  }
0x6a: {  	v28 =	vadd.f32 v29, v28  }
0x6b: {  	v29 =	vld [tilespmem:s26+$0xFFFFFFD0]  }
0x6c: {  	v28 =	vadd.f32 v30, v28  }
0x6d: {  	v30 =	vld [tilespmem:s26+$0xFFFFFFE0]  }
0x6e: {  	v28 =	vadd.f32 v31, v28  }
0x6f: {  	v31 =	vld [tilespmem:s26+$0xFFFFFFF0]  }
0x70: {  	v28 =	vadd.f32 v29, v28  }
0x71: {  	v29 =	vld [tilespmem:s26+$0x0]  }
0x72: {  	v28 =	vadd.f32 v30, v28  }
0x73: {  	v30 =	vld [tilespmem:s26+$0x10]  }
0x74: {  	v28 =	vadd.f32 v31, v28  }
0x75: {  	v31 =	vld [tilespmem:s26+$0x20]  }
0x76: {  	s30 =	sand.u32 $0xFFE0, s29;
	s29 =	smov.u32 s28;
	v29 =	vadd.f32 v29, v28  }
.Ltmp2:
0x77: {  	v28 =	vld [tilespmem:s30+$0x280];
	(pc) =	sbr.rel @p0 .LBB2_3-.Ltmp2, $4  }
0x78: {  	v30 =	vadd.f32 v30, v29  }
0x79: {  	v29 =	vld [tilespmem:s26+$0x40]  }
0x7a: {  	s26 =	sadd.s32 $0xA0, s26;
	v31 =	vadd.f32 v31, v30  }
0x7b: {  	s28 =	sadd.s32 $0xA0, s28;
	v30 =	vld [tilespmem:s26+$0xFFFFFFB0]  }
0x7c: {  	v28 =	vadd.f32 v28, v31  }
0x7d: {  	v31 =	vld [tilespmem:s26+$0xFFFFFFC0]  }
0x7e: {  	v28 =	vadd.f32 v29, v28  }
0x7f: {  	v29 =	vld [tilespmem:s26+$0xFFFFFFD0]  }
0x80: {  	v28 =	vadd.f32 v30, v28  }
0x81: {  	v30 =	vld [tilespmem:s26+$0xFFFFFFE0]  }
0x82: {  	p0 =	seq.s32 s25, $0xF;
	v28 =	vadd.f32 v31, v28  }
0x83: {  	s28 =	sor.u32 @!p0 s2, s25;
	v31 =	vld [tilespmem:s26+$0xFFFFFFF0]  }
0x84: {  	s28 =	sadd.s32 @!p0 $0x1, s28;
	v28 =	vadd.f32 v29, v28  }
0x85: {  	s30 =	sshrl.u32 @!p0 s28, $0x3;
	v29 =	vld [tilespmem:s26+$0x0]  }
0x86: {  	s28 =	sshll.u32 @!p0 s28, $0x7;
	s30 =	smul.u32 @!p0 $0xC3800, s30;
	v28 =	vadd.f32 v30, v28  }
0x87: {  	s29 =	sand.u32 $0xFFE0, s29;
	s28 =	sand.u32 @!p0 $0x380, s28;
	v30 =	vld [tilespmem:s26+$0x10]  }
0x88: {  	v32 =	vld [tilespmem:s29+$0x280];
	s28 =	sor.u32 @!p0 s28, s30;
	v28 =	vadd.f32 v31, v28  }
0x89: {  	s31 =	simm.s32 @!p0 $0x200;
	s30 =	sshrl.u32 @!p0 s28, $0x3;
	v31 =	vld [tilespmem:s26+$0x20]  }
0x8a: {  	s29 =	sadd.s32 @!p0 s4, s30;
	s30 =	simm.s32 @!p0 $0x400;
	v28 =	vadd.f32 v29, v28;
	v29 =	vld [tilespmem:s26+$0x40];
	s26 =	simm.s32 @!p0 $0x80  }
0x8b: {  	[tilespmem:s31], [sflag:$0x1] =	stream.strided.gather @!p0 [hbm4b:s29+s26], $0x6400, s30, s26, $0x38;
	[tilespmem:$0x18900] =	vst v63  }
0x8c: {  	v28 =	vadd.f32 v30, v28;
	_ =	swait.ge [sflag:s20], $0x6400  }
0x8d: {  	[sflag:s20] =	ssyncset.done $0x0  }
0x8e: {  	s1 =	simm.s32 $0x6650;
	v28 =	vadd.f32 v31, v28;
	[sflag:s20] =	ssyncadd.s32 $0xFFFF9C00  }
0x8f: {  	v30 =	vld [tilespmem:s1+$0xFFFFFFB0]  }
0x90: {  	v28 =	vadd.f32 v32, v28  }
0x91: {  	v31 =	vld [tilespmem:s1+$0xFFFFFFC0]  }
0x92: {  	v28 =	vadd.f32 v29, v28  }
0x93: {  	v29 =	vld [tilespmem:s1+$0xFFFFFFD0]  }
0x94: {  	v28 =	vadd.f32 v30, v28  }
0x95: {  	v30 =	vld [tilespmem:s1+$0xFFFFFFE0]  }
0x96: {  	v28 =	vadd.f32 v31, v28  }
0x97: {  	v31 =	vld [tilespmem:s1+$0xFFFFFFF0]  }
0x98: {  	v28 =	vadd.f32 v29, v28  }
0x99: {  	v29 =	vld [tilespmem:s1+$0x0]  }
0x9a: {  	v28 =	vadd.f32 v30, v28  }
0x9b: {  	v30 =	vld [tilespmem:s1+$0x10]  }
0x9c: {  	v28 =	vadd.f32 v31, v28  }
0x9d: {  	s29 =	simm.s32 $0x0;
	v31 =	vld [tilespmem:s1+$0x20]  }
0x9e: {  	s29 =	sand.u32 $0xFFE0, s29;
	v63 =	vadd.f32 v29, v28;
	v29 =	vmov s25  }
0x9f: {  	vm4 =	veq.s32 v29, v0;
	v29 =	vld [tilespmem:s29+$0x6680]  }
0xa0: {  	v32 =	vadd.f32 v30, v63  }
0xa1: {  	v30 =	vld [tilespmem:s1+$0x40]  }
0xa2: {  	v28 =	vld.idx.msk [tilespmem:v21+s16+$0x0], $0xffff;
	s29 =	simm.s32 $0x66F0;
	vm5 =	vmand vm0, vm4;
	v19 =	vsel vm4, v26, v19;
	v26 =	vadd.f32 v31, v32  }
0xa3: {  	s26 =	sadd.s32 $0x1, s25;
	s30 =	simm.s32 $0xA0;
	s31 =	simm.s32 $0x140;
	v27 =	vsel vm5, v27, v25;
	v25 =	vld [tilespmem:s29+$0xFFFFFFB0]  }
.LBB2_5:
0xa4: {  	p1 =	sne.s32 s31, $0x6360;
	v26 =	vadd.f32 v29, v26  }
0xa5: {  	v29 =	vld [tilespmem:s29+$0xFFFFFFC0]  }
0xa6: {  	v26 =	vadd.f32 v30, v26  }
0xa7: {  	v30 =	vld [tilespmem:s29+$0xFFFFFFD0]  }
0xa8: {  	v25 =	vadd.f32 v25, v26  }
0xa9: {  	v26 =	vld [tilespmem:s29+$0xFFFFFFE0]  }
0xaa: {  	v25 =	vadd.f32 v29, v25  }
0xab: {  	v29 =	vld [tilespmem:s29+$0xFFFFFFF0]  }
0xac: {  	v25 =	vadd.f32 v30, v25  }
0xad: {  	v30 =	vld [tilespmem:s29+$0x0]  }
0xae: {  	v25 =	vadd.f32 v26, v25  }
0xaf: {  	v26 =	vld [tilespmem:s29+$0x10]  }
0xb0: {  	v25 =	vadd.f32 v29, v25  }
0xb1: {  	v31 =	vld [tilespmem:s29+$0x20]  }
0xb2: {  	s1 =	sand.u32 $0xFFE0, s30;
	s30 =	smov.u32 s31;
	v25 =	vadd.f32 v30, v25  }
.Ltmp3:
0xb3: {  	v29 =	vld [tilespmem:s1+$0x6680];
	(pc) =	sbr.rel @p1 .LBB2_5-.Ltmp3, $4  }
0xb4: {  	v25 =	vadd.f32 v26, v25  }
0xb5: {  	v30 =	vld [tilespmem:s29+$0x40]  }
0xb6: {  	s29 =	sadd.s32 $0xA0, s29;
	v26 =	vadd.f32 v31, v25  }
0xb7: {  	s31 =	sadd.s32 $0xA0, s31;
	v25 =	vld [tilespmem:s29+$0xFFFFFFB0]  }
0xb8: {  	v26 =	vadd.f32 v29, v26  }
0xb9: {  	v29 =	vld [tilespmem:s29+$0xFFFFFFC0]  }
0xba: {  	v26 =	vadd.f32 v30, v26  }
0xbb: {  	v30 =	vld [tilespmem:s29+$0xFFFFFFD0]  }
0xbc: {  	v25 =	vadd.f32 v25, v26  }
0xbd: {  	v26 =	vld [tilespmem:s29+$0xFFFFFFE0]  }
0xbe: {  	v25 =	vadd.f32 v29, v25  }
0xbf: {  	v29 =	vld [tilespmem:s29+$0xFFFFFFF0]  }
0xc0: {  	v25 =	vadd.f32 v30, v25  }
0xc1: {  	v30 =	vld [tilespmem:s29+$0x0]  }
0xc2: {  	v25 =	vadd.f32 v26, v25  }
0xc3: {  	s30 =	sand.u32 $0xFFE0, s30;
	v26 =	vld [tilespmem:s29+$0x10]  }
0xc4: {  	s1 =	sadd.s32 @!p0 $0x32000, s28;
	v31 =	vld [tilespmem:s30+$0x6680];
	v25 =	vadd.f32 v29, v25  }
0xc5: {  	s31 =	simm.s32 @!p0 $0x6600;
	s1 =	sshrl.u32 @!p0 s1, $0x3;
	v29 =	vld [tilespmem:s29+$0x20]  }
0xc6: {  	s30 =	simm.s32 @!p0 $0x400;
	s1 =	sadd.s32 @!p0 s4, s1;
	v25 =	vadd.f32 v30, v25;
	v30 =	vld [tilespmem:s29+$0x40];
	s29 =	simm.s32 @!p0 $0x80  }
0xc7: {  	[tilespmem:s31], [sflag:$0x2] =	stream.strided.gather @!p0 [hbm4b:s1+s29], $0x6400, s30, s29, $0x38;
	[tilespmem:$0x18900] =	vst v63  }
0xc8: {  	v25 =	vadd.f32 v26, v25;
	_ =	swait.ge [sflag:s21], $0x6400  }
0xc9: {  	[sflag:s21] =	ssyncset.done $0x0  }
0xca: {  	s1 =	simm.s32 $0xCA50;
	v25 =	vadd.f32 v29, v25;
	[sflag:s21] =	ssyncadd.s32 $0xFFFF9C00  }
0xcb: {  	v26 =	vld [tilespmem:s1+$0xFFFFFFB0]  }
0xcc: {  	v25 =	vadd.f32 v31, v25  }
0xcd: {  	v29 =	vld [tilespmem:s1+$0xFFFFFFC0]  }
0xce: {  	v25 =	vadd.f32 v30, v25  }
0xcf: {  	v30 =	vld [tilespmem:s1+$0xFFFFFFD0]  }
0xd0: {  	v25 =	vadd.f32 v26, v25  }
0xd1: {  	v26 =	vld [tilespmem:s1+$0xFFFFFFE0]  }
0xd2: {  	v25 =	vadd.f32 v29, v25  }
0xd3: {  	v29 =	vld [tilespmem:s1+$0xFFFFFFF0]  }
0xd4: {  	v25 =	vadd.f32 v30, v25  }
0xd5: {  	v30 =	vld [tilespmem:s1+$0x0]  }
0xd6: {  	v25 =	vadd.f32 v26, v25  }
0xd7: {  	v26 =	vld [tilespmem:s1+$0x10]  }
0xd8: {  	v25 =	vadd.f32 v29, v25  }
0xd9: {  	s29 =	simm.s32 $0x0;
	v31 =	vld [tilespmem:s1+$0x20]  }
0xda: {  	s29 =	sand.u32 $0xFFE0, s29;
	v30 =	vadd.f32 v30, v25  }
0xdb: {  	v29 =	vld [tilespmem:s29+$0xCA80]  }
0xdc: {  	v32 =	vadd.f32 v26, v30  }
0xdd: {  	vm5 =	vmand vm1, vm4;
	v30 =	vld [tilespmem:s1+$0x40]  }
0xde: {  	s29 =	simm.s32 $0xCAF0;
	v25 =	vld.idx.msk [tilespmem:v22+s17+$0x0], $0xffff;
	v26 =	vsel vm5, v28, v27;
	v28 =	vadd.f32 v31, v32  }
0xdf: {  	s30 =	simm.s32 $0xA0;
	s31 =	simm.s32 $0x140;
	v27 =	vld [tilespmem:s29+$0xFFFFFFB0]  }
.LBB2_7:
0xe0: {  	p1 =	sne.s32 s31, $0x6360;
	v28 =	vadd.f32 v29, v28  }
0xe1: {  	v29 =	vld [tilespmem:s29+$0xFFFFFFC0]  }
0xe2: {  	v28 =	vadd.f32 v30, v28  }
0xe3: {  	v30 =	vld [tilespmem:s29+$0xFFFFFFD0]  }
0xe4: {  	v27 =	vadd.f32 v27, v28  }
0xe5: {  	v28 =	vld [tilespmem:s29+$0xFFFFFFE0]  }
0xe6: {  	v27 =	vadd.f32 v29, v27  }
0xe7: {  	v29 =	vld [tilespmem:s29+$0xFFFFFFF0]  }
0xe8: {  	v27 =	vadd.f32 v30, v27  }
0xe9: {  	v30 =	vld [tilespmem:s29+$0x0]  }
0xea: {  	v27 =	vadd.f32 v28, v27  }
0xeb: {  	v28 =	vld [tilespmem:s29+$0x10]  }
0xec: {  	v27 =	vadd.f32 v29, v27  }
0xed: {  	v31 =	vld [tilespmem:s29+$0x20]  }
0xee: {  	s1 =	sand.u32 $0xFFE0, s30;
	s30 =	smov.u32 s31;
	v27 =	vadd.f32 v30, v27  }
.Ltmp4:
0xef: {  	v29 =	vld [tilespmem:s1+$0xCA80];
	(pc) =	sbr.rel @p1 .LBB2_7-.Ltmp4, $4  }
0xf0: {  	v27 =	vadd.f32 v28, v27  }
0xf1: {  	v30 =	vld [tilespmem:s29+$0x40]  }
0xf2: {  	s29 =	sadd.s32 $0xA0, s29;
	v28 =	vadd.f32 v31, v27  }
0xf3: {  	s31 =	sadd.s32 $0xA0, s31;
	v27 =	vld [tilespmem:s29+$0xFFFFFFB0]  }
0xf4: {  	v28 =	vadd.f32 v29, v28  }
0xf5: {  	v29 =	vld [tilespmem:s29+$0xFFFFFFC0]  }
0xf6: {  	v28 =	vadd.f32 v30, v28  }
0xf7: {  	v30 =	vld [tilespmem:s29+$0xFFFFFFD0]  }
0xf8: {  	v27 =	vadd.f32 v27, v28  }
0xf9: {  	v28 =	vld [tilespmem:s29+$0xFFFFFFE0]  }
0xfa: {  	v27 =	vadd.f32 v29, v27  }
0xfb: {  	v29 =	vld [tilespmem:s29+$0xFFFFFFF0]  }
0xfc: {  	v27 =	vadd.f32 v30, v27  }
0xfd: {  	v30 =	vld [tilespmem:s29+$0x0]  }
0xfe: {  	v27 =	vadd.f32 v28, v27  }
0xff: {  	s1 =	sadd.s32 @!p0 $0x64000, s28;
	s28 =	sand.u32 $0xFFE0, s30;
	v28 =	vld [tilespmem:s29+$0x10]  }
0x100: {  	v31 =	vld [tilespmem:s28+$0xCA80];
	v27 =	vadd.f32 v29, v27  }
0x101: {  	s30 =	simm.s32 @!p0 $0xCA00;
	s1 =	sshrl.u32 @!p0 s1, $0x3;
	v29 =	vld [tilespmem:s29+$0x20]  }
0x102: {  	s28 =	simm.s32 @!p0 $0x80;
	s1 =	sadd.s32 @!p0 s4, s1;
	v27 =	vadd.f32 v30, v27;
	v30 =	vld [tilespmem:s29+$0x40];
	s29 =	simm.s32 @!p0 $0x400  }
0x103: {  	[tilespmem:s30], [sflag:$0x3] =	stream.strided.gather @!p0 [hbm4b:s1+s28], $0x6400, s29, s28, $0x38;
	[tilespmem:$0x18900] =	vst v63  }
0x104: {  	v27 =	vadd.f32 v28, v27;
	_ =	swait.ge [sflag:s22], $0x5B00  }
0x105: {  	[sflag:s22] =	ssyncset.done $0x0  }
0x106: {  	s31 =	simm.s32 $0x12E50;
	v27 =	vadd.f32 v29, v27;
	[sflag:s22] =	ssyncadd.s32 $0xFFFFA500  }
0x107: {  	v28 =	vld [tilespmem:s31+$0xFFFFFFB0]  }
0x108: {  	v27 =	vadd.f32 v31, v27  }
0x109: {  	v29 =	vld [tilespmem:s31+$0xFFFFFFC0]  }
0x10a: {  	v27 =	vadd.f32 v30, v27  }
0x10b: {  	v30 =	vld [tilespmem:s31+$0xFFFFFFD0]  }
0x10c: {  	v27 =	vadd.f32 v28, v27  }
0x10d: {  	v28 =	vld [tilespmem:s31+$0xFFFFFFE0]  }
0x10e: {  	v27 =	vadd.f32 v29, v27  }
0x10f: {  	v29 =	vld [tilespmem:s31+$0xFFFFFFF0]  }
0x110: {  	v27 =	vadd.f32 v30, v27  }
0x111: {  	v30 =	vld [tilespmem:s31+$0x0]  }
0x112: {  	v27 =	vadd.f32 v28, v27  }
0x113: {  	v31 =	vld [tilespmem:s31+$0x10]  }
0x114: {  	v27 =	vadd.f32 v29, v27  }
0x115: {  	s28 =	simm.s32 $0x0;
	v32 =	vld [tilespmem:s31+$0x20]  }
0x116: {  	s28 =	sand.u32 $0xFFE0, s28;
	v29 =	vadd.f32 v30, v27  }
0x117: {  	v28 =	vld [tilespmem:s28+$0x12E80]  }
0x118: {  	v30 =	vadd.f32 v31, v29  }
0x119: {  	vm5 =	vmand vm2, vm4;
	s28 =	simm.s32 $0x12EF0;
	v29 =	vld [tilespmem:s31+$0x40]  }
0x11a: {  	v25 =	vsel vm5, v25, v26;
	v26 =	vld [tilespmem:s28+$0xFFFFFFB0];
	v30 =	vadd.f32 v32, v30  }
0x11b: {  	s29 =	simm.s32 $0xA0;
	s30 =	simm.s32 $0x140;
	v27 =	vld.idx.msk [tilespmem:v23+s18+$0x0], $0xffff  }
.LBB2_9:
0x11c: {  	p0 =	sne.s32 s30, $0x5A00;
	v28 =	vadd.f32 v28, v30  }
0x11d: {  	v30 =	vld [tilespmem:s28+$0xFFFFFFC0]  }
0x11e: {  	v28 =	vadd.f32 v29, v28  }
0x11f: {  	v29 =	vld [tilespmem:s28+$0xFFFFFFD0]  }
0x120: {  	v26 =	vadd.f32 v26, v28  }
0x121: {  	v28 =	vld [tilespmem:s28+$0xFFFFFFE0]  }
0x122: {  	v26 =	vadd.f32 v30, v26  }
0x123: {  	v30 =	vld [tilespmem:s28+$0xFFFFFFF0]  }
0x124: {  	v26 =	vadd.f32 v29, v26  }
0x125: {  	v29 =	vld [tilespmem:s28+$0x0]  }
0x126: {  	v26 =	vadd.f32 v28, v26  }
0x127: {  	v31 =	vld [tilespmem:s28+$0x10]  }
0x128: {  	v26 =	vadd.f32 v30, v26  }
0x129: {  	v30 =	vld [tilespmem:s28+$0x20]  }
0x12a: {  	s1 =	sand.u32 $0xFFE0, s29;
	s29 =	smov.u32 s30;
	v26 =	vadd.f32 v29, v26  }
.Ltmp5:
0x12b: {  	v28 =	vld [tilespmem:s1+$0x12E80];
	(pc) =	sbr.rel @p0 .LBB2_9-.Ltmp5, $4  }
0x12c: {  	v26 =	vadd.f32 v31, v26  }
0x12d: {  	v29 =	vld [tilespmem:s28+$0x40]  }
0x12e: {  	s28 =	sadd.s32 $0xA0, s28;
	v30 =	vadd.f32 v30, v26  }
0x12f: {  	s30 =	sadd.s32 $0xA0, s30;
	v26 =	vld [tilespmem:s28+$0xFFFFFFB0]  }
0x130: {  	v28 =	vadd.f32 v28, v30  }
0x131: {  	v55 =	vld [tilespmem:s28+$0xFFFFFFC0]  }
0x132: {  	v28 =	vadd.f32 v29, v28  }
0x133: {  	v56 =	vld [tilespmem:s28+$0xFFFFFFD0]  }
0x134: {  	v26 =	vadd.f32 v26, v28  }
0x135: {  	v57 =	vld [tilespmem:s28+$0xFFFFFFE0]  }
0x136: {  	v26 =	vadd.f32 v55, v26  }
0x137: {  	v58 =	vld [tilespmem:s28+$0xFFFFFFF0]  }
0x138: {  	v26 =	vadd.f32 v56, v26  }
0x139: {  	v59 =	vld [tilespmem:s28+$0x0]  }
0x13a: {  	v26 =	vadd.f32 v57, v26  }
0x13b: {  	v60 =	vld [tilespmem:s28+$0x10]  }
0x13c: {  	v26 =	vadd.f32 v58, v26  }
0x13d: {  	v61 =	vld [tilespmem:s28+$0x20]  }
0x13e: {  	s1 =	sand.u32 $0xFFE0, s29;
	v26 =	vadd.f32 v59, v26  }
0x13f: {  	v62 =	vld [tilespmem:s1+$0x12E80]  }
0x140: {  	v26 =	vadd.f32 v60, v26  }
0x141: {  	v63 =	vld [tilespmem:s28+$0x40]  }
0x142: {  	p0 =	sne.s32 s25, $0xF;
	v26 =	vadd.f32 v61, v26  }
.Ltmp6:
0x143: {  	_ = 	snop;
	(pc) =	sbr.rel @!p0 .LBB2_11-.Ltmp6, $3  }
0x144: {  	v26 =	vadd.f32 v62, v26;
	_ =	sdelay $0x1  }
0x145: {  	vm4 =	vmand vm3, vm4;
	v26 =	vadd.f32 v63, v26  }
0x146: {  	v25 =	vsel vm4, v27, v25  }
0x147: {  	s1 =	sor.u32 s2, s25  }
0x148: {  	s1 =	sadd.s32 $0x1, s1  }
0x149: {  	s28 =	sshrl.u32 s1, $0x3  }
0x14a: {  	s1 =	sshll.u32 s1, $0x7;
	s28 =	smul.u32 $0xC3800, s28  }
0x14b: {  	s1 =	sand.u32 $0x380, s1  }
0x14c: {  	s1 =	sor.u32 s1, s28  }
0x14d: {  	p0 =	sne.s32 s26, $0x10;
	s1 =	sadd.s32 $0x96000, s1  }
.Ltmp7:
0x14e: {  	s1 =	sshrl.u32 s1, $0x3;
	(pc) =	sbr.rel @p0 .LBB2_2-.Ltmp7, $4  }
.Ltmp8:
0x14f: {  	s31 =	sshll.u32 s25, $0x4;
	s1 =	sadd.s32 s4, s1;
	(pc) =	sbr.rel @!p0 .LBB2_13-.Ltmp8, $4  }
0x150: {  	[tilespmem:s18], [sflag:$0x4] =	stream.strided.gather [hbm4b:s1+s13], $0x5B00, s14, s13, $0x38;
	[tilespmem:$0x18900] =	vst v63  }
0x151: {  	s1 =	sand.u32 $0x3FFFFFF0, s31  }
0x152: {  	s25 =	smov.u32 s26;
	[tilespmem:s1+$0x80] =	vst v26  }
0x153: {  	_ = 	snop  }
.LBB2_14:
0x154: {  	_ =	sfence.sel $0x180000  }
0x155: {  	[bflag:$0x0] =	sbarrier.arrive $0xFFFF  }
0x156: {  	_ =	strace $0x90000047  }
0x157: {  	[bflag:$0x2] =	sbarrier.arrive $0xFFFF  }
0x158: {  	p0 =	sne.s32 s0, $0x0;
	s0 =	rddreg [dreg:$0x2]  }
0x159: {  	s0 =	sadd.s32 @!p0 $0x100000, s0  }
0x15a: {  	[sflag:s0] =	ssyncadd.tile.s32 @!p0 $0x1;
	_ =	shalt  }
.Lfunc_end2:
_tile_overlayer_lowered:
.L_overlay_start_2:
0x15b: {  	(tag) =	ssettag $0x2  }
0x15c: {  	s0 =	rddreg [dreg:$0x0];
	s2 =	stileid.u32  }
0x15d: {  	s1 =	rddreg [dreg:$0x1];
	p0 =	sne.s32 s2, $0x0  }
0x15e: {  	s3 =	rddreg [dreg:$0x2];
	[bflag:$0x3] =	sbarrier.arrive $0xFFFF;
	s2 =	simm.s32 @!p0 $0x1C05  }
0x15f: {  	[timem:s3], [sflag:s2] =	dma.local @!p0 [hbm:s0], s1  }
0x160: {  	s0 =	simm.s32 @!p0 $0x5  }
0x161: {  	_ =	swait.ge @!p0 [sflag:s0], s1  }
0x162: {  	s1 =	ssub.s32 @!p0 $0x0, s1;
	[sflag:s0] =	ssyncset.done @!p0 $0x0  }
0x163: {  	[sflag:s0] =	ssyncadd.s32 @!p0 s1  }
0x164: {  	[bflag:$0x3] =	sbarrier.arrive $0xFFFF  }
0x165: {  	_ =	shalt  }

</sc_bundles>
